<compile_context>
chip_gen: v7x
topology: tpu7x:2x2x1
jax: 0.10.2.dev20260603
libtpu: 0.0.44.dev20260713+nightly
codegen_flags: <defaults>
</compile_context>

<pallas_src>
import functools

import jax
import jax.numpy as jnp
from jax import lax
from jax.experimental import pallas as pl
from jax.experimental.pallas import tpu as pltpu
from jax.experimental.pallas import tpu_sc as plsc

BATCH = 16384
DIM = 64
MARGIN = 1.0

NW = 32
ROWS_PER_DMA = 128
PAIR = 2 * DIM

ENT_LOOKUPS = 4 * BATCH
REL_LOOKUPS = 2 * BATCH
ENT_PER_W = ENT_LOOKUPS // NW
REL_PER_W = REL_LOOKUPS // NW
ENT_DMAS = ENT_PER_W // ROWS_PER_DMA
REL_DMAS = REL_PER_W // ROWS_PER_DMA


def _sc_gather_body(ent_t, rel_t, eidx, ridx, ent_out, rel_out,
                    eidx_v, ridx_v, rows_v, sem_a, sem_b):
    wid = lax.axis_index("s") * 2 + lax.axis_index("c")
    pltpu.sync_copy(eidx.at[pl.ds(wid * ENT_DMAS, ENT_DMAS)], eidx_v)
    pltpu.sync_copy(ridx.at[pl.ds(wid * REL_DMAS, REL_DMAS)], ridx_v)

    sems = (sem_a, sem_b)

    def run(table, idx_v, out, n_dmas, out_base):
        pend = [None, None]
        pend[0] = pltpu.async_copy(table.at[idx_v.at[0]], rows_v.at[0], sems[0])
        for j in range(n_dmas):
            if j + 1 < n_dmas:
                b = (j + 1) % 2
                pend[b] = pltpu.async_copy(
                    table.at[idx_v.at[j + 1]], rows_v.at[b], sems[b])
            pend[j % 2].wait()
            pltpu.sync_copy(
                rows_v.at[j % 2],
                out.at[pl.ds(out_base + j * ROWS_PER_DMA, ROWS_PER_DMA)])

    run(ent_t, eidx_v, ent_out, ENT_DMAS, wid * ENT_PER_W)
    run(rel_t, ridx_v, rel_out, REL_DMAS, wid * REL_PER_W)


def _make_sc_gather():
    mesh = plsc.VectorSubcoreMesh(core_axis_name="c", subcore_axis_name="s")
    return functools.partial(
        pl.kernel, mesh=mesh,
        out_type=[
            jax.ShapeDtypeStruct((ENT_LOOKUPS, PAIR), jnp.float32),
            jax.ShapeDtypeStruct((REL_LOOKUPS, PAIR), jnp.float32),
        ],
        scratch_types=[
            pltpu.VMEM((ENT_DMAS, ROWS_PER_DMA), jnp.int32),
            pltpu.VMEM((REL_DMAS, ROWS_PER_DMA), jnp.int32),
            pltpu.VMEM((2, ROWS_PER_DMA, PAIR), jnp.float32),
            pltpu.SemaphoreType.DMA,
            pltpu.SemaphoreType.DMA,
        ],
    )(_sc_gather_body)


_sc_gather = _make_sc_gather()

CB = 2048
NBLK = BATCH // CB


def _score_body(ph, pt, pr, nh, nt, nr, par, out):
    k = pl.program_id(0)
    p = par[...]

    def half(pair_ref, col):
        rows = pair_ref[...]
        lo = rows[:, :DIM]
        hi = rows[:, DIM:]
        return jnp.where(p[:, col:col + 1] > 0, hi, lo)

    def score(h, t, r):
        hn = h / jnp.sqrt(jnp.sum(h * h, axis=1, keepdims=True))
        tn = t / jnp.sqrt(jnp.sum(t * t, axis=1, keepdims=True))
        diff = hn + r - tn
        return jnp.sqrt(jnp.sum(diff * diff, axis=1))

    ps = score(half(ph, 0), half(pt, 1), half(pr, 2))
    ns = score(half(nh, 3), half(nt, 4), half(nr, 5))
    part = jnp.sum(jnp.maximum(MARGIN + ps - ns, 0.0)).reshape(1, 1)
    prev = jnp.where(k == 0, jnp.zeros((1, 1), jnp.float32), out[...])
    total = prev + part
    out[...] = jnp.where(k == NBLK - 1, total / BATCH, total)


def _tc_score(ent_rows, rel_rows, parity):
    def blk(off):
        return pl.BlockSpec((CB, PAIR), lambda k, o=off: (k + o, 0))

    out = pl.pallas_call(
        _score_body,
        grid=(NBLK,),
        in_specs=[blk(0), blk(NBLK), blk(0), blk(2 * NBLK), blk(3 * NBLK),
                  blk(NBLK),
                  pl.BlockSpec((CB, 8), lambda k: (k, 0))],
        out_specs=pl.BlockSpec((1, 1), lambda k: (0, 0)),
        out_shape=jax.ShapeDtypeStruct((1, 1), jnp.float32),
    )(ent_rows, ent_rows, rel_rows, ent_rows, ent_rows, rel_rows, parity)
    return out.reshape(())


def kernel(pos_x, neg_x, ent_table, rel_table):
    ent_idx = jnp.concatenate(
        [pos_x[:, 0], pos_x[:, 1], neg_x[:, 0], neg_x[:, 1]])
    rel_idx = jnp.concatenate([pos_x[:, 2], neg_x[:, 2]])
    cols = [pos_x[:, 0], pos_x[:, 1], pos_x[:, 2],
            neg_x[:, 0], neg_x[:, 1], neg_x[:, 2],
            jnp.zeros((BATCH,), jnp.int32), jnp.zeros((BATCH,), jnp.int32)]
    parity = jnp.stack([c & 1 for c in cols], axis=1).astype(jnp.float32)

    ent_pair_idx = (ent_idx >> 1).reshape(ENT_LOOKUPS // ROWS_PER_DMA,
                                          ROWS_PER_DMA)
    rel_pair_idx = (rel_idx >> 1).reshape(REL_LOOKUPS // ROWS_PER_DMA,
                                          ROWS_PER_DMA)
    ent2 = ent_table.reshape(ent_table.shape[0] // 2, PAIR)
    rel2 = rel_table.reshape(rel_table.shape[0] // 2, PAIR)
    ent_rows, rel_rows = _sc_gather(ent2, rel2, ent_pair_idx, rel_pair_idx)
    return _tc_score(ent_rows, rel_rows, parity)

# --- scband reference (transcript-rebuilt; emitter-appended) ---
"""Pipeline reference for scband-trans-e-10866267259219 (READ-ONLY COPY).

The authoritative reference and input builder live on the scoring server;
editing this copy changes nothing except your own understanding.
"""

import jax, jax.numpy as jnp
import numpy as np
import math

N_ENT = 1000000
N_REL = 1000000
DIM = 64
BATCH = 16384
MARGIN = 1.0


def setup_inputs(seed: int = 0) -> dict:
    key = jax.random.key(seed)
    k1, k2, k3, k4 = jax.random.split(key, 4)
    bound = 6.0 / math.sqrt(DIM)
    ent_table = jax.random.uniform(k1, (N_ENT, DIM), minval=-bound, maxval=bound, dtype=jnp.float32)
    rel_table = jax.random.uniform(k2, (N_REL, DIM), minval=-bound, maxval=bound, dtype=jnp.float32)
    rel_table = rel_table / jnp.linalg.norm(rel_table, axis=1, keepdims=True)
    pos_x = jax.random.randint(k3, (BATCH, 3), 0, N_ENT, dtype=jnp.int32)
    neg_x = jax.random.randint(k4, (BATCH, 3), 0, N_ENT, dtype=jnp.int32)
    return {"pos_x": pos_x, "neg_x": neg_x, "ent_table": ent_table, "rel_table": rel_table}


def _score(ent_n, rel_table, heads_idx, tails_idx, rels_idx):
    heads = jnp.take(ent_n, heads_idx, axis=0)
    tails = jnp.take(ent_n, tails_idx, axis=0)
    rels = jnp.take(rel_table, rels_idx, axis=0)
    diff = heads + rels - tails
    # p=2 norm along last dim
    return jnp.sqrt(jnp.sum(diff * diff, axis=-1))


def reference(pos_x, neg_x, ent_table, rel_table):
    # constraint(): entity embeddings are L2-normalized before lookup
    ent_n = ent_table / jnp.linalg.norm(ent_table, axis=1, keepdims=True)
    pos_score = _score(ent_n, rel_table, pos_x[:, 0], pos_x[:, 1], pos_x[:, 2])
    neg_score = _score(ent_n, rel_table, neg_x[:, 0], neg_x[:, 1], neg_x[:, 2])
    loss = jnp.maximum(MARGIN + pos_score - neg_score, 0.0).mean()
    return loss

if __name__ == "__main__":
    import jax
    _d = setup_inputs()
    print(jax.jit(kernel)(*tuple(_d.values())))

</pallas_src>

<mosaic_0001>
#map = affine_map<(d0, d1) -> (0, 0)>
module attributes {stable_mosaic.version = 14 : i64} {
  func.func @_sc_gather_body(%arg0: i32, %arg1: i32, %arg2: memref<500000x128xf32, #tpu.memory_space<hbm>>, %arg3: memref<500000x128xf32, #tpu.memory_space<hbm>>, %arg4: memref<512x128xi32, #tpu.memory_space<hbm>>, %arg5: memref<256x128xi32, #tpu.memory_space<hbm>>, %arg6: memref<65536x128xf32, #tpu.memory_space<hbm>>, %arg7: memref<32768x128xf32, #tpu.memory_space<hbm>>, %arg8: memref<16x128xi32, #tpu.memory_space<vmem>>, %arg9: memref<8x128xi32, #tpu.memory_space<vmem>>, %arg10: memref<2x128x128xf32, #tpu.memory_space<vmem>>, %arg11: memref<!tpu.dma_semaphore, #tpu.memory_space<semaphore_mem>>, %arg12: memref<!tpu.dma_semaphore, #tpu.memory_space<semaphore_mem>>) attributes {dimension_semantics = [#tpu.dimension_semantics<core_parallel>, #tpu.dimension_semantics<subcore_parallel>], iteration_bounds = array<i64: 2, 16>, scalar_prefetch = 0 : i64, scratch_operands = 5 : i64, tpu.core_type = #tpu.core_type<sc_vector_subcore>, window_params = [{transform_indices = #map}, {transform_indices = #map}, {transform_indices = #map}, {transform_indices = #map}, {transform_indices = #map}, {transform_indices = #map}]} {
    %mul3A = arith.constant 2 : i32
    %mul3A_0 = arith.muli %arg1, %mul3A : i32
    %add3A = arith.addi %mul3A_0, %arg0 : i32
    %mul3A_1 = arith.constant 16 : i32
    %mul3A_2 = arith.muli %add3A, %mul3A_1 : i32
    "tpu.region"() ({
      %run_scoped3A_654 = tpu.sem_alloc : memref<!tpu.dma_semaphore, #tpu.memory_space<semaphore_mem>>
      %dma_start3A_655 = arith.constant 0 : i32
      %dma_start3A_656 = tpu.memref_slice %arg4[%mul3A_2, %dma_start3A_655] : memref<512x128xi32, #tpu.memory_space<hbm>> -> memref<16x128xi32, #tpu.memory_space<hbm>>
      %dma_start3A_657 = arith.constant 0 : i32
      %dma_start3A_658 = tpu.memref_slice %arg4[%mul3A_2, %dma_start3A_657] : memref<512x128xi32, #tpu.memory_space<hbm>> -> memref<16x128xi32, #tpu.memory_space<hbm>>
      tpu.enqueue_dma source(%dma_start3A_658 : memref<16x128xi32, #tpu.memory_space<hbm>>) target(%arg8 : memref<16x128xi32, #tpu.memory_space<vmem>>) target_semaphore(%run_scoped3A_654 : memref<!tpu.dma_semaphore, #tpu.memory_space<semaphore_mem>>)
      %dma_wait3A_659 = arith.constant 0 : i32
      %dma_wait3A_660 = tpu.memref_slice %arg4[%mul3A_2, %dma_wait3A_659] : memref<512x128xi32, #tpu.memory_space<hbm>> -> memref<16x128xi32, #tpu.memory_space<hbm>>
      %dma_wait3A_661 = arith.constant 0 : i32
      %dma_wait3A_662 = tpu.memref_slice %arg4[%mul3A_2, %dma_wait3A_661] : memref<512x128xi32, #tpu.memory_space<hbm>> -> memref<16x128xi32, #tpu.memory_space<hbm>>
      tpu.wait_dma2 semaphore(%run_scoped3A_654 : memref<!tpu.dma_semaphore, #tpu.memory_space<semaphore_mem>>) src(%dma_wait3A_662 : memref<16x128xi32, #tpu.memory_space<hbm>>) dst(%arg8 : memref<16x128xi32, #tpu.memory_space<vmem>>)
      tpu.yield
    }) : () -> ()
    %mul3A_3 = arith.constant 8 : i32
    %mul3A_4 = arith.muli %add3A, %mul3A_3 : i32
    "tpu.region"() ({
      %run_scoped3A_654 = tpu.sem_alloc : memref<!tpu.dma_semaphore, #tpu.memory_space<semaphore_mem>>
      %dma_start3A_655 = arith.constant 0 : i32
      %dma_start3A_656 = tpu.memref_slice %arg5[%mul3A_4, %dma_start3A_655] : memref<256x128xi32, #tpu.memory_space<hbm>> -> memref<8x128xi32, #tpu.memory_space<hbm>>
      %dma_start3A_657 = arith.constant 0 : i32
      %dma_start3A_658 = tpu.memref_slice %arg5[%mul3A_4, %dma_start3A_657] : memref<256x128xi32, #tpu.memory_space<hbm>> -> memref<8x128xi32, #tpu.memory_space<hbm>>
      tpu.enqueue_dma source(%dma_start3A_658 : memref<8x128xi32, #tpu.memory_space<hbm>>) target(%arg9 : memref<8x128xi32, #tpu.memory_space<vmem>>) target_semaphore(%run_scoped3A_654 : memref<!tpu.dma_semaphore, #tpu.memory_space<semaphore_mem>>)
      %dma_wait3A_659 = arith.constant 0 : i32
      %dma_wait3A_660 = tpu.memref_slice %arg5[%mul3A_4, %dma_wait3A_659] : memref<256x128xi32, #tpu.memory_space<hbm>> -> memref<8x128xi32, #tpu.memory_space<hbm>>
      %dma_wait3A_661 = arith.constant 0 : i32
      %dma_wait3A_662 = tpu.memref_slice %arg5[%mul3A_4, %dma_wait3A_661] : memref<256x128xi32, #tpu.memory_space<hbm>> -> memref<8x128xi32, #tpu.memory_space<hbm>>
      tpu.wait_dma2 semaphore(%run_scoped3A_654 : memref<!tpu.dma_semaphore, #tpu.memory_space<semaphore_mem>>) src(%dma_wait3A_662 : memref<8x128xi32, #tpu.memory_space<hbm>>) dst(%arg9 : memref<8x128xi32, #tpu.memory_space<vmem>>)
      tpu.yield
    }) : () -> ()
    %mul3A_5 = arith.constant 2048 : i32
    %mul3A_6 = arith.muli %add3A, %mul3A_5 : i32
    %dma_start3A = arith.constant 0 : i32
    %dma_start3A_7 = arith.constant 0 : i32
    %dma_start3A_8 = arith.constant 0 : i32
    %dma_start3A_9 = arith.constant 0 : i32
    %dma_start3A_10 = tpu.memref_slice %arg10[%dma_start3A_7, %dma_start3A_8, %dma_start3A_9] : memref<2x128x128xf32, #tpu.memory_space<vmem>> -> memref<1x128x128xf32, #tpu.memory_space<vmem>>
    %dma_start3A_11 = tpu.memref_squeeze %dma_start3A_10 : memref<1x128x128xf32, #tpu.memory_space<vmem>> -> memref<128x128xf32, #tpu.memory_space<vmem>>
    %dma_start3A_12 = arith.constant 0 : i32
    %dma_start3A_13 = tpu.memref_slice %arg8[%dma_start3A, %dma_start3A_12] : memref<16x128xi32, #tpu.memory_space<vmem>> -> memref<1x128xi32, #tpu.memory_space<vmem>>
    %dma_start3A_14 = tpu.memref_squeeze %dma_start3A_13 : memref<1x128xi32, #tpu.memory_space<vmem>> -> memref<128xi32, #tpu.memory_space<vmem>>
    %dma_start3A_15 = arith.constant 0 : i32
    %dma_start3A_16 = arith.constant 0 : i32
    %dma_start3A_17 = tpu.memref_slice %arg2[%dma_start3A_15, %dma_start3A_16] : memref<500000x128xf32, #tpu.memory_space<hbm>> -> memref<500000x128xf32, #tpu.memory_space<hbm>>
    tpu.enqueue_indirect_dma source(%dma_start3A_17 : memref<500000x128xf32, #tpu.memory_space<hbm>>) target(%dma_start3A_11 : memref<128x128xf32, #tpu.memory_space<vmem>>) offsets(%dma_start3A_14 : memref<128xi32, #tpu.memory_space<vmem>>) semaphore(%arg11 : memref<!tpu.dma_semaphore, #tpu.memory_space<semaphore_mem>>)
    %dma_start3A_18 = arith.constant 1 : i32
    %dma_start3A_19 = arith.constant 1 : i32
    %dma_start3A_20 = arith.constant 0 : i32
    %dma_start3A_21 = arith.constant 0 : i32
    %dma_start3A_22 = tpu.memref_slice %arg10[%dma_start3A_19, %dma_start3A_20, %dma_start3A_21] : memref<2x128x128xf32, #tpu.memory_space<vmem>> -> memref<1x128x128xf32, #tpu.memory_space<vmem>>
    %dma_start3A_23 = tpu.memref_squeeze %dma_start3A_22 : memref<1x128x128xf32, #tpu.memory_space<vmem>> -> memref<128x128xf32, #tpu.memory_space<vmem>>
    %dma_start3A_24 = arith.constant 0 : i32
    %dma_start3A_25 = tpu.memref_slice %arg8[%dma_start3A_18, %dma_start3A_24] : memref<16x128xi32, #tpu.memory_space<vmem>> -> memref<1x128xi32, #tpu.memory_space<vmem>>
    %dma_start3A_26 = tpu.memref_squeeze %dma_start3A_25 : memref<1x128xi32, #tpu.memory_space<vmem>> -> memref<128xi32, #tpu.memory_space<vmem>>
    %dma_start3A_27 = arith.constant 0 : i32
    %dma_start3A_28 = arith.constant 0 : i32
    %dma_start3A_29 = tpu.memref_slice %arg2[%dma_start3A_27, %dma_start3A_28] : memref<500000x128xf32, #tpu.memory_space<hbm>> -> memref<500000x128xf32, #tpu.memory_space<hbm>>
    tpu.enqueue_indirect_dma source(%dma_start3A_29 : memref<500000x128xf32, #tpu.memory_space<hbm>>) target(%dma_start3A_23 : memref<128x128xf32, #tpu.memory_space<vmem>>) offsets(%dma_start3A_26 : memref<128xi32, #tpu.memory_space<vmem>>) semaphore(%arg12 : memref<!tpu.dma_semaphore, #tpu.memory_space<semaphore_mem>>)
    %dma_wait3A = arith.constant 0 : i32
    %dma_wait3A_30 = arith.constant 0 : i32
    %dma_wait3A_31 = arith.constant 0 : i32
    %dma_wait3A_32 = arith.constant 0 : i32
    %dma_wait3A_33 = tpu.memref_slice %arg10[%dma_wait3A_30, %dma_wait3A_31, %dma_wait3A_32] : memref<2x128x128xf32, #tpu.memory_space<vmem>> -> memref<1x128x128xf32, #tpu.memory_space<vmem>>
    %dma_wait3A_34 = tpu.memref_squeeze %dma_wait3A_33 : memref<1x128x128xf32, #tpu.memory_space<vmem>> -> memref<128x128xf32, #tpu.memory_space<vmem>>
    %dma_wait3A_35 = arith.constant 0 : i32
    %dma_wait3A_36 = tpu.memref_slice %arg8[%dma_wait3A, %dma_wait3A_35] : memref<16x128xi32, #tpu.memory_space<vmem>> -> memref<1x128xi32, #tpu.memory_space<vmem>>
    %dma_wait3A_37 = tpu.memref_squeeze %dma_wait3A_36 : memref<1x128xi32, #tpu.memory_space<vmem>> -> memref<128xi32, #tpu.memory_space<vmem>>
    %dma_wait3A_38 = arith.constant 0 : i32
    %dma_wait3A_39 = arith.constant 0 : i32
    %dma_wait3A_40 = tpu.memref_slice %arg2[%dma_wait3A_38, %dma_wait3A_39] : memref<500000x128xf32, #tpu.memory_space<hbm>> -> memref<500000x128xf32, #tpu.memory_space<hbm>>
    tpu.wait_indirect_dma semaphore(%arg11 : memref<!tpu.dma_semaphore, #tpu.memory_space<semaphore_mem>>) src(%dma_wait3A_40 : memref<500000x128xf32, #tpu.memory_space<hbm>>) dst(%dma_wait3A_34 : memref<128x128xf32, #tpu.memory_space<vmem>>)
    %add3A_41 = arith.constant 0 : i32
    %add3A_42 = arith.addi %mul3A_6, %add3A_41 : i32
    %run_scoped3A = arith.constant 0 : i32
    "tpu.region"() ({
      %run_scoped3A_654 = tpu.sem_alloc : memref<!tpu.dma_semaphore, #tpu.memory_space<semaphore_mem>>
      %dma_start3A_655 = arith.constant 0 : i32
      %dma_start3A_656 = arith.constant 0 : i32
      %dma_start3A_657 = tpu.memref_slice %arg10[%run_scoped3A, %dma_start3A_655, %dma_start3A_656] : memref<2x128x128xf32, #tpu.memory_space<vmem>> -> memref<1x128x128xf32, #tpu.memory_space<vmem>>
      %dma_start3A_658 = tpu.memref_squeeze %dma_start3A_657 : memref<1x128x128xf32, #tpu.memory_space<vmem>> -> memref<128x128xf32, #tpu.memory_space<vmem>>
      %dma_start3A_659 = arith.constant 0 : i32
      %dma_start3A_660 = tpu.memref_slice %arg6[%add3A_42, %dma_start3A_659] : memref<65536x128xf32, #tpu.memory_space<hbm>> -> memref<128x128xf32, #tpu.memory_space<hbm>>
      %dma_start3A_661 = arith.constant 0 : i32
      %dma_start3A_662 = tpu.memref_slice %arg6[%add3A_42, %dma_start3A_661] : memref<65536x128xf32, #tpu.memory_space<hbm>> -> memref<128x128xf32, #tpu.memory_space<hbm>>
      %dma_start3A_663 = arith.constant 0 : i32
      %dma_start3A_664 = arith.constant 0 : i32
      %dma_start3A_665 = tpu.memref_slice %arg10[%run_scoped3A, %dma_start3A_663, %dma_start3A_664] : memref<2x128x128xf32, #tpu.memory_space<vmem>> -> memref<1x128x128xf32, #tpu.memory_space<vmem>>
      %dma_start3A_666 = tpu.memref_squeeze %dma_start3A_665 : memref<1x128x128xf32, #tpu.memory_space<vmem>> -> memref<128x128xf32, #tpu.memory_space<vmem>>
      tpu.enqueue_dma source(%dma_start3A_666 : memref<128x128xf32, #tpu.memory_space<vmem>>) target(%dma_start3A_662 : memref<128x128xf32, #tpu.memory_space<hbm>>) target_semaphore(%run_scoped3A_654 : memref<!tpu.dma_semaphore, #tpu.memory_space<semaphore_mem>>)
      %dma_wait3A_667 = arith.constant 0 : i32
      %dma_wait3A_668 = arith.constant 0 : i32
      %dma_wait3A_669 = tpu.memref_slice %arg10[%run_scoped3A, %dma_wait3A_667, %dma_wait3A_668] : memref<2x128x128xf32, #tpu.memory_space<vmem>> -> memref<1x128x128xf32, #tpu.memory_space<vmem>>
      %dma_wait3A_670 = tpu.memref_squeeze %dma_wait3A_669 : memref<1x128x128xf32, #tpu.memory_space<vmem>> -> memref<128x128xf32, #tpu.memory_space<vmem>>
      %dma_wait3A_671 = arith.constant 0 : i32
      %dma_wait3A_672 = tpu.memref_slice %arg6[%add3A_42, %dma_wait3A_671] : memref<65536x128xf32, #tpu.memory_space<hbm>> -> memref<128x128xf32, #tpu.memory_space<hbm>>
      %dma_wait3A_673 = arith.constant 0 : i32
      %dma_wait3A_674 = tpu.memref_slice %arg6[%add3A_42, %dma_wait3A_673] : memref<65536x128xf32, #tpu.memory_space<hbm>> -> memref<128x128xf32, #tpu.memory_space<hbm>>
      %dma_wait3A_675 = arith.constant 0 : i32
      %dma_wait3A_676 = arith.constant 0 : i32
      %dma_wait3A_677 = tpu.memref_slice %arg10[%run_scoped3A, %dma_wait3A_675, %dma_wait3A_676] : memref<2x128x128xf32, #tpu.memory_space<vmem>> -> memref<1x128x128xf32, #tpu.memory_space<vmem>>
      %dma_wait3A_678 = tpu.memref_squeeze %dma_wait3A_677 : memref<1x128x128xf32, #tpu.memory_space<vmem>> -> memref<128x128xf32, #tpu.memory_space<vmem>>
      tpu.wait_dma2 semaphore(%run_scoped3A_654 : memref<!tpu.dma_semaphore, #tpu.memory_space<semaphore_mem>>) src(%dma_wait3A_678 : memref<128x128xf32, #tpu.memory_space<vmem>>) dst(%dma_wait3A_674 : memref<128x128xf32, #tpu.memory_space<hbm>>)
      tpu.yield
    }) : () -> ()
    %dma_start3A_43 = arith.constant 2 : i32
    %dma_start3A_44 = arith.constant 0 : i32
    %dma_start3A_45 = arith.constant 0 : i32
    %dma_start3A_46 = arith.constant 0 : i32
    %dma_start3A_47 = tpu.memref_slice %arg10[%dma_start3A_44, %dma_start3A_45, %dma_start3A_46] : memref<2x128x128xf32, #tpu.memory_space<vmem>> -> memref<1x128x128xf32, #tpu.memory_space<vmem>>
    %dma_start3A_48 = tpu.memref_squeeze %dma_start3A_47 : memref<1x128x128xf32, #tpu.memory_space<vmem>> -> memref<128x128xf32, #tpu.memory_space<vmem>>
    %dma_start3A_49 = arith.constant 0 : i32
    %dma_start3A_50 = tpu.memref_slice %arg8[%dma_start3A_43, %dma_start3A_49] : memref<16x128xi32, #tpu.memory_space<vmem>> -> memref<1x128xi32, #tpu.memory_space<vmem>>
    %dma_start3A_51 = tpu.memref_squeeze %dma_start3A_50 : memref<1x128xi32, #tpu.memory_space<vmem>> -> memref<128xi32, #tpu.memory_space<vmem>>
    %dma_start3A_52 = arith.constant 0 : i32
    %dma_start3A_53 = arith.constant 0 : i32
    %dma_start3A_54 = tpu.memref_slice %arg2[%dma_start3A_52, %dma_start3A_53] : memref<500000x128xf32, #tpu.memory_space<hbm>> -> memref<500000x128xf32, #tpu.memory_space<hbm>>
    tpu.enqueue_indirect_dma source(%dma_start3A_54 : memref<500000x128xf32, #tpu.memory_space<hbm>>) target(%dma_start3A_48 : memref<128x128xf32, #tpu.memory_space<vmem>>) offsets(%dma_start3A_51 : memref<128xi32, #tpu.memory_space<vmem>>) semaphore(%arg11 : memref<!tpu.dma_semaphore, #tpu.memory_space<semaphore_mem>>)
    %dma_wait3A_55 = arith.constant 1 : i32
    %dma_wait3A_56 = arith.constant 1 : i32
    %dma_wait3A_57 = arith.constant 0 : i32
    %dma_wait3A_58 = arith.constant 0 : i32
    %dma_wait3A_59 = tpu.memref_slice %arg10[%dma_wait3A_56, %dma_wait3A_57, %dma_wait3A_58] : memref<2x128x128xf32, #tpu.memory_space<vmem>> -> memref<1x128x128xf32, #tpu.memory_space<vmem>>
    %dma_wait3A_60 = tpu.memref_squeeze %dma_wait3A_59 : memref<1x128x128xf32, #tpu.memory_space<vmem>> -> memref<128x128xf32, #tpu.memory_space<vmem>>
    %dma_wait3A_61 = arith.constant 0 : i32
    %dma_wait3A_62 = tpu.memref_slice %arg8[%dma_wait3A_55, %dma_wait3A_61] : memref<16x128xi32, #tpu.memory_space<vmem>> -> memref<1x128xi32, #tpu.memory_space<vmem>>
    %dma_wait3A_63 = tpu.memref_squeeze %dma_wait3A_62 : memref<1x128xi32, #tpu.memory_space<vmem>> -> memref<128xi32, #tpu.memory_space<vmem>>
    %dma_wait3A_64 = arith.constant 0 : i32
    %dma_wait3A_65 = arith.constant 0 : i32
    %dma_wait3A_66 = tpu.memref_slice %arg2[%dma_wait3A_64, %dma_wait3A_65] : memref<500000x128xf32, #tpu.memory_space<hbm>> -> memref<500000x128xf32, #tpu.memory_space<hbm>>
    tpu.wait_indirect_dma semaphore(%arg12 : memref<!tpu.dma_semaphore, #tpu.memory_space<semaphore_mem>>) src(%dma_wait3A_66 : memref<500000x128xf32, #tpu.memory_space<hbm>>) dst(%dma_wait3A_60 : memref<128x128xf32, #tpu.memory_space<vmem>>)
    %add3A_67 = arith.constant 128 : i32
    %add3A_68 = arith.addi %mul3A_6, %add3A_67 : i32
    %run_scoped3A_69 = arith.constant 1 : i32
    "tpu.region"() ({
      %run_scoped3A_654 = tpu.sem_alloc : memref<!tpu.dma_semaphore, #tpu.memory_space<semaphore_mem>>
      %dma_start3A_655 = arith.constant 0 : i32
      %dma_start3A_656 = arith.constant 0 : i32
      %dma_start3A_657 = tpu.memref_slice %arg10[%run_scoped3A_69, %dma_start3A_655, %dma_start3A_656] : memref<2x128x128xf32, #tpu.memory_space<vmem>> -> memref<1x128x128xf32, #tpu.memory_space<vmem>>
      %dma_start3A_658 = tpu.memref_squeeze %dma_start3A_657 : memref<1x128x128xf32, #tpu.memory_space<vmem>> -> memref<128x128xf32, #tpu.memory_space<vmem>>
      %dma_start3A_659 = arith.constant 0 : i32
      %dma_start3A_660 = tpu.memref_slice %arg6[%add3A_68, %dma_start3A_659] : memref<65536x128xf32, #tpu.memory_space<hbm>> -> memref<128x128xf32, #tpu.memory_space<hbm>>
      %dma_start3A_661 = arith.constant 0 : i32
      %dma_start3A_662 = tpu.memref_slice %arg6[%add3A_68, %dma_start3A_661] : memref<65536x128xf32, #tpu.memory_space<hbm>> -> memref<128x128xf32, #tpu.memory_space<hbm>>
      %dma_start3A_663 = arith.constant 0 : i32
      %dma_start3A_664 = arith.constant 0 : i32
      %dma_start3A_665 = tpu.memref_slice %arg10[%run_scoped3A_69, %dma_start3A_663, %dma_start3A_664] : memref<2x128x128xf32, #tpu.memory_space<vmem>> -> memref<1x128x128xf32, #tpu.memory_space<vmem>>
      %dma_start3A_666 = tpu.memref_squeeze %dma_start3A_665 : memref<1x128x128xf32, #tpu.memory_space<vmem>> -> memref<128x128xf32, #tpu.memory_space<vmem>>
      tpu.enqueue_dma source(%dma_start3A_666 : memref<128x128xf32, #tpu.memory_space<vmem>>) target(%dma_start3A_662 : memref<128x128xf32, #tpu.memory_space<hbm>>) target_semaphore(%run_scoped3A_654 : memref<!tpu.dma_semaphore, #tpu.memory_space<semaphore_mem>>)
      %dma_wait3A_667 = arith.constant 0 : i32
      %dma_wait3A_668 = arith.constant 0 : i32
      %dma_wait3A_669 = tpu.memref_slice %arg10[%run_scoped3A_69, %dma_wait3A_667, %dma_wait3A_668] : memref<2x128x128xf32, #tpu.memory_space<vmem>> -> memref<1x128x128xf32, #tpu.memory_space<vmem>>
      %dma_wait3A_670 = tpu.memref_squeeze %dma_wait3A_669 : memref<1x128x128xf32, #tpu.memory_space<vmem>> -> memref<128x128xf32, #tpu.memory_space<vmem>>
      %dma_wait3A_671 = arith.constant 0 : i32
      %dma_wait3A_672 = tpu.memref_slice %arg6[%add3A_68, %dma_wait3A_671] : memref<65536x128xf32, #tpu.memory_space<hbm>> -> memref<128x128xf32, #tpu.memory_space<hbm>>
      %dma_wait3A_673 = arith.constant 0 : i32
      %dma_wait3A_674 = tpu.memref_slice %arg6[%add3A_68, %dma_wait3A_673] : memref<65536x128xf32, #tpu.memory_space<hbm>> -> memref<128x128xf32, #tpu.memory_space<hbm>>
      %dma_wait3A_675 = arith.constant 0 : i32
      %dma_wait3A_676 = arith.constant 0 : i32
      %dma_wait3A_677 = tpu.memref_slice %arg10[%run_scoped3A_69, %dma_wait3A_675, %dma_wait3A_676] : memref<2x128x128xf32, #tpu.memory_space<vmem>> -> memref<1x128x128xf32, #tpu.memory_space<vmem>>
      %dma_wait3A_678 = tpu.memref_squeeze %dma_wait3A_677 : memref<1x128x128xf32, #tpu.memory_space<vmem>> -> memref<128x128xf32, #tpu.memory_space<vmem>>
      tpu.wait_dma2 semaphore(%run_scoped3A_654 : memref<!tpu.dma_semaphore, #tpu.memory_space<semaphore_mem>>) src(%dma_wait3A_678 : memref<128x128xf32, #tpu.memory_space<vmem>>) dst(%dma_wait3A_674 : memref<128x128xf32, #tpu.memory_space<hbm>>)
      tpu.yield
    }) : () -> ()
    %dma_start3A_70 = arith.constant 3 : i32
    %dma_start3A_71 = arith.constant 1 : i32
    %dma_start3A_72 = arith.constant 0 : i32
    %dma_start3A_73 = arith.constant 0 : i32
    %dma_start3A_74 = tpu.memref_slice %arg10[%dma_start3A_71, %dma_start3A_72, %dma_start3A_73] : memref<2x128x128xf32, #tpu.memory_space<vmem>> -> memref<1x128x128xf32, #tpu.memory_space<vmem>>
    %dma_start3A_75 = tpu.memref_squeeze %dma_start3A_74 : memref<1x128x128xf32, #tpu.memory_space<vmem>> -> memref<128x128xf32, #tpu.memory_space<vmem>>
    %dma_start3A_76 = arith.constant 0 : i32
    %dma_start3A_77 = tpu.memref_slice %arg8[%dma_start3A_70, %dma_start3A_76] : memref<16x128xi32, #tpu.memory_space<vmem>> -> memref<1x128xi32, #tpu.memory_space<vmem>>
    %dma_start3A_78 = tpu.memref_squeeze %dma_start3A_77 : memref<1x128xi32, #tpu.memory_space<vmem>> -> memref<128xi32, #tpu.memory_space<vmem>>
    %dma_start3A_79 = arith.constant 0 : i32
    %dma_start3A_80 = arith.constant 0 : i32
    %dma_start3A_81 = tpu.memref_slice %arg2[%dma_start3A_79, %dma_start3A_80] : memref<500000x128xf32, #tpu.memory_space<hbm>> -> memref<500000x128xf32, #tpu.memory_space<hbm>>
    tpu.enqueue_indirect_dma source(%dma_start3A_81 : memref<500000x128xf32, #tpu.memory_space<hbm>>) target(%dma_start3A_75 : memref<128x128xf32, #tpu.memory_space<vmem>>) offsets(%dma_start3A_78 : memref<128xi32, #tpu.memory_space<vmem>>) semaphore(%arg12 : memref<!tpu.dma_semaphore, #tpu.memory_space<semaphore_mem>>)
    %dma_wait3A_82 = arith.constant 2 : i32
    %dma_wait3A_83 = arith.constant 0 : i32
    %dma_wait3A_84 = arith.constant 0 : i32
    %dma_wait3A_85 = arith.constant 0 : i32
    %dma_wait3A_86 = tpu.memref_slice %arg10[%dma_wait3A_83, %dma_wait3A_84, %dma_wait3A_85] : memref<2x128x128xf32, #tpu.memory_space<vmem>> -> memref<1x128x128xf32, #tpu.memory_space<vmem>>
    %dma_wait3A_87 = tpu.memref_squeeze %dma_wait3A_86 : memref<1x128x128xf32, #tpu.memory_space<vmem>> -> memref<128x128xf32, #tpu.memory_space<vmem>>
    %dma_wait3A_88 = arith.constant 0 : i32
    %dma_wait3A_89 = tpu.memref_slice %arg8[%dma_wait3A_82, %dma_wait3A_88] : memref<16x128xi32, #tpu.memory_space<vmem>> -> memref<1x128xi32, #tpu.memory_space<vmem>>
    %dma_wait3A_90 = tpu.memref_squeeze %dma_wait3A_89 : memref<1x128xi32, #tpu.memory_space<vmem>> -> memref<128xi32, #tpu.memory_space<vmem>>
    %dma_wait3A_91 = arith.constant 0 : i32
    %dma_wait3A_92 = arith.constant 0 : i32
    %dma_wait3A_93 = tpu.memref_slice %arg2[%dma_wait3A_91, %dma_wait3A_92] : memref<500000x128xf32, #tpu.memory_space<hbm>> -> memref<500000x128xf32, #tpu.memory_space<hbm>>
    tpu.wait_indirect_dma semaphore(%arg11 : memref<!tpu.dma_semaphore, #tpu.memory_space<semaphore_mem>>) src(%dma_wait3A_93 : memref<500000x128xf32, #tpu.memory_space<hbm>>) dst(%dma_wait3A_87 : memref<128x128xf32, #tpu.memory_space<vmem>>)
    %add3A_94 = arith.constant 256 : i32
    %add3A_95 = arith.addi %mul3A_6, %add3A_94 : i32
    %run_scoped3A_96 = arith.constant 0 : i32
    "tpu.region"() ({
      %run_scoped3A_654 = tpu.sem_alloc : memref<!tpu.dma_semaphore, #tpu.memory_space<semaphore_mem>>
      %dma_start3A_655 = arith.constant 0 : i32
      %dma_start3A_656 = arith.constant 0 : i32
      %dma_start3A_657 = tpu.memref_slice %arg10[%run_scoped3A_96, %dma_start3A_655, %dma_start3A_656] : memref<2x128x128xf32, #tpu.memory_space<vmem>> -> memref<1x128x128xf32, #tpu.memory_space<vmem>>
      %dma_start3A_658 = tpu.memref_squeeze %dma_start3A_657 : memref<1x128x128xf32, #tpu.memory_space<vmem>> -> memref<128x128xf32, #tpu.memory_space<vmem>>
      %dma_start3A_659 = arith.constant 0 : i32
      %dma_start3A_660 = tpu.memref_slice %arg6[%add3A_95, %dma_start3A_659] : memref<65536x128xf32, #tpu.memory_space<hbm>> -> memref<128x128xf32, #tpu.memory_space<hbm>>
      %dma_start3A_661 = arith.constant 0 : i32
      %dma_start3A_662 = tpu.memref_slice %arg6[%add3A_95, %dma_start3A_661] : memref<65536x128xf32, #tpu.memory_space<hbm>> -> memref<128x128xf32, #tpu.memory_space<hbm>>
      %dma_start3A_663 = arith.constant 0 : i32
      %dma_start3A_664 = arith.constant 0 : i32
      %dma_start3A_665 = tpu.memref_slice %arg10[%run_scoped3A_96, %dma_start3A_663, %dma_start3A_664] : memref<2x128x128xf32, #tpu.memory_space<vmem>> -> memref<1x128x128xf32, #tpu.memory_space<vmem>>
      %dma_start3A_666 = tpu.memref_squeeze %dma_start3A_665 : memref<1x128x128xf32, #tpu.memory_space<vmem>> -> memref<128x128xf32, #tpu.memory_space<vmem>>
      tpu.enqueue_dma source(%dma_start3A_666 : memref<128x128xf32, #tpu.memory_space<vmem>>) target(%dma_start3A_662 : memref<128x128xf32, #tpu.memory_space<hbm>>) target_semaphore(%run_scoped3A_654 : memref<!tpu.dma_semaphore, #tpu.memory_space<semaphore_mem>>)
      %dma_wait3A_667 = arith.constant 0 : i32
      %dma_wait3A_668 = arith.constant 0 : i32
      %dma_wait3A_669 = tpu.memref_slice %arg10[%run_scoped3A_96, %dma_wait3A_667, %dma_wait3A_668] : memref<2x128x128xf32, #tpu.memory_space<vmem>> -> memref<1x128x128xf32, #tpu.memory_space<vmem>>
      %dma_wait3A_670 = tpu.memref_squeeze %dma_wait3A_669 : memref<1x128x128xf32, #tpu.memory_space<vmem>> -> memref<128x128xf32, #tpu.memory_space<vmem>>
      %dma_wait3A_671 = arith.constant 0 : i32
      %dma_wait3A_672 = tpu.memref_slice %arg6[%add3A_95, %dma_wait3A_671] : memref<65536x128xf32, #tpu.memory_space<hbm>> -> memref<128x128xf32, #tpu.memory_space<hbm>>
      %dma_wait3A_673 = arith.constant 0 : i32
      %dma_wait3A_674 = tpu.memref_slice %arg6[%add3A_95, %dma_wait3A_673] : memref<65536x128xf32, #tpu.memory_space<hbm>> -> memref<128x128xf32, #tpu.memory_space<hbm>>
      %dma_wait3A_675 = arith.constant 0 : i32
      %dma_wait3A_676 = arith.constant 0 : i32
      %dma_wait3A_677 = tpu.memref_slice %arg10[%run_scoped3A_96, %dma_wait3A_675, %dma_wait3A_676] : memref<2x128x128xf32, #tpu.memory_space<vmem>> -> memref<1x128x128xf32, #tpu.memory_space<vmem>>
      %dma_wait3A_678 = tpu.memref_squeeze %dma_wait3A_677 : memref<1x128x128xf32, #tpu.memory_space<vmem>> -> memref<128x128xf32, #tpu.memory_space<vmem>>
      tpu.wait_dma2 semaphore(%run_scoped3A_654 : memref<!tpu.dma_semaphore, #tpu.memory_space<semaphore_mem>>) src(%dma_wait3A_678 : memref<128x128xf32, #tpu.memory_space<vmem>>) dst(%dma_wait3A_674 : memref<128x128xf32, #tpu.memory_space<hbm>>)
      tpu.yield
    }) : () -> ()
    %dma_start3A_97 = arith.constant 4 : i32
    %dma_start3A_98 = arith.constant 0 : i32
    %dma_start3A_99 = arith.constant 0 : i32
    %dma_start3A_100 = arith.constant 0 : i32
    %dma_start3A_101 = tpu.memref_slice %arg10[%dma_start3A_98, %dma_start3A_99, %dma_start3A_100] : memref<2x128x128xf32, #tpu.memory_space<vmem>> -> memref<1x128x128xf32, #tpu.memory_space<vmem>>
    %dma_start3A_102 = tpu.memref_squeeze %dma_start3A_101 : memref<1x128x128xf32, #tpu.memory_space<vmem>> -> memref<128x128xf32, #tpu.memory_space<vmem>>
    %dma_start3A_103 = arith.constant 0 : i32
    %dma_start3A_104 = tpu.memref_slice %arg8[%dma_start3A_97, %dma_start3A_103] : memref<16x128xi32, #tpu.memory_space<vmem>> -> memref<1x128xi32, #tpu.memory_space<vmem>>
    %dma_start3A_105 = tpu.memref_squeeze %dma_start3A_104 : memref<1x128xi32, #tpu.memory_space<vmem>> -> memref<128xi32, #tpu.memory_space<vmem>>
    %dma_start3A_106 = arith.constant 0 : i32
    %dma_start3A_107 = arith.constant 0 : i32
    %dma_start3A_108 = tpu.memref_slice %arg2[%dma_start3A_106, %dma_start3A_107] : memref<500000x128xf32, #tpu.memory_space<hbm>> -> memref<500000x128xf32, #tpu.memory_space<hbm>>
    tpu.enqueue_indirect_dma source(%dma_start3A_108 : memref<500000x128xf32, #tpu.memory_space<hbm>>) target(%dma_start3A_102 : memref<128x128xf32, #tpu.memory_space<vmem>>) offsets(%dma_start3A_105 : memref<128xi32, #tpu.memory_space<vmem>>) semaphore(%arg11 : memref<!tpu.dma_semaphore, #tpu.memory_space<semaphore_mem>>)
    %dma_wait3A_109 = arith.constant 3 : i32
    %dma_wait3A_110 = arith.constant 1 : i32
    %dma_wait3A_111 = arith.constant 0 : i32
    %dma_wait3A_112 = arith.constant 0 : i32
    %dma_wait3A_113 = tpu.memref_slice %arg10[%dma_wait3A_110, %dma_wait3A_111, %dma_wait3A_112] : memref<2x128x128xf32, #tpu.memory_space<vmem>> -> memref<1x128x128xf32, #tpu.memory_space<vmem>>
    %dma_wait3A_114 = tpu.memref_squeeze %dma_wait3A_113 : memref<1x128x128xf32, #tpu.memory_space<vmem>> -> memref<128x128xf32, #tpu.memory_space<vmem>>
    %dma_wait3A_115 = arith.constant 0 : i32
    %dma_wait3A_116 = tpu.memref_slice %arg8[%dma_wait3A_109, %dma_wait3A_115] : memref<16x128xi32, #tpu.memory_space<vmem>> -> memref<1x128xi32, #tpu.memory_space<vmem>>
    %dma_wait3A_117 = tpu.memref_squeeze %dma_wait3A_116 : memref<1x128xi32, #tpu.memory_space<vmem>> -> memref<128xi32, #tpu.memory_space<vmem>>
    %dma_wait3A_118 = arith.constant 0 : i32
    %dma_wait3A_119 = arith.constant 0 : i32
    %dma_wait3A_120 = tpu.memref_slice %arg2[%dma_wait3A_118, %dma_wait3A_119] : memref<500000x128xf32, #tpu.memory_space<hbm>> -> memref<500000x128xf32, #tpu.memory_space<hbm>>
    tpu.wait_indirect_dma semaphore(%arg12 : memref<!tpu.dma_semaphore, #tpu.memory_space<semaphore_mem>>) src(%dma_wait3A_120 : memref<500000x128xf32, #tpu.memory_space<hbm>>) dst(%dma_wait3A_114 : memref<128x128xf32, #tpu.memory_space<vmem>>)
    %add3A_121 = arith.constant 384 : i32
    %add3A_122 = arith.addi %mul3A_6, %add3A_121 : i32
    %run_scoped3A_123 = arith.constant 1 : i32
    "tpu.region"() ({
      %run_scoped3A_654 = tpu.sem_alloc : memref<!tpu.dma_semaphore, #tpu.memory_space<semaphore_mem>>
      %dma_start3A_655 = arith.constant 0 : i32
      %dma_start3A_656 = arith.constant 0 : i32
      %dma_start3A_657 = tpu.memref_slice %arg10[%run_scoped3A_123, %dma_start3A_655, %dma_start3A_656] : memref<2x128x128xf32, #tpu.memory_space<vmem>> -> memref<1x128x128xf32, #tpu.memory_space<vmem>>
      %dma_start3A_658 = tpu.memref_squeeze %dma_start3A_657 : memref<1x128x128xf32, #tpu.memory_space<vmem>> -> memref<128x128xf32, #tpu.memory_space<vmem>>
      %dma_start3A_659 = arith.constant 0 : i32
      %dma_start3A_660 = tpu.memref_slice %arg6[%add3A_122, %dma_start3A_659] : memref<65536x128xf32, #tpu.memory_space<hbm>> -> memref<128x128xf32, #tpu.memory_space<hbm>>
      %dma_start3A_661 = arith.constant 0 : i32
      %dma_start3A_662 = tpu.memref_slice %arg6[%add3A_122, %dma_start3A_661] : memref<65536x128xf32, #tpu.memory_space<hbm>> -> memref<128x128xf32, #tpu.memory_space<hbm>>
      %dma_start3A_663 = arith.constant 0 : i32
      %dma_start3A_664 = arith.constant 0 : i32
      %dma_start3A_665 = tpu.memref_slice %arg10[%run_scoped3A_123, %dma_start3A_663, %dma_start3A_664] : memref<2x128x128xf32, #tpu.memory_space<vmem>> -> memref<1x128x128xf32, #tpu.memory_space<vmem>>
      %dma_start3A_666 = tpu.memref_squeeze %dma_start3A_665 : memref<1x128x128xf32, #tpu.memory_space<vmem>> -> memref<128x128xf32, #tpu.memory_space<vmem>>
      tpu.enqueue_dma source(%dma_start3A_666 : memref<128x128xf32, #tpu.memory_space<vmem>>) target(%dma_start3A_662 : memref<128x128xf32, #tpu.memory_space<hbm>>) target_semaphore(%run_scoped3A_654 : memref<!tpu.dma_semaphore, #tpu.memory_space<semaphore_mem>>)
      %dma_wait3A_667 = arith.constant 0 : i32
      %dma_wait3A_668 = arith.constant 0 : i32
      %dma_wait3A_669 = tpu.memref_slice %arg10[%run_scoped3A_123, %dma_wait3A_667, %dma_wait3A_668] : memref<2x128x128xf32, #tpu.memory_space<vmem>> -> memref<1x128x128xf32, #tpu.memory_space<vmem>>
      %dma_wait3A_670 = tpu.memref_squeeze %dma_wait3A_669 : memref<1x128x128xf32, #tpu.memory_space<vmem>> -> memref<128x128xf32, #tpu.memory_space<vmem>>
      %dma_wait3A_671 = arith.constant 0 : i32
      %dma_wait3A_672 = tpu.memref_slice %arg6[%add3A_122, %dma_wait3A_671] : memref<65536x128xf32, #tpu.memory_space<hbm>> -> memref<128x128xf32, #tpu.memory_space<hbm>>
      %dma_wait3A_673 = arith.constant 0 : i32
      %dma_wait3A_674 = tpu.memref_slice %arg6[%add3A_122, %dma_wait3A_673] : memref<65536x128xf32, #tpu.memory_space<hbm>> -> memref<128x128xf32, #tpu.memory_space<hbm>>
      %dma_wait3A_675 = arith.constant 0 : i32
      %dma_wait3A_676 = arith.constant 0 : i32
      %dma_wait3A_677 = tpu.memref_slice %arg10[%run_scoped3A_123, %dma_wait3A_675, %dma_wait3A_676] : memref<2x128x128xf32, #tpu.memory_space<vmem>> -> memref<1x128x128xf32, #tpu.memory_space<vmem>>
      %dma_wait3A_678 = tpu.memref_squeeze %dma_wait3A_677 : memref<1x128x128xf32, #tpu.memory_space<vmem>> -> memref<128x128xf32, #tpu.memory_space<vmem>>
      tpu.wait_dma2 semaphore(%run_scoped3A_654 : memref<!tpu.dma_semaphore, #tpu.memory_space<semaphore_mem>>) src(%dma_wait3A_678 : memref<128x128xf32, #tpu.memory_space<vmem>>) dst(%dma_wait3A_674 : memref<128x128xf32, #tpu.memory_space<hbm>>)
      tpu.yield
    }) : () -> ()
    %dma_start3A_124 = arith.constant 5 : i32
    %dma_start3A_125 = arith.constant 1 : i32
    %dma_start3A_126 = arith.constant 0 : i32
    %dma_start3A_127 = arith.constant 0 : i32
    %dma_start3A_128 = tpu.memref_slice %arg10[%dma_start3A_125, %dma_start3A_126, %dma_start3A_127] : memref<2x128x128xf32, #tpu.memory_space<vmem>> -> memref<1x128x128xf32, #tpu.memory_space<vmem>>
    %dma_start3A_129 = tpu.memref_squeeze %dma_start3A_128 : memref<1x128x128xf32, #tpu.memory_space<vmem>> -> memref<128x128xf32, #tpu.memory_space<vmem>>
    %dma_start3A_130 = arith.constant 0 : i32
    %dma_start3A_131 = tpu.memref_slice %arg8[%dma_start3A_124, %dma_start3A_130] : memref<16x128xi32, #tpu.memory_space<vmem>> -> memref<1x128xi32, #tpu.memory_space<vmem>>
    %dma_start3A_132 = tpu.memref_squeeze %dma_start3A_131 : memref<1x128xi32, #tpu.memory_space<vmem>> -> memref<128xi32, #tpu.memory_space<vmem>>
    %dma_start3A_133 = arith.constant 0 : i32
    %dma_start3A_134 = arith.constant 0 : i32
    %dma_start3A_135 = tpu.memref_slice %arg2[%dma_start3A_133, %dma_start3A_134] : memref<500000x128xf32, #tpu.memory_space<hbm>> -> memref<500000x128xf32, #tpu.memory_space<hbm>>
    tpu.enqueue_indirect_dma source(%dma_start3A_135 : memref<500000x128xf32, #tpu.memory_space<hbm>>) target(%dma_start3A_129 : memref<128x128xf32, #tpu.memory_space<vmem>>) offsets(%dma_start3A_132 : memref<128xi32, #tpu.memory_space<vmem>>) semaphore(%arg12 : memref<!tpu.dma_semaphore, #tpu.memory_space<semaphore_mem>>)
    %dma_wait3A_136 = arith.constant 4 : i32
    %dma_wait3A_137 = arith.constant 0 : i32
    %dma_wait3A_138 = arith.constant 0 : i32
    %dma_wait3A_139 = arith.constant 0 : i32
    %dma_wait3A_140 = tpu.memref_slice %arg10[%dma_wait3A_137, %dma_wait3A_138, %dma_wait3A_139] : memref<2x128x128xf32, #tpu.memory_space<vmem>> -> memref<1x128x128xf32, #tpu.memory_space<vmem>>
    %dma_wait3A_141 = tpu.memref_squeeze %dma_wait3A_140 : memref<1x128x128xf32, #tpu.memory_space<vmem>> -> memref<128x128xf32, #tpu.memory_space<vmem>>
    %dma_wait3A_142 = arith.constant 0 : i32
    %dma_wait3A_143 = tpu.memref_slice %arg8[%dma_wait3A_136, %dma_wait3A_142] : memref<16x128xi32, #tpu.memory_space<vmem>> -> memref<1x128xi32, #tpu.memory_space<vmem>>
    %dma_wait3A_144 = tpu.memref_squeeze %dma_wait3A_143 : memref<1x128xi32, #tpu.memory_space<vmem>> -> memref<128xi32, #tpu.memory_space<vmem>>
    %dma_wait3A_145 = arith.constant 0 : i32
    %dma_wait3A_146 = arith.constant 0 : i32
    %dma_wait3A_147 = tpu.memref_slice %arg2[%dma_wait3A_145, %dma_wait3A_146] : memref<500000x128xf32, #tpu.memory_space<hbm>> -> memref<500000x128xf32, #tpu.memory_space<hbm>>
    tpu.wait_indirect_dma semaphore(%arg11 : memref<!tpu.dma_semaphore, #tpu.memory_space<semaphore_mem>>) src(%dma_wait3A_147 : memref<500000x128xf32, #tpu.memory_space<hbm>>) dst(%dma_wait3A_141 : memref<128x128xf32, #tpu.memory_space<vmem>>)
    %add3A_148 = arith.constant 512 : i32
    %add3A_149 = arith.addi %mul3A_6, %add3A_148 : i32
    %run_scoped3A_150 = arith.constant 0 : i32
    "tpu.region"() ({
      %run_scoped3A_654 = tpu.sem_alloc : memref<!tpu.dma_semaphore, #tpu.memory_space<semaphore_mem>>
      %dma_start3A_655 = arith.constant 0 : i32
      %dma_start3A_656 = arith.constant 0 : i32
      %dma_start3A_657 = tpu.memref_slice %arg10[%run_scoped3A_150, %dma_start3A_655, %dma_start3A_656] : memref<2x128x128xf32, #tpu.memory_space<vmem>> -> memref<1x128x128xf32, #tpu.memory_space<vmem>>
      %dma_start3A_658 = tpu.memref_squeeze %dma_start3A_657 : memref<1x128x128xf32, #tpu.memory_space<vmem>> -> memref<128x128xf32, #tpu.memory_space<vmem>>
      %dma_start3A_659 = arith.constant 0 : i32
      %dma_start3A_660 = tpu.memref_slice %arg6[%add3A_149, %dma_start3A_659] : memref<65536x128xf32, #tpu.memory_space<hbm>> -> memref<128x128xf32, #tpu.memory_space<hbm>>
      %dma_start3A_661 = arith.constant 0 : i32
      %dma_start3A_662 = tpu.memref_slice %arg6[%add3A_149, %dma_start3A_661] : memref<65536x128xf32, #tpu.memory_space<hbm>> -> memref<128x128xf32, #tpu.memory_space<hbm>>
      %dma_start3A_663 = arith.constant 0 : i32
      %dma_start3A_664 = arith.constant 0 : i32
      %dma_start3A_665 = tpu.memref_slice %arg10[%run_scoped3A_150, %dma_start3A_663, %dma_start3A_664] : memref<2x128x128xf32, #tpu.memory_space<vmem>> -> memref<1x128x128xf32, #tpu.memory_space<vmem>>
      %dma_start3A_666 = tpu.memref_squeeze %dma_start3A_665 : memref<1x128x128xf32, #tpu.memory_space<vmem>> -> memref<128x128xf32, #tpu.memory_space<vmem>>
      tpu.enqueue_dma source(%dma_start3A_666 : memref<128x128xf32, #tpu.memory_space<vmem>>) target(%dma_start3A_662 : memref<128x128xf32, #tpu.memory_space<hbm>>) target_semaphore(%run_scoped3A_654 : memref<!tpu.dma_semaphore, #tpu.memory_space<semaphore_mem>>)
      %dma_wait3A_667 = arith.constant 0 : i32
      %dma_wait3A_668 = arith.constant 0 : i32
      %dma_wait3A_669 = tpu.memref_slice %arg10[%run_scoped3A_150, %dma_wait3A_667, %dma_wait3A_668] : memref<2x128x128xf32, #tpu.memory_space<vmem>> -> memref<1x128x128xf32, #tpu.memory_space<vmem>>
      %dma_wait3A_670 = tpu.memref_squeeze %dma_wait3A_669 : memref<1x128x128xf32, #tpu.memory_space<vmem>> -> memref<128x128xf32, #tpu.memory_space<vmem>>
      %dma_wait3A_671 = arith.constant 0 : i32
      %dma_wait3A_672 = tpu.memref_slice %arg6[%add3A_149, %dma_wait3A_671] : memref<65536x128xf32, #tpu.memory_space<hbm>> -> memref<128x128xf32, #tpu.memory_space<hbm>>
      %dma_wait3A_673 = arith.constant 0 : i32
      %dma_wait3A_674 = tpu.memref_slice %arg6[%add3A_149, %dma_wait3A_673] : memref<65536x128xf32, #tpu.memory_space<hbm>> -> memref<128x128xf32, #tpu.memory_space<hbm>>
      %dma_wait3A_675 = arith.constant 0 : i32
      %dma_wait3A_676 = arith.constant 0 : i32
      %dma_wait3A_677 = tpu.memref_slice %arg10[%run_scoped3A_150, %dma_wait3A_675, %dma_wait3A_676] : memref<2x128x128xf32, #tpu.memory_space<vmem>> -> memref<1x128x128xf32, #tpu.memory_space<vmem>>
      %dma_wait3A_678 = tpu.memref_squeeze %dma_wait3A_677 : memref<1x128x128xf32, #tpu.memory_space<vmem>> -> memref<128x128xf32, #tpu.memory_space<vmem>>
      tpu.wait_dma2 semaphore(%run_scoped3A_654 : memref<!tpu.dma_semaphore, #tpu.memory_space<semaphore_mem>>) src(%dma_wait3A_678 : memref<128x128xf32, #tpu.memory_space<vmem>>) dst(%dma_wait3A_674 : memref<128x128xf32, #tpu.memory_space<hbm>>)
      tpu.yield
    }) : () -> ()
    %dma_start3A_151 = arith.constant 6 : i32
    %dma_start3A_152 = arith.constant 0 : i32
    %dma_start3A_153 = arith.constant 0 : i32
    %dma_start3A_154 = arith.constant 0 : i32
    %dma_start3A_155 = tpu.memref_slice %arg10[%dma_start3A_152, %dma_start3A_153, %dma_start3A_154] : memref<2x128x128xf32, #tpu.memory_space<vmem>> -> memref<1x128x128xf32, #tpu.memory_space<vmem>>
    %dma_start3A_156 = tpu.memref_squeeze %dma_start3A_155 : memref<1x128x128xf32, #tpu.memory_space<vmem>> -> memref<128x128xf32, #tpu.memory_space<vmem>>
    %dma_start3A_157 = arith.constant 0 : i32
    %dma_start3A_158 = tpu.memref_slice %arg8[%dma_start3A_151, %dma_start3A_157] : memref<16x128xi32, #tpu.memory_space<vmem>> -> memref<1x128xi32, #tpu.memory_space<vmem>>
    %dma_start3A_159 = tpu.memref_squeeze %dma_start3A_158 : memref<1x128xi32, #tpu.memory_space<vmem>> -> memref<128xi32, #tpu.memory_space<vmem>>
    %dma_start3A_160 = arith.constant 0 : i32
    %dma_start3A_161 = arith.constant 0 : i32
    %dma_start3A_162 = tpu.memref_slice %arg2[%dma_start3A_160, %dma_start3A_161] : memref<500000x128xf32, #tpu.memory_space<hbm>> -> memref<500000x128xf32, #tpu.memory_space<hbm>>
    tpu.enqueue_indirect_dma source(%dma_start3A_162 : memref<500000x128xf32, #tpu.memory_space<hbm>>) target(%dma_start3A_156 : memref<128x128xf32, #tpu.memory_space<vmem>>) offsets(%dma_start3A_159 : memref<128xi32, #tpu.memory_space<vmem>>) semaphore(%arg11 : memref<!tpu.dma_semaphore, #tpu.memory_space<semaphore_mem>>)
    %dma_wait3A_163 = arith.constant 5 : i32
    %dma_wait3A_164 = arith.constant 1 : i32
    %dma_wait3A_165 = arith.constant 0 : i32
    %dma_wait3A_166 = arith.constant 0 : i32
    %dma_wait3A_167 = tpu.memref_slice %arg10[%dma_wait3A_164, %dma_wait3A_165, %dma_wait3A_166] : memref<2x128x128xf32, #tpu.memory_space<vmem>> -> memref<1x128x128xf32, #tpu.memory_space<vmem>>
    %dma_wait3A_168 = tpu.memref_squeeze %dma_wait3A_167 : memref<1x128x128xf32, #tpu.memory_space<vmem>> -> memref<128x128xf32, #tpu.memory_space<vmem>>
    %dma_wait3A_169 = arith.constant 0 : i32
    %dma_wait3A_170 = tpu.memref_slice %arg8[%dma_wait3A_163, %dma_wait3A_169] : memref<16x128xi32, #tpu.memory_space<vmem>> -> memref<1x128xi32, #tpu.memory_space<vmem>>
    %dma_wait3A_171 = tpu.memref_squeeze %dma_wait3A_170 : memref<1x128xi32, #tpu.memory_space<vmem>> -> memref<128xi32, #tpu.memory_space<vmem>>
    %dma_wait3A_172 = arith.constant 0 : i32
    %dma_wait3A_173 = arith.constant 0 : i32
    %dma_wait3A_174 = tpu.memref_slice %arg2[%dma_wait3A_172, %dma_wait3A_173] : memref<500000x128xf32, #tpu.memory_space<hbm>> -> memref<500000x128xf32, #tpu.memory_space<hbm>>
    tpu.wait_indirect_dma semaphore(%arg12 : memref<!tpu.dma_semaphore, #tpu.memory_space<semaphore_mem>>) src(%dma_wait3A_174 : memref<500000x128xf32, #tpu.memory_space<hbm>>) dst(%dma_wait3A_168 : memref<128x128xf32, #tpu.memory_space<vmem>>)
    %add3A_175 = arith.constant 640 : i32
    %add3A_176 = arith.addi %mul3A_6, %add3A_175 : i32
    %run_scoped3A_177 = arith.constant 1 : i32
    "tpu.region"() ({
      %run_scoped3A_654 = tpu.sem_alloc : memref<!tpu.dma_semaphore, #tpu.memory_space<semaphore_mem>>
      %dma_start3A_655 = arith.constant 0 : i32
      %dma_start3A_656 = arith.constant 0 : i32
      %dma_start3A_657 = tpu.memref_slice %arg10[%run_scoped3A_177, %dma_start3A_655, %dma_start3A_656] : memref<2x128x128xf32, #tpu.memory_space<vmem>> -> memref<1x128x128xf32, #tpu.memory_space<vmem>>
      %dma_start3A_658 = tpu.memref_squeeze %dma_start3A_657 : memref<1x128x128xf32, #tpu.memory_space<vmem>> -> memref<128x128xf32, #tpu.memory_space<vmem>>
      %dma_start3A_659 = arith.constant 0 : i32
      %dma_start3A_660 = tpu.memref_slice %arg6[%add3A_176, %dma_start3A_659] : memref<65536x128xf32, #tpu.memory_space<hbm>> -> memref<128x128xf32, #tpu.memory_space<hbm>>
      %dma_start3A_661 = arith.constant 0 : i32
      %dma_start3A_662 = tpu.memref_slice %arg6[%add3A_176, %dma_start3A_661] : memref<65536x128xf32, #tpu.memory_space<hbm>> -> memref<128x128xf32, #tpu.memory_space<hbm>>
      %dma_start3A_663 = arith.constant 0 : i32
      %dma_start3A_664 = arith.constant 0 : i32
      %dma_start3A_665 = tpu.memref_slice %arg10[%run_scoped3A_177, %dma_start3A_663, %dma_start3A_664] : memref<2x128x128xf32, #tpu.memory_space<vmem>> -> memref<1x128x128xf32, #tpu.memory_space<vmem>>
      %dma_start3A_666 = tpu.memref_squeeze %dma_start3A_665 : memref<1x128x128xf32, #tpu.memory_space<vmem>> -> memref<128x128xf32, #tpu.memory_space<vmem>>
      tpu.enqueue_dma source(%dma_start3A_666 : memref<128x128xf32, #tpu.memory_space<vmem>>) target(%dma_start3A_662 : memref<128x128xf32, #tpu.memory_space<hbm>>) target_semaphore(%run_scoped3A_654 : memref<!tpu.dma_semaphore, #tpu.memory_space<semaphore_mem>>)
      %dma_wait3A_667 = arith.constant 0 : i32
      %dma_wait3A_668 = arith.constant 0 : i32
      %dma_wait3A_669 = tpu.memref_slice %arg10[%run_scoped3A_177, %dma_wait3A_667, %dma_wait3A_668] : memref<2x128x128xf32, #tpu.memory_space<vmem>> -> memref<1x128x128xf32, #tpu.memory_space<vmem>>
      %dma_wait3A_670 = tpu.memref_squeeze %dma_wait3A_669 : memref<1x128x128xf32, #tpu.memory_space<vmem>> -> memref<128x128xf32, #tpu.memory_space<vmem>>
      %dma_wait3A_671 = arith.constant 0 : i32
      %dma_wait3A_672 = tpu.memref_slice %arg6[%add3A_176, %dma_wait3A_671] : memref<65536x128xf32, #tpu.memory_space<hbm>> -> memref<128x128xf32, #tpu.memory_space<hbm>>
      %dma_wait3A_673 = arith.constant 0 : i32
      %dma_wait3A_674 = tpu.memref_slice %arg6[%add3A_176, %dma_wait3A_673] : memref<65536x128xf32, #tpu.memory_space<hbm>> -> memref<128x128xf32, #tpu.memory_space<hbm>>
      %dma_wait3A_675 = arith.constant 0 : i32
      %dma_wait3A_676 = arith.constant 0 : i32
      %dma_wait3A_677 = tpu.memref_slice %arg10[%run_scoped3A_177, %dma_wait3A_675, %dma_wait3A_676] : memref<2x128x128xf32, #tpu.memory_space<vmem>> -> memref<1x128x128xf32, #tpu.memory_space<vmem>>
      %dma_wait3A_678 = tpu.memref_squeeze %dma_wait3A_677 : memref<1x128x128xf32, #tpu.memory_space<vmem>> -> memref<128x128xf32, #tpu.memory_space<vmem>>
      tpu.wait_dma2 semaphore(%run_scoped3A_654 : memref<!tpu.dma_semaphore, #tpu.memory_space<semaphore_mem>>) src(%dma_wait3A_678 : memref<128x128xf32, #tpu.memory_space<vmem>>) dst(%dma_wait3A_674 : memref<128x128xf32, #tpu.memory_space<hbm>>)
      tpu.yield
    }) : () -> ()
    %dma_start3A_178 = arith.constant 7 : i32
    %dma_start3A_179 = arith.constant 1 : i32
    %dma_start3A_180 = arith.constant 0 : i32
    %dma_start3A_181 = arith.constant 0 : i32
    %dma_start3A_182 = tpu.memref_slice %arg10[%dma_start3A_179, %dma_start3A_180, %dma_start3A_181] : memref<2x128x128xf32, #tpu.memory_space<vmem>> -> memref<1x128x128xf32, #tpu.memory_space<vmem>>
    %dma_start3A_183 = tpu.memref_squeeze %dma_start3A_182 : memref<1x128x128xf32, #tpu.memory_space<vmem>> -> memref<128x128xf32, #tpu.memory_space<vmem>>
    %dma_start3A_184 = arith.constant 0 : i32
    %dma_start3A_185 = tpu.memref_slice %arg8[%dma_start3A_178, %dma_start3A_184] : memref<16x128xi32, #tpu.memory_space<vmem>> -> memref<1x128xi32, #tpu.memory_space<vmem>>
    %dma_start3A_186 = tpu.memref_squeeze %dma_start3A_185 : memref<1x128xi32, #tpu.memory_space<vmem>> -> memref<128xi32, #tpu.memory_space<vmem>>
    %dma_start3A_187 = arith.constant 0 : i32
    %dma_start3A_188 = arith.constant 0 : i32
    %dma_start3A_189 = tpu.memref_slice %arg2[%dma_start3A_187, %dma_start3A_188] : memref<500000x128xf32, #tpu.memory_space<hbm>> -> memref<500000x128xf32, #tpu.memory_space<hbm>>
    tpu.enqueue_indirect_dma source(%dma_start3A_189 : memref<500000x128xf32, #tpu.memory_space<hbm>>) target(%dma_start3A_183 : memref<128x128xf32, #tpu.memory_space<vmem>>) offsets(%dma_start3A_186 : memref<128xi32, #tpu.memory_space<vmem>>) semaphore(%arg12 : memref<!tpu.dma_semaphore, #tpu.memory_space<semaphore_mem>>)
    %dma_wait3A_190 = arith.constant 6 : i32
    %dma_wait3A_191 = arith.constant 0 : i32
    %dma_wait3A_192 = arith.constant 0 : i32
    %dma_wait3A_193 = arith.constant 0 : i32
    %dma_wait3A_194 = tpu.memref_slice %arg10[%dma_wait3A_191, %dma_wait3A_192, %dma_wait3A_193] : memref<2x128x128xf32, #tpu.memory_space<vmem>> -> memref<1x128x128xf32, #tpu.memory_space<vmem>>
    %dma_wait3A_195 = tpu.memref_squeeze %dma_wait3A_194 : memref<1x128x128xf32, #tpu.memory_space<vmem>> -> memref<128x128xf32, #tpu.memory_space<vmem>>
    %dma_wait3A_196 = arith.constant 0 : i32
    %dma_wait3A_197 = tpu.memref_slice %arg8[%dma_wait3A_190, %dma_wait3A_196] : memref<16x128xi32, #tpu.memory_space<vmem>> -> memref<1x128xi32, #tpu.memory_space<vmem>>
    %dma_wait3A_198 = tpu.memref_squeeze %dma_wait3A_197 : memref<1x128xi32, #tpu.memory_space<vmem>> -> memref<128xi32, #tpu.memory_space<vmem>>
    %dma_wait3A_199 = arith.constant 0 : i32
    %dma_wait3A_200 = arith.constant 0 : i32
    %dma_wait3A_201 = tpu.memref_slice %arg2[%dma_wait3A_199, %dma_wait3A_200] : memref<500000x128xf32, #tpu.memory_space<hbm>> -> memref<500000x128xf32, #tpu.memory_space<hbm>>
    tpu.wait_indirect_dma semaphore(%arg11 : memref<!tpu.dma_semaphore, #tpu.memory_space<semaphore_mem>>) src(%dma_wait3A_201 : memref<500000x128xf32, #tpu.memory_space<hbm>>) dst(%dma_wait3A_195 : memref<128x128xf32, #tpu.memory_space<vmem>>)
    %add3A_202 = arith.constant 768 : i32
    %add3A_203 = arith.addi %mul3A_6, %add3A_202 : i32
    %run_scoped3A_204 = arith.constant 0 : i32
    "tpu.region"() ({
      %run_scoped3A_654 = tpu.sem_alloc : memref<!tpu.dma_semaphore, #tpu.memory_space<semaphore_mem>>
      %dma_start3A_655 = arith.constant 0 : i32
      %dma_start3A_656 = arith.constant 0 : i32
      %dma_start3A_657 = tpu.memref_slice %arg10[%run_scoped3A_204, %dma_start3A_655, %dma_start3A_656] : memref<2x128x128xf32, #tpu.memory_space<vmem>> -> memref<1x128x128xf32, #tpu.memory_space<vmem>>
      %dma_start3A_658 = tpu.memref_squeeze %dma_start3A_657 : memref<1x128x128xf32, #tpu.memory_space<vmem>> -> memref<128x128xf32, #tpu.memory_space<vmem>>
      %dma_start3A_659 = arith.constant 0 : i32
      %dma_start3A_660 = tpu.memref_slice %arg6[%add3A_203, %dma_start3A_659] : memref<65536x128xf32, #tpu.memory_space<hbm>> -> memref<128x128xf32, #tpu.memory_space<hbm>>
      %dma_start3A_661 = arith.constant 0 : i32
      %dma_start3A_662 = tpu.memref_slice %arg6[%add3A_203, %dma_start3A_661] : memref<65536x128xf32, #tpu.memory_space<hbm>> -> memref<128x128xf32, #tpu.memory_space<hbm>>
      %dma_start3A_663 = arith.constant 0 : i32
      %dma_start3A_664 = arith.constant 0 : i32
      %dma_start3A_665 = tpu.memref_slice %arg10[%run_scoped3A_204, %dma_start3A_663, %dma_start3A_664] : memref<2x128x128xf32, #tpu.memory_space<vmem>> -> memref<1x128x128xf32, #tpu.memory_space<vmem>>
      %dma_start3A_666 = tpu.memref_squeeze %dma_start3A_665 : memref<1x128x128xf32, #tpu.memory_space<vmem>> -> memref<128x128xf32, #tpu.memory_space<vmem>>
      tpu.enqueue_dma source(%dma_start3A_666 : memref<128x128xf32, #tpu.memory_space<vmem>>) target(%dma_start3A_662 : memref<128x128xf32, #tpu.memory_space<hbm>>) target_semaphore(%run_scoped3A_654 : memref<!tpu.dma_semaphore, #tpu.memory_space<semaphore_mem>>)
      %dma_wait3A_667 = arith.constant 0 : i32
      %dma_wait3A_668 = arith.constant 0 : i32
      %dma_wait3A_669 = tpu.memref_slice %arg10[%run_scoped3A_204, %dma_wait3A_667, %dma_wait3A_668] : memref<2x128x128xf32, #tpu.memory_space<vmem>> -> memref<1x128x128xf32, #tpu.memory_space<vmem>>
      %dma_wait3A_670 = tpu.memref_squeeze %dma_wait3A_669 : memref<1x128x128xf32, #tpu.memory_space<vmem>> -> memref<128x128xf32, #tpu.memory_space<vmem>>
      %dma_wait3A_671 = arith.constant 0 : i32
      %dma_wait3A_672 = tpu.memref_slice %arg6[%add3A_203, %dma_wait3A_671] : memref<65536x128xf32, #tpu.memory_space<hbm>> -> memref<128x128xf32, #tpu.memory_space<hbm>>
      %dma_wait3A_673 = arith.constant 0 : i32
      %dma_wait3A_674 = tpu.memref_slice %arg6[%add3A_203, %dma_wait3A_673] : memref<65536x128xf32, #tpu.memory_space<hbm>> -> memref<128x128xf32, #tpu.memory_space<hbm>>
      %dma_wait3A_675 = arith.constant 0 : i32
      %dma_wait3A_676 = arith.constant 0 : i32
      %dma_wait3A_677 = tpu.memref_slice %arg10[%run_scoped3A_204, %dma_wait3A_675, %dma_wait3A_676] : memref<2x128x128xf32, #tpu.memory_space<vmem>> -> memref<1x128x128xf32, #tpu.memory_space<vmem>>
      %dma_wait3A_678 = tpu.memref_squeeze %dma_wait3A_677 : memref<1x128x128xf32, #tpu.memory_space<vmem>> -> memref<128x128xf32, #tpu.memory_space<vmem>>
      tpu.wait_dma2 semaphore(%run_scoped3A_654 : memref<!tpu.dma_semaphore, #tpu.memory_space<semaphore_mem>>) src(%dma_wait3A_678 : memref<128x128xf32, #tpu.memory_space<vmem>>) dst(%dma_wait3A_674 : memref<128x128xf32, #tpu.memory_space<hbm>>)
      tpu.yield
    }) : () -> ()
    %dma_start3A_205 = arith.constant 8 : i32
    %dma_start3A_206 = arith.constant 0 : i32
    %dma_start3A_207 = arith.constant 0 : i32
    %dma_start3A_208 = arith.constant 0 : i32
    %dma_start3A_209 = tpu.memref_slice %arg10[%dma_start3A_206, %dma_start3A_207, %dma_start3A_208] : memref<2x128x128xf32, #tpu.memory_space<vmem>> -> memref<1x128x128xf32, #tpu.memory_space<vmem>>
    %dma_start3A_210 = tpu.memref_squeeze %dma_start3A_209 : memref<1x128x128xf32, #tpu.memory_space<vmem>> -> memref<128x128xf32, #tpu.memory_space<vmem>>
    %dma_start3A_211 = arith.constant 0 : i32
    %dma_start3A_212 = tpu.memref_slice %arg8[%dma_start3A_205, %dma_start3A_211] : memref<16x128xi32, #tpu.memory_space<vmem>> -> memref<1x128xi32, #tpu.memory_space<vmem>>
    %dma_start3A_213 = tpu.memref_squeeze %dma_start3A_212 : memref<1x128xi32, #tpu.memory_space<vmem>> -> memref<128xi32, #tpu.memory_space<vmem>>
    %dma_start3A_214 = arith.constant 0 : i32
    %dma_start3A_215 = arith.constant 0 : i32
    %dma_start3A_216 = tpu.memref_slice %arg2[%dma_start3A_214, %dma_start3A_215] : memref<500000x128xf32, #tpu.memory_space<hbm>> -> memref<500000x128xf32, #tpu.memory_space<hbm>>
    tpu.enqueue_indirect_dma source(%dma_start3A_216 : memref<500000x128xf32, #tpu.memory_space<hbm>>) target(%dma_start3A_210 : memref<128x128xf32, #tpu.memory_space<vmem>>) offsets(%dma_start3A_213 : memref<128xi32, #tpu.memory_space<vmem>>) semaphore(%arg11 : memref<!tpu.dma_semaphore, #tpu.memory_space<semaphore_mem>>)
    %dma_wait3A_217 = arith.constant 7 : i32
    %dma_wait3A_218 = arith.constant 1 : i32
    %dma_wait3A_219 = arith.constant 0 : i32
    %dma_wait3A_220 = arith.constant 0 : i32
    %dma_wait3A_221 = tpu.memref_slice %arg10[%dma_wait3A_218, %dma_wait3A_219, %dma_wait3A_220] : memref<2x128x128xf32, #tpu.memory_space<vmem>> -> memref<1x128x128xf32, #tpu.memory_space<vmem>>
    %dma_wait3A_222 = tpu.memref_squeeze %dma_wait3A_221 : memref<1x128x128xf32, #tpu.memory_space<vmem>> -> memref<128x128xf32, #tpu.memory_space<vmem>>
    %dma_wait3A_223 = arith.constant 0 : i32
    %dma_wait3A_224 = tpu.memref_slice %arg8[%dma_wait3A_217, %dma_wait3A_223] : memref<16x128xi32, #tpu.memory_space<vmem>> -> memref<1x128xi32, #tpu.memory_space<vmem>>
    %dma_wait3A_225 = tpu.memref_squeeze %dma_wait3A_224 : memref<1x128xi32, #tpu.memory_space<vmem>> -> memref<128xi32, #tpu.memory_space<vmem>>
    %dma_wait3A_226 = arith.constant 0 : i32
    %dma_wait3A_227 = arith.constant 0 : i32
    %dma_wait3A_228 = tpu.memref_slice %arg2[%dma_wait3A_226, %dma_wait3A_227] : memref<500000x128xf32, #tpu.memory_space<hbm>> -> memref<500000x128xf32, #tpu.memory_space<hbm>>
    tpu.wait_indirect_dma semaphore(%arg12 : memref<!tpu.dma_semaphore, #tpu.memory_space<semaphore_mem>>) src(%dma_wait3A_228 : memref<500000x128xf32, #tpu.memory_space<hbm>>) dst(%dma_wait3A_222 : memref<128x128xf32, #tpu.memory_space<vmem>>)
    %add3A_229 = arith.constant 896 : i32
    %add3A_230 = arith.addi %mul3A_6, %add3A_229 : i32
    %run_scoped3A_231 = arith.constant 1 : i32
    "tpu.region"() ({
      %run_scoped3A_654 = tpu.sem_alloc : memref<!tpu.dma_semaphore, #tpu.memory_space<semaphore_mem>>
      %dma_start3A_655 = arith.constant 0 : i32
      %dma_start3A_656 = arith.constant 0 : i32
      %dma_start3A_657 = tpu.memref_slice %arg10[%run_scoped3A_231, %dma_start3A_655, %dma_start3A_656] : memref<2x128x128xf32, #tpu.memory_space<vmem>> -> memref<1x128x128xf32, #tpu.memory_space<vmem>>
      %dma_start3A_658 = tpu.memref_squeeze %dma_start3A_657 : memref<1x128x128xf32, #tpu.memory_space<vmem>> -> memref<128x128xf32, #tpu.memory_space<vmem>>
      %dma_start3A_659 = arith.constant 0 : i32
      %dma_start3A_660 = tpu.memref_slice %arg6[%add3A_230, %dma_start3A_659] : memref<65536x128xf32, #tpu.memory_space<hbm>> -> memref<128x128xf32, #tpu.memory_space<hbm>>
      %dma_start3A_661 = arith.constant 0 : i32
      %dma_start3A_662 = tpu.memref_slice %arg6[%add3A_230, %dma_start3A_661] : memref<65536x128xf32, #tpu.memory_space<hbm>> -> memref<128x128xf32, #tpu.memory_space<hbm>>
      %dma_start3A_663 = arith.constant 0 : i32
      %dma_start3A_664 = arith.constant 0 : i32
      %dma_start3A_665 = tpu.memref_slice %arg10[%run_scoped3A_231, %dma_start3A_663, %dma_start3A_664] : memref<2x128x128xf32, #tpu.memory_space<vmem>> -> memref<1x128x128xf32, #tpu.memory_space<vmem>>
      %dma_start3A_666 = tpu.memref_squeeze %dma_start3A_665 : memref<1x128x128xf32, #tpu.memory_space<vmem>> -> memref<128x128xf32, #tpu.memory_space<vmem>>
      tpu.enqueue_dma source(%dma_start3A_666 : memref<128x128xf32, #tpu.memory_space<vmem>>) target(%dma_start3A_662 : memref<128x128xf32, #tpu.memory_space<hbm>>) target_semaphore(%run_scoped3A_654 : memref<!tpu.dma_semaphore, #tpu.memory_space<semaphore_mem>>)
      %dma_wait3A_667 = arith.constant 0 : i32
      %dma_wait3A_668 = arith.constant 0 : i32
      %dma_wait3A_669 = tpu.memref_slice %arg10[%run_scoped3A_231, %dma_wait3A_667, %dma_wait3A_668] : memref<2x128x128xf32, #tpu.memory_space<vmem>> -> memref<1x128x128xf32, #tpu.memory_space<vmem>>
      %dma_wait3A_670 = tpu.memref_squeeze %dma_wait3A_669 : memref<1x128x128xf32, #tpu.memory_space<vmem>> -> memref<128x128xf32, #tpu.memory_space<vmem>>
      %dma_wait3A_671 = arith.constant 0 : i32
      %dma_wait3A_672 = tpu.memref_slice %arg6[%add3A_230, %dma_wait3A_671] : memref<65536x128xf32, #tpu.memory_space<hbm>> -> memref<128x128xf32, #tpu.memory_space<hbm>>
      %dma_wait3A_673 = arith.constant 0 : i32
      %dma_wait3A_674 = tpu.memref_slice %arg6[%add3A_230, %dma_wait3A_673] : memref<65536x128xf32, #tpu.memory_space<hbm>> -> memref<128x128xf32, #tpu.memory_space<hbm>>
      %dma_wait3A_675 = arith.constant 0 : i32
      %dma_wait3A_676 = arith.constant 0 : i32
      %dma_wait3A_677 = tpu.memref_slice %arg10[%run_scoped3A_231, %dma_wait3A_675, %dma_wait3A_676] : memref<2x128x128xf32, #tpu.memory_space<vmem>> -> memref<1x128x128xf32, #tpu.memory_space<vmem>>
      %dma_wait3A_678 = tpu.memref_squeeze %dma_wait3A_677 : memref<1x128x128xf32, #tpu.memory_space<vmem>> -> memref<128x128xf32, #tpu.memory_space<vmem>>
      tpu.wait_dma2 semaphore(%run_scoped3A_654 : memref<!tpu.dma_semaphore, #tpu.memory_space<semaphore_mem>>) src(%dma_wait3A_678 : memref<128x128xf32, #tpu.memory_space<vmem>>) dst(%dma_wait3A_674 : memref<128x128xf32, #tpu.memory_space<hbm>>)
      tpu.yield
    }) : () -> ()
    %dma_start3A_232 = arith.constant 9 : i32
    %dma_start3A_233 = arith.constant 1 : i32
    %dma_start3A_234 = arith.constant 0 : i32
    %dma_start3A_235 = arith.constant 0 : i32
    %dma_start3A_236 = tpu.memref_slice %arg10[%dma_start3A_233, %dma_start3A_234, %dma_start3A_235] : memref<2x128x128xf32, #tpu.memory_space<vmem>> -> memref<1x128x128xf32, #tpu.memory_space<vmem>>
    %dma_start3A_237 = tpu.memref_squeeze %dma_start3A_236 : memref<1x128x128xf32, #tpu.memory_space<vmem>> -> memref<128x128xf32, #tpu.memory_space<vmem>>
    %dma_start3A_238 = arith.constant 0 : i32
    %dma_start3A_239 = tpu.memref_slice %arg8[%dma_start3A_232, %dma_start3A_238] : memref<16x128xi32, #tpu.memory_space<vmem>> -> memref<1x128xi32, #tpu.memory_space<vmem>>
    %dma_start3A_240 = tpu.memref_squeeze %dma_start3A_239 : memref<1x128xi32, #tpu.memory_space<vmem>> -> memref<128xi32, #tpu.memory_space<vmem>>
    %dma_start3A_241 = arith.constant 0 : i32
    %dma_start3A_242 = arith.constant 0 : i32
    %dma_start3A_243 = tpu.memref_slice %arg2[%dma_start3A_241, %dma_start3A_242] : memref<500000x128xf32, #tpu.memory_space<hbm>> -> memref<500000x128xf32, #tpu.memory_space<hbm>>
    tpu.enqueue_indirect_dma source(%dma_start3A_243 : memref<500000x128xf32, #tpu.memory_space<hbm>>) target(%dma_start3A_237 : memref<128x128xf32, #tpu.memory_space<vmem>>) offsets(%dma_start3A_240 : memref<128xi32, #tpu.memory_space<vmem>>) semaphore(%arg12 : memref<!tpu.dma_semaphore, #tpu.memory_space<semaphore_mem>>)
    %dma_wait3A_244 = arith.constant 8 : i32
    %dma_wait3A_245 = arith.constant 0 : i32
    %dma_wait3A_246 = arith.constant 0 : i32
    %dma_wait3A_247 = arith.constant 0 : i32
    %dma_wait3A_248 = tpu.memref_slice %arg10[%dma_wait3A_245, %dma_wait3A_246, %dma_wait3A_247] : memref<2x128x128xf32, #tpu.memory_space<vmem>> -> memref<1x128x128xf32, #tpu.memory_space<vmem>>
    %dma_wait3A_249 = tpu.memref_squeeze %dma_wait3A_248 : memref<1x128x128xf32, #tpu.memory_space<vmem>> -> memref<128x128xf32, #tpu.memory_space<vmem>>
    %dma_wait3A_250 = arith.constant 0 : i32
    %dma_wait3A_251 = tpu.memref_slice %arg8[%dma_wait3A_244, %dma_wait3A_250] : memref<16x128xi32, #tpu.memory_space<vmem>> -> memref<1x128xi32, #tpu.memory_space<vmem>>
    %dma_wait3A_252 = tpu.memref_squeeze %dma_wait3A_251 : memref<1x128xi32, #tpu.memory_space<vmem>> -> memref<128xi32, #tpu.memory_space<vmem>>
    %dma_wait3A_253 = arith.constant 0 : i32
    %dma_wait3A_254 = arith.constant 0 : i32
    %dma_wait3A_255 = tpu.memref_slice %arg2[%dma_wait3A_253, %dma_wait3A_254] : memref<500000x128xf32, #tpu.memory_space<hbm>> -> memref<500000x128xf32, #tpu.memory_space<hbm>>
    tpu.wait_indirect_dma semaphore(%arg11 : memref<!tpu.dma_semaphore, #tpu.memory_space<semaphore_mem>>) src(%dma_wait3A_255 : memref<500000x128xf32, #tpu.memory_space<hbm>>) dst(%dma_wait3A_249 : memref<128x128xf32, #tpu.memory_space<vmem>>)
    %add3A_256 = arith.constant 1024 : i32
    %add3A_257 = arith.addi %mul3A_6, %add3A_256 : i32
    %run_scoped3A_258 = arith.constant 0 : i32
    "tpu.region"() ({
      %run_scoped3A_654 = tpu.sem_alloc : memref<!tpu.dma_semaphore, #tpu.memory_space<semaphore_mem>>
      %dma_start3A_655 = arith.constant 0 : i32
      %dma_start3A_656 = arith.constant 0 : i32
      %dma_start3A_657 = tpu.memref_slice %arg10[%run_scoped3A_258, %dma_start3A_655, %dma_start3A_656] : memref<2x128x128xf32, #tpu.memory_space<vmem>> -> memref<1x128x128xf32, #tpu.memory_space<vmem>>
      %dma_start3A_658 = tpu.memref_squeeze %dma_start3A_657 : memref<1x128x128xf32, #tpu.memory_space<vmem>> -> memref<128x128xf32, #tpu.memory_space<vmem>>
      %dma_start3A_659 = arith.constant 0 : i32
      %dma_start3A_660 = tpu.memref_slice %arg6[%add3A_257, %dma_start3A_659] : memref<65536x128xf32, #tpu.memory_space<hbm>> -> memref<128x128xf32, #tpu.memory_space<hbm>>
      %dma_start3A_661 = arith.constant 0 : i32
      %dma_start3A_662 = tpu.memref_slice %arg6[%add3A_257, %dma_start3A_661] : memref<65536x128xf32, #tpu.memory_space<hbm>> -> memref<128x128xf32, #tpu.memory_space<hbm>>
      %dma_start3A_663 = arith.constant 0 : i32
      %dma_start3A_664 = arith.constant 0 : i32
      %dma_start3A_665 = tpu.memref_slice %arg10[%run_scoped3A_258, %dma_start3A_663, %dma_start3A_664] : memref<2x128x128xf32, #tpu.memory_space<vmem>> -> memref<1x128x128xf32, #tpu.memory_space<vmem>>
      %dma_start3A_666 = tpu.memref_squeeze %dma_start3A_665 : memref<1x128x128xf32, #tpu.memory_space<vmem>> -> memref<128x128xf32, #tpu.memory_space<vmem>>
      tpu.enqueue_dma source(%dma_start3A_666 : memref<128x128xf32, #tpu.memory_space<vmem>>) target(%dma_start3A_662 : memref<128x128xf32, #tpu.memory_space<hbm>>) target_semaphore(%run_scoped3A_654 : memref<!tpu.dma_semaphore, #tpu.memory_space<semaphore_mem>>)
      %dma_wait3A_667 = arith.constant 0 : i32
      %dma_wait3A_668 = arith.constant 0 : i32
      %dma_wait3A_669 = tpu.memref_slice %arg10[%run_scoped3A_258, %dma_wait3A_667, %dma_wait3A_668] : memref<2x128x128xf32, #tpu.memory_space<vmem>> -> memref<1x128x128xf32, #tpu.memory_space<vmem>>
      %dma_wait3A_670 = tpu.memref_squeeze %dma_wait3A_669 : memref<1x128x128xf32, #tpu.memory_space<vmem>> -> memref<128x128xf32, #tpu.memory_space<vmem>>
      %dma_wait3A_671 = arith.constant 0 : i32
      %dma_wait3A_672 = tpu.memref_slice %arg6[%add3A_257, %dma_wait3A_671] : memref<65536x128xf32, #tpu.memory_space<hbm>> -> memref<128x128xf32, #tpu.memory_space<hbm>>
      %dma_wait3A_673 = arith.constant 0 : i32
      %dma_wait3A_674 = tpu.memref_slice %arg6[%add3A_257, %dma_wait3A_673] : memref<65536x128xf32, #tpu.memory_space<hbm>> -> memref<128x128xf32, #tpu.memory_space<hbm>>
      %dma_wait3A_675 = arith.constant 0 : i32
      %dma_wait3A_676 = arith.constant 0 : i32
      %dma_wait3A_677 = tpu.memref_slice %arg10[%run_scoped3A_258, %dma_wait3A_675, %dma_wait3A_676] : memref<2x128x128xf32, #tpu.memory_space<vmem>> -> memref<1x128x128xf32, #tpu.memory_space<vmem>>
      %dma_wait3A_678 = tpu.memref_squeeze %dma_wait3A_677 : memref<1x128x128xf32, #tpu.memory_space<vmem>> -> memref<128x128xf32, #tpu.memory_space<vmem>>
      tpu.wait_dma2 semaphore(%run_scoped3A_654 : memref<!tpu.dma_semaphore, #tpu.memory_space<semaphore_mem>>) src(%dma_wait3A_678 : memref<128x128xf32, #tpu.memory_space<vmem>>) dst(%dma_wait3A_674 : memref<128x128xf32, #tpu.memory_space<hbm>>)
      tpu.yield
    }) : () -> ()
    %dma_start3A_259 = arith.constant 10 : i32
    %dma_start3A_260 = arith.constant 0 : i32
    %dma_start3A_261 = arith.constant 0 : i32
    %dma_start3A_262 = arith.constant 0 : i32
    %dma_start3A_263 = tpu.memref_slice %arg10[%dma_start3A_260, %dma_start3A_261, %dma_start3A_262] : memref<2x128x128xf32, #tpu.memory_space<vmem>> -> memref<1x128x128xf32, #tpu.memory_space<vmem>>
    %dma_start3A_264 = tpu.memref_squeeze %dma_start3A_263 : memref<1x128x128xf32, #tpu.memory_space<vmem>> -> memref<128x128xf32, #tpu.memory_space<vmem>>
    %dma_start3A_265 = arith.constant 0 : i32
    %dma_start3A_266 = tpu.memref_slice %arg8[%dma_start3A_259, %dma_start3A_265] : memref<16x128xi32, #tpu.memory_space<vmem>> -> memref<1x128xi32, #tpu.memory_space<vmem>>
    %dma_start3A_267 = tpu.memref_squeeze %dma_start3A_266 : memref<1x128xi32, #tpu.memory_space<vmem>> -> memref<128xi32, #tpu.memory_space<vmem>>
    %dma_start3A_268 = arith.constant 0 : i32
    %dma_start3A_269 = arith.constant 0 : i32
    %dma_start3A_270 = tpu.memref_slice %arg2[%dma_start3A_268, %dma_start3A_269] : memref<500000x128xf32, #tpu.memory_space<hbm>> -> memref<500000x128xf32, #tpu.memory_space<hbm>>
    tpu.enqueue_indirect_dma source(%dma_start3A_270 : memref<500000x128xf32, #tpu.memory_space<hbm>>) target(%dma_start3A_264 : memref<128x128xf32, #tpu.memory_space<vmem>>) offsets(%dma_start3A_267 : memref<128xi32, #tpu.memory_space<vmem>>) semaphore(%arg11 : memref<!tpu.dma_semaphore, #tpu.memory_space<semaphore_mem>>)
    %dma_wait3A_271 = arith.constant 9 : i32
    %dma_wait3A_272 = arith.constant 1 : i32
    %dma_wait3A_273 = arith.constant 0 : i32
    %dma_wait3A_274 = arith.constant 0 : i32
    %dma_wait3A_275 = tpu.memref_slice %arg10[%dma_wait3A_272, %dma_wait3A_273, %dma_wait3A_274] : memref<2x128x128xf32, #tpu.memory_space<vmem>> -> memref<1x128x128xf32, #tpu.memory_space<vmem>>
    %dma_wait3A_276 = tpu.memref_squeeze %dma_wait3A_275 : memref<1x128x128xf32, #tpu.memory_space<vmem>> -> memref<128x128xf32, #tpu.memory_space<vmem>>
    %dma_wait3A_277 = arith.constant 0 : i32
    %dma_wait3A_278 = tpu.memref_slice %arg8[%dma_wait3A_271, %dma_wait3A_277] : memref<16x128xi32, #tpu.memory_space<vmem>> -> memref<1x128xi32, #tpu.memory_space<vmem>>
    %dma_wait3A_279 = tpu.memref_squeeze %dma_wait3A_278 : memref<1x128xi32, #tpu.memory_space<vmem>> -> memref<128xi32, #tpu.memory_space<vmem>>
    %dma_wait3A_280 = arith.constant 0 : i32
    %dma_wait3A_281 = arith.constant 0 : i32
    %dma_wait3A_282 = tpu.memref_slice %arg2[%dma_wait3A_280, %dma_wait3A_281] : memref<500000x128xf32, #tpu.memory_space<hbm>> -> memref<500000x128xf32, #tpu.memory_space<hbm>>
    tpu.wait_indirect_dma semaphore(%arg12 : memref<!tpu.dma_semaphore, #tpu.memory_space<semaphore_mem>>) src(%dma_wait3A_282 : memref<500000x128xf32, #tpu.memory_space<hbm>>) dst(%dma_wait3A_276 : memref<128x128xf32, #tpu.memory_space<vmem>>)
    %add3A_283 = arith.constant 1152 : i32
    %add3A_284 = arith.addi %mul3A_6, %add3A_283 : i32
    %run_scoped3A_285 = arith.constant 1 : i32
    "tpu.region"() ({
      %run_scoped3A_654 = tpu.sem_alloc : memref<!tpu.dma_semaphore, #tpu.memory_space<semaphore_mem>>
      %dma_start3A_655 = arith.constant 0 : i32
      %dma_start3A_656 = arith.constant 0 : i32
      %dma_start3A_657 = tpu.memref_slice %arg10[%run_scoped3A_285, %dma_start3A_655, %dma_start3A_656] : memref<2x128x128xf32, #tpu.memory_space<vmem>> -> memref<1x128x128xf32, #tpu.memory_space<vmem>>
      %dma_start3A_658 = tpu.memref_squeeze %dma_start3A_657 : memref<1x128x128xf32, #tpu.memory_space<vmem>> -> memref<128x128xf32, #tpu.memory_space<vmem>>
      %dma_start3A_659 = arith.constant 0 : i32
      %dma_start3A_660 = tpu.memref_slice %arg6[%add3A_284, %dma_start3A_659] : memref<65536x128xf32, #tpu.memory_space<hbm>> -> memref<128x128xf32, #tpu.memory_space<hbm>>
      %dma_start3A_661 = arith.constant 0 : i32
      %dma_start3A_662 = tpu.memref_slice %arg6[%add3A_284, %dma_start3A_661] : memref<65536x128xf32, #tpu.memory_space<hbm>> -> memref<128x128xf32, #tpu.memory_space<hbm>>
      %dma_start3A_663 = arith.constant 0 : i32
      %dma_start3A_664 = arith.constant 0 : i32
      %dma_start3A_665 = tpu.memref_slice %arg10[%run_scoped3A_285, %dma_start3A_663, %dma_start3A_664] : memref<2x128x128xf32, #tpu.memory_space<vmem>> -> memref<1x128x128xf32, #tpu.memory_space<vmem>>
      %dma_start3A_666 = tpu.memref_squeeze %dma_start3A_665 : memref<1x128x128xf32, #tpu.memory_space<vmem>> -> memref<128x128xf32, #tpu.memory_space<vmem>>
      tpu.enqueue_dma source(%dma_start3A_666 : memref<128x128xf32, #tpu.memory_space<vmem>>) target(%dma_start3A_662 : memref<128x128xf32, #tpu.memory_space<hbm>>) target_semaphore(%run_scoped3A_654 : memref<!tpu.dma_semaphore, #tpu.memory_space<semaphore_mem>>)
      %dma_wait3A_667 = arith.constant 0 : i32
      %dma_wait3A_668 = arith.constant 0 : i32
      %dma_wait3A_669 = tpu.memref_slice %arg10[%run_scoped3A_285, %dma_wait3A_667, %dma_wait3A_668] : memref<2x128x128xf32, #tpu.memory_space<vmem>> -> memref<1x128x128xf32, #tpu.memory_space<vmem>>
      %dma_wait3A_670 = tpu.memref_squeeze %dma_wait3A_669 : memref<1x128x128xf32, #tpu.memory_space<vmem>> -> memref<128x128xf32, #tpu.memory_space<vmem>>
      %dma_wait3A_671 = arith.constant 0 : i32
      %dma_wait3A_672 = tpu.memref_slice %arg6[%add3A_284, %dma_wait3A_671] : memref<65536x128xf32, #tpu.memory_space<hbm>> -> memref<128x128xf32, #tpu.memory_space<hbm>>
      %dma_wait3A_673 = arith.constant 0 : i32
      %dma_wait3A_674 = tpu.memref_slice %arg6[%add3A_284, %dma_wait3A_673] : memref<65536x128xf32, #tpu.memory_space<hbm>> -> memref<128x128xf32, #tpu.memory_space<hbm>>
      %dma_wait3A_675 = arith.constant 0 : i32
      %dma_wait3A_676 = arith.constant 0 : i32
      %dma_wait3A_677 = tpu.memref_slice %arg10[%run_scoped3A_285, %dma_wait3A_675, %dma_wait3A_676] : memref<2x128x128xf32, #tpu.memory_space<vmem>> -> memref<1x128x128xf32, #tpu.memory_space<vmem>>
      %dma_wait3A_678 = tpu.memref_squeeze %dma_wait3A_677 : memref<1x128x128xf32, #tpu.memory_space<vmem>> -> memref<128x128xf32, #tpu.memory_space<vmem>>
      tpu.wait_dma2 semaphore(%run_scoped3A_654 : memref<!tpu.dma_semaphore, #tpu.memory_space<semaphore_mem>>) src(%dma_wait3A_678 : memref<128x128xf32, #tpu.memory_space<vmem>>) dst(%dma_wait3A_674 : memref<128x128xf32, #tpu.memory_space<hbm>>)
      tpu.yield
    }) : () -> ()
    %dma_start3A_286 = arith.constant 11 : i32
    %dma_start3A_287 = arith.constant 1 : i32
    %dma_start3A_288 = arith.constant 0 : i32
    %dma_start3A_289 = arith.constant 0 : i32
    %dma_start3A_290 = tpu.memref_slice %arg10[%dma_start3A_287, %dma_start3A_288, %dma_start3A_289] : memref<2x128x128xf32, #tpu.memory_space<vmem>> -> memref<1x128x128xf32, #tpu.memory_space<vmem>>
    %dma_start3A_291 = tpu.memref_squeeze %dma_start3A_290 : memref<1x128x128xf32, #tpu.memory_space<vmem>> -> memref<128x128xf32, #tpu.memory_space<vmem>>
    %dma_start3A_292 = arith.constant 0 : i32
    %dma_start3A_293 = tpu.memref_slice %arg8[%dma_start3A_286, %dma_start3A_292] : memref<16x128xi32, #tpu.memory_space<vmem>> -> memref<1x128xi32, #tpu.memory_space<vmem>>
    %dma_start3A_294 = tpu.memref_squeeze %dma_start3A_293 : memref<1x128xi32, #tpu.memory_space<vmem>> -> memref<128xi32, #tpu.memory_space<vmem>>
    %dma_start3A_295 = arith.constant 0 : i32
    %dma_start3A_296 = arith.constant 0 : i32
    %dma_start3A_297 = tpu.memref_slice %arg2[%dma_start3A_295, %dma_start3A_296] : memref<500000x128xf32, #tpu.memory_space<hbm>> -> memref<500000x128xf32, #tpu.memory_space<hbm>>
    tpu.enqueue_indirect_dma source(%dma_start3A_297 : memref<500000x128xf32, #tpu.memory_space<hbm>>) target(%dma_start3A_291 : memref<128x128xf32, #tpu.memory_space<vmem>>) offsets(%dma_start3A_294 : memref<128xi32, #tpu.memory_space<vmem>>) semaphore(%arg12 : memref<!tpu.dma_semaphore, #tpu.memory_space<semaphore_mem>>)
    %dma_wait3A_298 = arith.constant 10 : i32
    %dma_wait3A_299 = arith.constant 0 : i32
    %dma_wait3A_300 = arith.constant 0 : i32
    %dma_wait3A_301 = arith.constant 0 : i32
    %dma_wait3A_302 = tpu.memref_slice %arg10[%dma_wait3A_299, %dma_wait3A_300, %dma_wait3A_301] : memref<2x128x128xf32, #tpu.memory_space<vmem>> -> memref<1x128x128xf32, #tpu.memory_space<vmem>>
    %dma_wait3A_303 = tpu.memref_squeeze %dma_wait3A_302 : memref<1x128x128xf32, #tpu.memory_space<vmem>> -> memref<128x128xf32, #tpu.memory_space<vmem>>
    %dma_wait3A_304 = arith.constant 0 : i32
    %dma_wait3A_305 = tpu.memref_slice %arg8[%dma_wait3A_298, %dma_wait3A_304] : memref<16x128xi32, #tpu.memory_space<vmem>> -> memref<1x128xi32, #tpu.memory_space<vmem>>
    %dma_wait3A_306 = tpu.memref_squeeze %dma_wait3A_305 : memref<1x128xi32, #tpu.memory_space<vmem>> -> memref<128xi32, #tpu.memory_space<vmem>>
    %dma_wait3A_307 = arith.constant 0 : i32
    %dma_wait3A_308 = arith.constant 0 : i32
    %dma_wait3A_309 = tpu.memref_slice %arg2[%dma_wait3A_307, %dma_wait3A_308] : memref<500000x128xf32, #tpu.memory_space<hbm>> -> memref<500000x128xf32, #tpu.memory_space<hbm>>
    tpu.wait_indirect_dma semaphore(%arg11 : memref<!tpu.dma_semaphore, #tpu.memory_space<semaphore_mem>>) src(%dma_wait3A_309 : memref<500000x128xf32, #tpu.memory_space<hbm>>) dst(%dma_wait3A_303 : memref<128x128xf32, #tpu.memory_space<vmem>>)
    %add3A_310 = arith.constant 1280 : i32
    %add3A_311 = arith.addi %mul3A_6, %add3A_310 : i32
    %run_scoped3A_312 = arith.constant 0 : i32
    "tpu.region"() ({
      %run_scoped3A_654 = tpu.sem_alloc : memref<!tpu.dma_semaphore, #tpu.memory_space<semaphore_mem>>
      %dma_start3A_655 = arith.constant 0 : i32
      %dma_start3A_656 = arith.constant 0 : i32
      %dma_start3A_657 = tpu.memref_slice %arg10[%run_scoped3A_312, %dma_start3A_655, %dma_start3A_656] : memref<2x128x128xf32, #tpu.memory_space<vmem>> -> memref<1x128x128xf32, #tpu.memory_space<vmem>>
      %dma_start3A_658 = tpu.memref_squeeze %dma_start3A_657 : memref<1x128x128xf32, #tpu.memory_space<vmem>> -> memref<128x128xf32, #tpu.memory_space<vmem>>
      %dma_start3A_659 = arith.constant 0 : i32
      %dma_start3A_660 = tpu.memref_slice %arg6[%add3A_311, %dma_start3A_659] : memref<65536x128xf32, #tpu.memory_space<hbm>> -> memref<128x128xf32, #tpu.memory_space<hbm>>
      %dma_start3A_661 = arith.constant 0 : i32
      %dma_start3A_662 = tpu.memref_slice %arg6[%add3A_311, %dma_start3A_661] : memref<65536x128xf32, #tpu.memory_space<hbm>> -> memref<128x128xf32, #tpu.memory_space<hbm>>
      %dma_start3A_663 = arith.constant 0 : i32
      %dma_start3A_664 = arith.constant 0 : i32
      %dma_start3A_665 = tpu.memref_slice %arg10[%run_scoped3A_312, %dma_start3A_663, %dma_start3A_664] : memref<2x128x128xf32, #tpu.memory_space<vmem>> -> memref<1x128x128xf32, #tpu.memory_space<vmem>>
      %dma_start3A_666 = tpu.memref_squeeze %dma_start3A_665 : memref<1x128x128xf32, #tpu.memory_space<vmem>> -> memref<128x128xf32, #tpu.memory_space<vmem>>
      tpu.enqueue_dma source(%dma_start3A_666 : memref<128x128xf32, #tpu.memory_space<vmem>>) target(%dma_start3A_662 : memref<128x128xf32, #tpu.memory_space<hbm>>) target_semaphore(%run_scoped3A_654 : memref<!tpu.dma_semaphore, #tpu.memory_space<semaphore_mem>>)
      %dma_wait3A_667 = arith.constant 0 : i32
      %dma_wait3A_668 = arith.constant 0 : i32
      %dma_wait3A_669 = tpu.memref_slice %arg10[%run_scoped3A_312, %dma_wait3A_667, %dma_wait3A_668] : memref<2x128x128xf32, #tpu.memory_space<vmem>> -> memref<1x128x128xf32, #tpu.memory_space<vmem>>
      %dma_wait3A_670 = tpu.memref_squeeze %dma_wait3A_669 : memref<1x128x128xf32, #tpu.memory_space<vmem>> -> memref<128x128xf32, #tpu.memory_space<vmem>>
      %dma_wait3A_671 = arith.constant 0 : i32
      %dma_wait3A_672 = tpu.memref_slice %arg6[%add3A_311, %dma_wait3A_671] : memref<65536x128xf32, #tpu.memory_space<hbm>> -> memref<128x128xf32, #tpu.memory_space<hbm>>
      %dma_wait3A_673 = arith.constant 0 : i32
      %dma_wait3A_674 = tpu.memref_slice %arg6[%add3A_311, %dma_wait3A_673] : memref<65536x128xf32, #tpu.memory_space<hbm>> -> memref<128x128xf32, #tpu.memory_space<hbm>>
      %dma_wait3A_675 = arith.constant 0 : i32
      %dma_wait3A_676 = arith.constant 0 : i32
      %dma_wait3A_677 = tpu.memref_slice %arg10[%run_scoped3A_312, %dma_wait3A_675, %dma_wait3A_676] : memref<2x128x128xf32, #tpu.memory_space<vmem>> -> memref<1x128x128xf32, #tpu.memory_space<vmem>>
      %dma_wait3A_678 = tpu.memref_squeeze %dma_wait3A_677 : memref<1x128x128xf32, #tpu.memory_space<vmem>> -> memref<128x128xf32, #tpu.memory_space<vmem>>
      tpu.wait_dma2 semaphore(%run_scoped3A_654 : memref<!tpu.dma_semaphore, #tpu.memory_space<semaphore_mem>>) src(%dma_wait3A_678 : memref<128x128xf32, #tpu.memory_space<vmem>>) dst(%dma_wait3A_674 : memref<128x128xf32, #tpu.memory_space<hbm>>)
      tpu.yield
    }) : () -> ()
    %dma_start3A_313 = arith.constant 12 : i32
    %dma_start3A_314 = arith.constant 0 : i32
    %dma_start3A_315 = arith.constant 0 : i32
    %dma_start3A_316 = arith.constant 0 : i32
    %dma_start3A_317 = tpu.memref_slice %arg10[%dma_start3A_314, %dma_start3A_315, %dma_start3A_316] : memref<2x128x128xf32, #tpu.memory_space<vmem>> -> memref<1x128x128xf32, #tpu.memory_space<vmem>>
    %dma_start3A_318 = tpu.memref_squeeze %dma_start3A_317 : memref<1x128x128xf32, #tpu.memory_space<vmem>> -> memref<128x128xf32, #tpu.memory_space<vmem>>
    %dma_start3A_319 = arith.constant 0 : i32
    %dma_start3A_320 = tpu.memref_slice %arg8[%dma_start3A_313, %dma_start3A_319] : memref<16x128xi32, #tpu.memory_space<vmem>> -> memref<1x128xi32, #tpu.memory_space<vmem>>
    %dma_start3A_321 = tpu.memref_squeeze %dma_start3A_320 : memref<1x128xi32, #tpu.memory_space<vmem>> -> memref<128xi32, #tpu.memory_space<vmem>>
    %dma_start3A_322 = arith.constant 0 : i32
    %dma_start3A_323 = arith.constant 0 : i32
    %dma_start3A_324 = tpu.memref_slice %arg2[%dma_start3A_322, %dma_start3A_323] : memref<500000x128xf32, #tpu.memory_space<hbm>> -> memref<500000x128xf32, #tpu.memory_space<hbm>>
    tpu.enqueue_indirect_dma source(%dma_start3A_324 : memref<500000x128xf32, #tpu.memory_space<hbm>>) target(%dma_start3A_318 : memref<128x128xf32, #tpu.memory_space<vmem>>) offsets(%dma_start3A_321 : memref<128xi32, #tpu.memory_space<vmem>>) semaphore(%arg11 : memref<!tpu.dma_semaphore, #tpu.memory_space<semaphore_mem>>)
    %dma_wait3A_325 = arith.constant 11 : i32
    %dma_wait3A_326 = arith.constant 1 : i32
    %dma_wait3A_327 = arith.constant 0 : i32
    %dma_wait3A_328 = arith.constant 0 : i32
    %dma_wait3A_329 = tpu.memref_slice %arg10[%dma_wait3A_326, %dma_wait3A_327, %dma_wait3A_328] : memref<2x128x128xf32, #tpu.memory_space<vmem>> -> memref<1x128x128xf32, #tpu.memory_space<vmem>>
    %dma_wait3A_330 = tpu.memref_squeeze %dma_wait3A_329 : memref<1x128x128xf32, #tpu.memory_space<vmem>> -> memref<128x128xf32, #tpu.memory_space<vmem>>
    %dma_wait3A_331 = arith.constant 0 : i32
    %dma_wait3A_332 = tpu.memref_slice %arg8[%dma_wait3A_325, %dma_wait3A_331] : memref<16x128xi32, #tpu.memory_space<vmem>> -> memref<1x128xi32, #tpu.memory_space<vmem>>
    %dma_wait3A_333 = tpu.memref_squeeze %dma_wait3A_332 : memref<1x128xi32, #tpu.memory_space<vmem>> -> memref<128xi32, #tpu.memory_space<vmem>>
    %dma_wait3A_334 = arith.constant 0 : i32
    %dma_wait3A_335 = arith.constant 0 : i32
    %dma_wait3A_336 = tpu.memref_slice %arg2[%dma_wait3A_334, %dma_wait3A_335] : memref<500000x128xf32, #tpu.memory_space<hbm>> -> memref<500000x128xf32, #tpu.memory_space<hbm>>
    tpu.wait_indirect_dma semaphore(%arg12 : memref<!tpu.dma_semaphore, #tpu.memory_space<semaphore_mem>>) src(%dma_wait3A_336 : memref<500000x128xf32, #tpu.memory_space<hbm>>) dst(%dma_wait3A_330 : memref<128x128xf32, #tpu.memory_space<vmem>>)
    %add3A_337 = arith.constant 1408 : i32
    %add3A_338 = arith.addi %mul3A_6, %add3A_337 : i32
    %run_scoped3A_339 = arith.constant 1 : i32
    "tpu.region"() ({
      %run_scoped3A_654 = tpu.sem_alloc : memref<!tpu.dma_semaphore, #tpu.memory_space<semaphore_mem>>
      %dma_start3A_655 = arith.constant 0 : i32
      %dma_start3A_656 = arith.constant 0 : i32
      %dma_start3A_657 = tpu.memref_slice %arg10[%run_scoped3A_339, %dma_start3A_655, %dma_start3A_656] : memref<2x128x128xf32, #tpu.memory_space<vmem>> -> memref<1x128x128xf32, #tpu.memory_space<vmem>>
      %dma_start3A_658 = tpu.memref_squeeze %dma_start3A_657 : memref<1x128x128xf32, #tpu.memory_space<vmem>> -> memref<128x128xf32, #tpu.memory_space<vmem>>
      %dma_start3A_659 = arith.constant 0 : i32
      %dma_start3A_660 = tpu.memref_slice %arg6[%add3A_338, %dma_start3A_659] : memref<65536x128xf32, #tpu.memory_space<hbm>> -> memref<128x128xf32, #tpu.memory_space<hbm>>
      %dma_start3A_661 = arith.constant 0 : i32
      %dma_start3A_662 = tpu.memref_slice %arg6[%add3A_338, %dma_start3A_661] : memref<65536x128xf32, #tpu.memory_space<hbm>> -> memref<128x128xf32, #tpu.memory_space<hbm>>
      %dma_start3A_663 = arith.constant 0 : i32
      %dma_start3A_664 = arith.constant 0 : i32
      %dma_start3A_665 = tpu.memref_slice %arg10[%run_scoped3A_339, %dma_start3A_663, %dma_start3A_664] : memref<2x128x128xf32, #tpu.memory_space<vmem>> -> memref<1x128x128xf32, #tpu.memory_space<vmem>>
      %dma_start3A_666 = tpu.memref_squeeze %dma_start3A_665 : memref<1x128x128xf32, #tpu.memory_space<vmem>> -> memref<128x128xf32, #tpu.memory_space<vmem>>
      tpu.enqueue_dma source(%dma_start3A_666 : memref<128x128xf32, #tpu.memory_space<vmem>>) target(%dma_start3A_662 : memref<128x128xf32, #tpu.memory_space<hbm>>) target_semaphore(%run_scoped3A_654 : memref<!tpu.dma_semaphore, #tpu.memory_space<semaphore_mem>>)
      %dma_wait3A_667 = arith.constant 0 : i32
      %dma_wait3A_668 = arith.constant 0 : i32
      %dma_wait3A_669 = tpu.memref_slice %arg10[%run_scoped3A_339, %dma_wait3A_667, %dma_wait3A_668] : memref<2x128x128xf32, #tpu.memory_space<vmem>> -> memref<1x128x128xf32, #tpu.memory_space<vmem>>
      %dma_wait3A_670 = tpu.memref_squeeze %dma_wait3A_669 : memref<1x128x128xf32, #tpu.memory_space<vmem>> -> memref<128x128xf32, #tpu.memory_space<vmem>>
      %dma_wait3A_671 = arith.constant 0 : i32
      %dma_wait3A_672 = tpu.memref_slice %arg6[%add3A_338, %dma_wait3A_671] : memref<65536x128xf32, #tpu.memory_space<hbm>> -> memref<128x128xf32, #tpu.memory_space<hbm>>
      %dma_wait3A_673 = arith.constant 0 : i32
      %dma_wait3A_674 = tpu.memref_slice %arg6[%add3A_338, %dma_wait3A_673] : memref<65536x128xf32, #tpu.memory_space<hbm>> -> memref<128x128xf32, #tpu.memory_space<hbm>>
      %dma_wait3A_675 = arith.constant 0 : i32
      %dma_wait3A_676 = arith.constant 0 : i32
      %dma_wait3A_677 = tpu.memref_slice %arg10[%run_scoped3A_339, %dma_wait3A_675, %dma_wait3A_676] : memref<2x128x128xf32, #tpu.memory_space<vmem>> -> memref<1x128x128xf32, #tpu.memory_space<vmem>>
      %dma_wait3A_678 = tpu.memref_squeeze %dma_wait3A_677 : memref<1x128x128xf32, #tpu.memory_space<vmem>> -> memref<128x128xf32, #tpu.memory_space<vmem>>
      tpu.wait_dma2 semaphore(%run_scoped3A_654 : memref<!tpu.dma_semaphore, #tpu.memory_space<semaphore_mem>>) src(%dma_wait3A_678 : memref<128x128xf32, #tpu.memory_space<vmem>>) dst(%dma_wait3A_674 : memref<128x128xf32, #tpu.memory_space<hbm>>)
      tpu.yield
    }) : () -> ()
    %dma_start3A_340 = arith.constant 13 : i32
    %dma_start3A_341 = arith.constant 1 : i32
    %dma_start3A_342 = arith.constant 0 : i32
    %dma_start3A_343 = arith.constant 0 : i32
    %dma_start3A_344 = tpu.memref_slice %arg10[%dma_start3A_341, %dma_start3A_342, %dma_start3A_343] : memref<2x128x128xf32, #tpu.memory_space<vmem>> -> memref<1x128x128xf32, #tpu.memory_space<vmem>>
    %dma_start3A_345 = tpu.memref_squeeze %dma_start3A_344 : memref<1x128x128xf32, #tpu.memory_space<vmem>> -> memref<128x128xf32, #tpu.memory_space<vmem>>
    %dma_start3A_346 = arith.constant 0 : i32
    %dma_start3A_347 = tpu.memref_slice %arg8[%dma_start3A_340, %dma_start3A_346] : memref<16x128xi32, #tpu.memory_space<vmem>> -> memref<1x128xi32, #tpu.memory_space<vmem>>
    %dma_start3A_348 = tpu.memref_squeeze %dma_start3A_347 : memref<1x128xi32, #tpu.memory_space<vmem>> -> memref<128xi32, #tpu.memory_space<vmem>>
    %dma_start3A_349 = arith.constant 0 : i32
    %dma_start3A_350 = arith.constant 0 : i32
    %dma_start3A_351 = tpu.memref_slice %arg2[%dma_start3A_349, %dma_start3A_350] : memref<500000x128xf32, #tpu.memory_space<hbm>> -> memref<500000x128xf32, #tpu.memory_space<hbm>>
    tpu.enqueue_indirect_dma source(%dma_start3A_351 : memref<500000x128xf32, #tpu.memory_space<hbm>>) target(%dma_start3A_345 : memref<128x128xf32, #tpu.memory_space<vmem>>) offsets(%dma_start3A_348 : memref<128xi32, #tpu.memory_space<vmem>>) semaphore(%arg12 : memref<!tpu.dma_semaphore, #tpu.memory_space<semaphore_mem>>)
    %dma_wait3A_352 = arith.constant 12 : i32
    %dma_wait3A_353 = arith.constant 0 : i32
    %dma_wait3A_354 = arith.constant 0 : i32
    %dma_wait3A_355 = arith.constant 0 : i32
    %dma_wait3A_356 = tpu.memref_slice %arg10[%dma_wait3A_353, %dma_wait3A_354, %dma_wait3A_355] : memref<2x128x128xf32, #tpu.memory_space<vmem>> -> memref<1x128x128xf32, #tpu.memory_space<vmem>>
    %dma_wait3A_357 = tpu.memref_squeeze %dma_wait3A_356 : memref<1x128x128xf32, #tpu.memory_space<vmem>> -> memref<128x128xf32, #tpu.memory_space<vmem>>
    %dma_wait3A_358 = arith.constant 0 : i32
    %dma_wait3A_359 = tpu.memref_slice %arg8[%dma_wait3A_352, %dma_wait3A_358] : memref<16x128xi32, #tpu.memory_space<vmem>> -> memref<1x128xi32, #tpu.memory_space<vmem>>
    %dma_wait3A_360 = tpu.memref_squeeze %dma_wait3A_359 : memref<1x128xi32, #tpu.memory_space<vmem>> -> memref<128xi32, #tpu.memory_space<vmem>>
    %dma_wait3A_361 = arith.constant 0 : i32
    %dma_wait3A_362 = arith.constant 0 : i32
    %dma_wait3A_363 = tpu.memref_slice %arg2[%dma_wait3A_361, %dma_wait3A_362] : memref<500000x128xf32, #tpu.memory_space<hbm>> -> memref<500000x128xf32, #tpu.memory_space<hbm>>
    tpu.wait_indirect_dma semaphore(%arg11 : memref<!tpu.dma_semaphore, #tpu.memory_space<semaphore_mem>>) src(%dma_wait3A_363 : memref<500000x128xf32, #tpu.memory_space<hbm>>) dst(%dma_wait3A_357 : memref<128x128xf32, #tpu.memory_space<vmem>>)
    %add3A_364 = arith.constant 1536 : i32
    %add3A_365 = arith.addi %mul3A_6, %add3A_364 : i32
    %run_scoped3A_366 = arith.constant 0 : i32
    "tpu.region"() ({
      %run_scoped3A_654 = tpu.sem_alloc : memref<!tpu.dma_semaphore, #tpu.memory_space<semaphore_mem>>
      %dma_start3A_655 = arith.constant 0 : i32
      %dma_start3A_656 = arith.constant 0 : i32
      %dma_start3A_657 = tpu.memref_slice %arg10[%run_scoped3A_366, %dma_start3A_655, %dma_start3A_656] : memref<2x128x128xf32, #tpu.memory_space<vmem>> -> memref<1x128x128xf32, #tpu.memory_space<vmem>>
      %dma_start3A_658 = tpu.memref_squeeze %dma_start3A_657 : memref<1x128x128xf32, #tpu.memory_space<vmem>> -> memref<128x128xf32, #tpu.memory_space<vmem>>
      %dma_start3A_659 = arith.constant 0 : i32
      %dma_start3A_660 = tpu.memref_slice %arg6[%add3A_365, %dma_start3A_659] : memref<65536x128xf32, #tpu.memory_space<hbm>> -> memref<128x128xf32, #tpu.memory_space<hbm>>
      %dma_start3A_661 = arith.constant 0 : i32
      %dma_start3A_662 = tpu.memref_slice %arg6[%add3A_365, %dma_start3A_661] : memref<65536x128xf32, #tpu.memory_space<hbm>> -> memref<128x128xf32, #tpu.memory_space<hbm>>
      %dma_start3A_663 = arith.constant 0 : i32
      %dma_start3A_664 = arith.constant 0 : i32
      %dma_start3A_665 = tpu.memref_slice %arg10[%run_scoped3A_366, %dma_start3A_663, %dma_start3A_664] : memref<2x128x128xf32, #tpu.memory_space<vmem>> -> memref<1x128x128xf32, #tpu.memory_space<vmem>>
      %dma_start3A_666 = tpu.memref_squeeze %dma_start3A_665 : memref<1x128x128xf32, #tpu.memory_space<vmem>> -> memref<128x128xf32, #tpu.memory_space<vmem>>
      tpu.enqueue_dma source(%dma_start3A_666 : memref<128x128xf32, #tpu.memory_space<vmem>>) target(%dma_start3A_662 : memref<128x128xf32, #tpu.memory_space<hbm>>) target_semaphore(%run_scoped3A_654 : memref<!tpu.dma_semaphore, #tpu.memory_space<semaphore_mem>>)
      %dma_wait3A_667 = arith.constant 0 : i32
      %dma_wait3A_668 = arith.constant 0 : i32
      %dma_wait3A_669 = tpu.memref_slice %arg10[%run_scoped3A_366, %dma_wait3A_667, %dma_wait3A_668] : memref<2x128x128xf32, #tpu.memory_space<vmem>> -> memref<1x128x128xf32, #tpu.memory_space<vmem>>
      %dma_wait3A_670 = tpu.memref_squeeze %dma_wait3A_669 : memref<1x128x128xf32, #tpu.memory_space<vmem>> -> memref<128x128xf32, #tpu.memory_space<vmem>>
      %dma_wait3A_671 = arith.constant 0 : i32
      %dma_wait3A_672 = tpu.memref_slice %arg6[%add3A_365, %dma_wait3A_671] : memref<65536x128xf32, #tpu.memory_space<hbm>> -> memref<128x128xf32, #tpu.memory_space<hbm>>
      %dma_wait3A_673 = arith.constant 0 : i32
      %dma_wait3A_674 = tpu.memref_slice %arg6[%add3A_365, %dma_wait3A_673] : memref<65536x128xf32, #tpu.memory_space<hbm>> -> memref<128x128xf32, #tpu.memory_space<hbm>>
      %dma_wait3A_675 = arith.constant 0 : i32
      %dma_wait3A_676 = arith.constant 0 : i32
      %dma_wait3A_677 = tpu.memref_slice %arg10[%run_scoped3A_366, %dma_wait3A_675, %dma_wait3A_676] : memref<2x128x128xf32, #tpu.memory_space<vmem>> -> memref<1x128x128xf32, #tpu.memory_space<vmem>>
      %dma_wait3A_678 = tpu.memref_squeeze %dma_wait3A_677 : memref<1x128x128xf32, #tpu.memory_space<vmem>> -> memref<128x128xf32, #tpu.memory_space<vmem>>
      tpu.wait_dma2 semaphore(%run_scoped3A_654 : memref<!tpu.dma_semaphore, #tpu.memory_space<semaphore_mem>>) src(%dma_wait3A_678 : memref<128x128xf32, #tpu.memory_space<vmem>>) dst(%dma_wait3A_674 : memref<128x128xf32, #tpu.memory_space<hbm>>)
      tpu.yield
    }) : () -> ()
    %dma_start3A_367 = arith.constant 14 : i32
    %dma_start3A_368 = arith.constant 0 : i32
    %dma_start3A_369 = arith.constant 0 : i32
    %dma_start3A_370 = arith.constant 0 : i32
    %dma_start3A_371 = tpu.memref_slice %arg10[%dma_start3A_368, %dma_start3A_369, %dma_start3A_370] : memref<2x128x128xf32, #tpu.memory_space<vmem>> -> memref<1x128x128xf32, #tpu.memory_space<vmem>>
    %dma_start3A_372 = tpu.memref_squeeze %dma_start3A_371 : memref<1x128x128xf32, #tpu.memory_space<vmem>> -> memref<128x128xf32, #tpu.memory_space<vmem>>
    %dma_start3A_373 = arith.constant 0 : i32
    %dma_start3A_374 = tpu.memref_slice %arg8[%dma_start3A_367, %dma_start3A_373] : memref<16x128xi32, #tpu.memory_space<vmem>> -> memref<1x128xi32, #tpu.memory_space<vmem>>
    %dma_start3A_375 = tpu.memref_squeeze %dma_start3A_374 : memref<1x128xi32, #tpu.memory_space<vmem>> -> memref<128xi32, #tpu.memory_space<vmem>>
    %dma_start3A_376 = arith.constant 0 : i32
    %dma_start3A_377 = arith.constant 0 : i32
    %dma_start3A_378 = tpu.memref_slice %arg2[%dma_start3A_376, %dma_start3A_377] : memref<500000x128xf32, #tpu.memory_space<hbm>> -> memref<500000x128xf32, #tpu.memory_space<hbm>>
    tpu.enqueue_indirect_dma source(%dma_start3A_378 : memref<500000x128xf32, #tpu.memory_space<hbm>>) target(%dma_start3A_372 : memref<128x128xf32, #tpu.memory_space<vmem>>) offsets(%dma_start3A_375 : memref<128xi32, #tpu.memory_space<vmem>>) semaphore(%arg11 : memref<!tpu.dma_semaphore, #tpu.memory_space<semaphore_mem>>)
    %dma_wait3A_379 = arith.constant 13 : i32
    %dma_wait3A_380 = arith.constant 1 : i32
    %dma_wait3A_381 = arith.constant 0 : i32
    %dma_wait3A_382 = arith.constant 0 : i32
    %dma_wait3A_383 = tpu.memref_slice %arg10[%dma_wait3A_380, %dma_wait3A_381, %dma_wait3A_382] : memref<2x128x128xf32, #tpu.memory_space<vmem>> -> memref<1x128x128xf32, #tpu.memory_space<vmem>>
    %dma_wait3A_384 = tpu.memref_squeeze %dma_wait3A_383 : memref<1x128x128xf32, #tpu.memory_space<vmem>> -> memref<128x128xf32, #tpu.memory_space<vmem>>
    %dma_wait3A_385 = arith.constant 0 : i32
    %dma_wait3A_386 = tpu.memref_slice %arg8[%dma_wait3A_379, %dma_wait3A_385] : memref<16x128xi32, #tpu.memory_space<vmem>> -> memref<1x128xi32, #tpu.memory_space<vmem>>
    %dma_wait3A_387 = tpu.memref_squeeze %dma_wait3A_386 : memref<1x128xi32, #tpu.memory_space<vmem>> -> memref<128xi32, #tpu.memory_space<vmem>>
    %dma_wait3A_388 = arith.constant 0 : i32
    %dma_wait3A_389 = arith.constant 0 : i32
    %dma_wait3A_390 = tpu.memref_slice %arg2[%dma_wait3A_388, %dma_wait3A_389] : memref<500000x128xf32, #tpu.memory_space<hbm>> -> memref<500000x128xf32, #tpu.memory_space<hbm>>
    tpu.wait_indirect_dma semaphore(%arg12 : memref<!tpu.dma_semaphore, #tpu.memory_space<semaphore_mem>>) src(%dma_wait3A_390 : memref<500000x128xf32, #tpu.memory_space<hbm>>) dst(%dma_wait3A_384 : memref<128x128xf32, #tpu.memory_space<vmem>>)
    %add3A_391 = arith.constant 1664 : i32
    %add3A_392 = arith.addi %mul3A_6, %add3A_391 : i32
    %run_scoped3A_393 = arith.constant 1 : i32
    "tpu.region"() ({
      %run_scoped3A_654 = tpu.sem_alloc : memref<!tpu.dma_semaphore, #tpu.memory_space<semaphore_mem>>
      %dma_start3A_655 = arith.constant 0 : i32
      %dma_start3A_656 = arith.constant 0 : i32
      %dma_start3A_657 = tpu.memref_slice %arg10[%run_scoped3A_393, %dma_start3A_655, %dma_start3A_656] : memref<2x128x128xf32, #tpu.memory_space<vmem>> -> memref<1x128x128xf32, #tpu.memory_space<vmem>>
      %dma_start3A_658 = tpu.memref_squeeze %dma_start3A_657 : memref<1x128x128xf32, #tpu.memory_space<vmem>> -> memref<128x128xf32, #tpu.memory_space<vmem>>
      %dma_start3A_659 = arith.constant 0 : i32
      %dma_start3A_660 = tpu.memref_slice %arg6[%add3A_392, %dma_start3A_659] : memref<65536x128xf32, #tpu.memory_space<hbm>> -> memref<128x128xf32, #tpu.memory_space<hbm>>
      %dma_start3A_661 = arith.constant 0 : i32
      %dma_start3A_662 = tpu.memref_slice %arg6[%add3A_392, %dma_start3A_661] : memref<65536x128xf32, #tpu.memory_space<hbm>> -> memref<128x128xf32, #tpu.memory_space<hbm>>
      %dma_start3A_663 = arith.constant 0 : i32
      %dma_start3A_664 = arith.constant 0 : i32
      %dma_start3A_665 = tpu.memref_slice %arg10[%run_scoped3A_393, %dma_start3A_663, %dma_start3A_664] : memref<2x128x128xf32, #tpu.memory_space<vmem>> -> memref<1x128x128xf32, #tpu.memory_space<vmem>>
      %dma_start3A_666 = tpu.memref_squeeze %dma_start3A_665 : memref<1x128x128xf32, #tpu.memory_space<vmem>> -> memref<128x128xf32, #tpu.memory_space<vmem>>
      tpu.enqueue_dma source(%dma_start3A_666 : memref<128x128xf32, #tpu.memory_space<vmem>>) target(%dma_start3A_662 : memref<128x128xf32, #tpu.memory_space<hbm>>) target_semaphore(%run_scoped3A_654 : memref<!tpu.dma_semaphore, #tpu.memory_space<semaphore_mem>>)
      %dma_wait3A_667 = arith.constant 0 : i32
      %dma_wait3A_668 = arith.constant 0 : i32
      %dma_wait3A_669 = tpu.memref_slice %arg10[%run_scoped3A_393, %dma_wait3A_667, %dma_wait3A_668] : memref<2x128x128xf32, #tpu.memory_space<vmem>> -> memref<1x128x128xf32, #tpu.memory_space<vmem>>
      %dma_wait3A_670 = tpu.memref_squeeze %dma_wait3A_669 : memref<1x128x128xf32, #tpu.memory_space<vmem>> -> memref<128x128xf32, #tpu.memory_space<vmem>>
      %dma_wait3A_671 = arith.constant 0 : i32
      %dma_wait3A_672 = tpu.memref_slice %arg6[%add3A_392, %dma_wait3A_671] : memref<65536x128xf32, #tpu.memory_space<hbm>> -> memref<128x128xf32, #tpu.memory_space<hbm>>
      %dma_wait3A_673 = arith.constant 0 : i32
      %dma_wait3A_674 = tpu.memref_slice %arg6[%add3A_392, %dma_wait3A_673] : memref<65536x128xf32, #tpu.memory_space<hbm>> -> memref<128x128xf32, #tpu.memory_space<hbm>>
      %dma_wait3A_675 = arith.constant 0 : i32
      %dma_wait3A_676 = arith.constant 0 : i32
      %dma_wait3A_677 = tpu.memref_slice %arg10[%run_scoped3A_393, %dma_wait3A_675, %dma_wait3A_676] : memref<2x128x128xf32, #tpu.memory_space<vmem>> -> memref<1x128x128xf32, #tpu.memory_space<vmem>>
      %dma_wait3A_678 = tpu.memref_squeeze %dma_wait3A_677 : memref<1x128x128xf32, #tpu.memory_space<vmem>> -> memref<128x128xf32, #tpu.memory_space<vmem>>
      tpu.wait_dma2 semaphore(%run_scoped3A_654 : memref<!tpu.dma_semaphore, #tpu.memory_space<semaphore_mem>>) src(%dma_wait3A_678 : memref<128x128xf32, #tpu.memory_space<vmem>>) dst(%dma_wait3A_674 : memref<128x128xf32, #tpu.memory_space<hbm>>)
      tpu.yield
    }) : () -> ()
    %dma_start3A_394 = arith.constant 15 : i32
    %dma_start3A_395 = arith.constant 1 : i32
    %dma_start3A_396 = arith.constant 0 : i32
    %dma_start3A_397 = arith.constant 0 : i32
    %dma_start3A_398 = tpu.memref_slice %arg10[%dma_start3A_395, %dma_start3A_396, %dma_start3A_397] : memref<2x128x128xf32, #tpu.memory_space<vmem>> -> memref<1x128x128xf32, #tpu.memory_space<vmem>>
    %dma_start3A_399 = tpu.memref_squeeze %dma_start3A_398 : memref<1x128x128xf32, #tpu.memory_space<vmem>> -> memref<128x128xf32, #tpu.memory_space<vmem>>
    %dma_start3A_400 = arith.constant 0 : i32
    %dma_start3A_401 = tpu.memref_slice %arg8[%dma_start3A_394, %dma_start3A_400] : memref<16x128xi32, #tpu.memory_space<vmem>> -> memref<1x128xi32, #tpu.memory_space<vmem>>
    %dma_start3A_402 = tpu.memref_squeeze %dma_start3A_401 : memref<1x128xi32, #tpu.memory_space<vmem>> -> memref<128xi32, #tpu.memory_space<vmem>>
    %dma_start3A_403 = arith.constant 0 : i32
    %dma_start3A_404 = arith.constant 0 : i32
    %dma_start3A_405 = tpu.memref_slice %arg2[%dma_start3A_403, %dma_start3A_404] : memref<500000x128xf32, #tpu.memory_space<hbm>> -> memref<500000x128xf32, #tpu.memory_space<hbm>>
    tpu.enqueue_indirect_dma source(%dma_start3A_405 : memref<500000x128xf32, #tpu.memory_space<hbm>>) target(%dma_start3A_399 : memref<128x128xf32, #tpu.memory_space<vmem>>) offsets(%dma_start3A_402 : memref<128xi32, #tpu.memory_space<vmem>>) semaphore(%arg12 : memref<!tpu.dma_semaphore, #tpu.memory_space<semaphore_mem>>)
    %dma_wait3A_406 = arith.constant 14 : i32
    %dma_wait3A_407 = arith.constant 0 : i32
    %dma_wait3A_408 = arith.constant 0 : i32
    %dma_wait3A_409 = arith.constant 0 : i32
    %dma_wait3A_410 = tpu.memref_slice %arg10[%dma_wait3A_407, %dma_wait3A_408, %dma_wait3A_409] : memref<2x128x128xf32, #tpu.memory_space<vmem>> -> memref<1x128x128xf32, #tpu.memory_space<vmem>>
    %dma_wait3A_411 = tpu.memref_squeeze %dma_wait3A_410 : memref<1x128x128xf32, #tpu.memory_space<vmem>> -> memref<128x128xf32, #tpu.memory_space<vmem>>
    %dma_wait3A_412 = arith.constant 0 : i32
    %dma_wait3A_413 = tpu.memref_slice %arg8[%dma_wait3A_406, %dma_wait3A_412] : memref<16x128xi32, #tpu.memory_space<vmem>> -> memref<1x128xi32, #tpu.memory_space<vmem>>
    %dma_wait3A_414 = tpu.memref_squeeze %dma_wait3A_413 : memref<1x128xi32, #tpu.memory_space<vmem>> -> memref<128xi32, #tpu.memory_space<vmem>>
    %dma_wait3A_415 = arith.constant 0 : i32
    %dma_wait3A_416 = arith.constant 0 : i32
    %dma_wait3A_417 = tpu.memref_slice %arg2[%dma_wait3A_415, %dma_wait3A_416] : memref<500000x128xf32, #tpu.memory_space<hbm>> -> memref<500000x128xf32, #tpu.memory_space<hbm>>
    tpu.wait_indirect_dma semaphore(%arg11 : memref<!tpu.dma_semaphore, #tpu.memory_space<semaphore_mem>>) src(%dma_wait3A_417 : memref<500000x128xf32, #tpu.memory_space<hbm>>) dst(%dma_wait3A_411 : memref<128x128xf32, #tpu.memory_space<vmem>>)
    %add3A_418 = arith.constant 1792 : i32
    %add3A_419 = arith.addi %mul3A_6, %add3A_418 : i32
    %run_scoped3A_420 = arith.constant 0 : i32
    "tpu.region"() ({
      %run_scoped3A_654 = tpu.sem_alloc : memref<!tpu.dma_semaphore, #tpu.memory_space<semaphore_mem>>
      %dma_start3A_655 = arith.constant 0 : i32
      %dma_start3A_656 = arith.constant 0 : i32
      %dma_start3A_657 = tpu.memref_slice %arg10[%run_scoped3A_420, %dma_start3A_655, %dma_start3A_656] : memref<2x128x128xf32, #tpu.memory_space<vmem>> -> memref<1x128x128xf32, #tpu.memory_space<vmem>>
      %dma_start3A_658 = tpu.memref_squeeze %dma_start3A_657 : memref<1x128x128xf32, #tpu.memory_space<vmem>> -> memref<128x128xf32, #tpu.memory_space<vmem>>
      %dma_start3A_659 = arith.constant 0 : i32
      %dma_start3A_660 = tpu.memref_slice %arg6[%add3A_419, %dma_start3A_659] : memref<65536x128xf32, #tpu.memory_space<hbm>> -> memref<128x128xf32, #tpu.memory_space<hbm>>
      %dma_start3A_661 = arith.constant 0 : i32
      %dma_start3A_662 = tpu.memref_slice %arg6[%add3A_419, %dma_start3A_661] : memref<65536x128xf32, #tpu.memory_space<hbm>> -> memref<128x128xf32, #tpu.memory_space<hbm>>
      %dma_start3A_663 = arith.constant 0 : i32
      %dma_start3A_664 = arith.constant 0 : i32
      %dma_start3A_665 = tpu.memref_slice %arg10[%run_scoped3A_420, %dma_start3A_663, %dma_start3A_664] : memref<2x128x128xf32, #tpu.memory_space<vmem>> -> memref<1x128x128xf32, #tpu.memory_space<vmem>>
      %dma_start3A_666 = tpu.memref_squeeze %dma_start3A_665 : memref<1x128x128xf32, #tpu.memory_space<vmem>> -> memref<128x128xf32, #tpu.memory_space<vmem>>
      tpu.enqueue_dma source(%dma_start3A_666 : memref<128x128xf32, #tpu.memory_space<vmem>>) target(%dma_start3A_662 : memref<128x128xf32, #tpu.memory_space<hbm>>) target_semaphore(%run_scoped3A_654 : memref<!tpu.dma_semaphore, #tpu.memory_space<semaphore_mem>>)
      %dma_wait3A_667 = arith.constant 0 : i32
      %dma_wait3A_668 = arith.constant 0 : i32
      %dma_wait3A_669 = tpu.memref_slice %arg10[%run_scoped3A_420, %dma_wait3A_667, %dma_wait3A_668] : memref<2x128x128xf32, #tpu.memory_space<vmem>> -> memref<1x128x128xf32, #tpu.memory_space<vmem>>
      %dma_wait3A_670 = tpu.memref_squeeze %dma_wait3A_669 : memref<1x128x128xf32, #tpu.memory_space<vmem>> -> memref<128x128xf32, #tpu.memory_space<vmem>>
      %dma_wait3A_671 = arith.constant 0 : i32
      %dma_wait3A_672 = tpu.memref_slice %arg6[%add3A_419, %dma_wait3A_671] : memref<65536x128xf32, #tpu.memory_space<hbm>> -> memref<128x128xf32, #tpu.memory_space<hbm>>
      %dma_wait3A_673 = arith.constant 0 : i32
      %dma_wait3A_674 = tpu.memref_slice %arg6[%add3A_419, %dma_wait3A_673] : memref<65536x128xf32, #tpu.memory_space<hbm>> -> memref<128x128xf32, #tpu.memory_space<hbm>>
      %dma_wait3A_675 = arith.constant 0 : i32
      %dma_wait3A_676 = arith.constant 0 : i32
      %dma_wait3A_677 = tpu.memref_slice %arg10[%run_scoped3A_420, %dma_wait3A_675, %dma_wait3A_676] : memref<2x128x128xf32, #tpu.memory_space<vmem>> -> memref<1x128x128xf32, #tpu.memory_space<vmem>>
      %dma_wait3A_678 = tpu.memref_squeeze %dma_wait3A_677 : memref<1x128x128xf32, #tpu.memory_space<vmem>> -> memref<128x128xf32, #tpu.memory_space<vmem>>
      tpu.wait_dma2 semaphore(%run_scoped3A_654 : memref<!tpu.dma_semaphore, #tpu.memory_space<semaphore_mem>>) src(%dma_wait3A_678 : memref<128x128xf32, #tpu.memory_space<vmem>>) dst(%dma_wait3A_674 : memref<128x128xf32, #tpu.memory_space<hbm>>)
      tpu.yield
    }) : () -> ()
    %dma_wait3A_421 = arith.constant 15 : i32
    %dma_wait3A_422 = arith.constant 1 : i32
    %dma_wait3A_423 = arith.constant 0 : i32
    %dma_wait3A_424 = arith.constant 0 : i32
    %dma_wait3A_425 = tpu.memref_slice %arg10[%dma_wait3A_422, %dma_wait3A_423, %dma_wait3A_424] : memref<2x128x128xf32, #tpu.memory_space<vmem>> -> memref<1x128x128xf32, #tpu.memory_space<vmem>>
    %dma_wait3A_426 = tpu.memref_squeeze %dma_wait3A_425 : memref<1x128x128xf32, #tpu.memory_space<vmem>> -> memref<128x128xf32, #tpu.memory_space<vmem>>
    %dma_wait3A_427 = arith.constant 0 : i32
    %dma_wait3A_428 = tpu.memref_slice %arg8[%dma_wait3A_421, %dma_wait3A_427] : memref<16x128xi32, #tpu.memory_space<vmem>> -> memref<1x128xi32, #tpu.memory_space<vmem>>
    %dma_wait3A_429 = tpu.memref_squeeze %dma_wait3A_428 : memref<1x128xi32, #tpu.memory_space<vmem>> -> memref<128xi32, #tpu.memory_space<vmem>>
    %dma_wait3A_430 = arith.constant 0 : i32
    %dma_wait3A_431 = arith.constant 0 : i32
    %dma_wait3A_432 = tpu.memref_slice %arg2[%dma_wait3A_430, %dma_wait3A_431] : memref<500000x128xf32, #tpu.memory_space<hbm>> -> memref<500000x128xf32, #tpu.memory_space<hbm>>
    tpu.wait_indirect_dma semaphore(%arg12 : memref<!tpu.dma_semaphore, #tpu.memory_space<semaphore_mem>>) src(%dma_wait3A_432 : memref<500000x128xf32, #tpu.memory_space<hbm>>) dst(%dma_wait3A_426 : memref<128x128xf32, #tpu.memory_space<vmem>>)
    %add3A_433 = arith.constant 1920 : i32
    %add3A_434 = arith.addi %mul3A_6, %add3A_433 : i32
    %run_scoped3A_435 = arith.constant 1 : i32
    "tpu.region"() ({
      %run_scoped3A_654 = tpu.sem_alloc : memref<!tpu.dma_semaphore, #tpu.memory_space<semaphore_mem>>
      %dma_start3A_655 = arith.constant 0 : i32
      %dma_start3A_656 = arith.constant 0 : i32
      %dma_start3A_657 = tpu.memref_slice %arg10[%run_scoped3A_435, %dma_start3A_655, %dma_start3A_656] : memref<2x128x128xf32, #tpu.memory_space<vmem>> -> memref<1x128x128xf32, #tpu.memory_space<vmem>>
      %dma_start3A_658 = tpu.memref_squeeze %dma_start3A_657 : memref<1x128x128xf32, #tpu.memory_space<vmem>> -> memref<128x128xf32, #tpu.memory_space<vmem>>
      %dma_start3A_659 = arith.constant 0 : i32
      %dma_start3A_660 = tpu.memref_slice %arg6[%add3A_434, %dma_start3A_659] : memref<65536x128xf32, #tpu.memory_space<hbm>> -> memref<128x128xf32, #tpu.memory_space<hbm>>
      %dma_start3A_661 = arith.constant 0 : i32
      %dma_start3A_662 = tpu.memref_slice %arg6[%add3A_434, %dma_start3A_661] : memref<65536x128xf32, #tpu.memory_space<hbm>> -> memref<128x128xf32, #tpu.memory_space<hbm>>
      %dma_start3A_663 = arith.constant 0 : i32
      %dma_start3A_664 = arith.constant 0 : i32
      %dma_start3A_665 = tpu.memref_slice %arg10[%run_scoped3A_435, %dma_start3A_663, %dma_start3A_664] : memref<2x128x128xf32, #tpu.memory_space<vmem>> -> memref<1x128x128xf32, #tpu.memory_space<vmem>>
      %dma_start3A_666 = tpu.memref_squeeze %dma_start3A_665 : memref<1x128x128xf32, #tpu.memory_space<vmem>> -> memref<128x128xf32, #tpu.memory_space<vmem>>
      tpu.enqueue_dma source(%dma_start3A_666 : memref<128x128xf32, #tpu.memory_space<vmem>>) target(%dma_start3A_662 : memref<128x128xf32, #tpu.memory_space<hbm>>) target_semaphore(%run_scoped3A_654 : memref<!tpu.dma_semaphore, #tpu.memory_space<semaphore_mem>>)
      %dma_wait3A_667 = arith.constant 0 : i32
      %dma_wait3A_668 = arith.constant 0 : i32
      %dma_wait3A_669 = tpu.memref_slice %arg10[%run_scoped3A_435, %dma_wait3A_667, %dma_wait3A_668] : memref<2x128x128xf32, #tpu.memory_space<vmem>> -> memref<1x128x128xf32, #tpu.memory_space<vmem>>
      %dma_wait3A_670 = tpu.memref_squeeze %dma_wait3A_669 : memref<1x128x128xf32, #tpu.memory_space<vmem>> -> memref<128x128xf32, #tpu.memory_space<vmem>>
      %dma_wait3A_671 = arith.constant 0 : i32
      %dma_wait3A_672 = tpu.memref_slice %arg6[%add3A_434, %dma_wait3A_671] : memref<65536x128xf32, #tpu.memory_space<hbm>> -> memref<128x128xf32, #tpu.memory_space<hbm>>
      %dma_wait3A_673 = arith.constant 0 : i32
      %dma_wait3A_674 = tpu.memref_slice %arg6[%add3A_434, %dma_wait3A_673] : memref<65536x128xf32, #tpu.memory_space<hbm>> -> memref<128x128xf32, #tpu.memory_space<hbm>>
      %dma_wait3A_675 = arith.constant 0 : i32
      %dma_wait3A_676 = arith.constant 0 : i32
      %dma_wait3A_677 = tpu.memref_slice %arg10[%run_scoped3A_435, %dma_wait3A_675, %dma_wait3A_676] : memref<2x128x128xf32, #tpu.memory_space<vmem>> -> memref<1x128x128xf32, #tpu.memory_space<vmem>>
      %dma_wait3A_678 = tpu.memref_squeeze %dma_wait3A_677 : memref<1x128x128xf32, #tpu.memory_space<vmem>> -> memref<128x128xf32, #tpu.memory_space<vmem>>
      tpu.wait_dma2 semaphore(%run_scoped3A_654 : memref<!tpu.dma_semaphore, #tpu.memory_space<semaphore_mem>>) src(%dma_wait3A_678 : memref<128x128xf32, #tpu.memory_space<vmem>>) dst(%dma_wait3A_674 : memref<128x128xf32, #tpu.memory_space<hbm>>)
      tpu.yield
    }) : () -> ()
    %mul3A_436 = arith.constant 1024 : i32
    %mul3A_437 = arith.muli %add3A, %mul3A_436 : i32
    %dma_start3A_438 = arith.constant 0 : i32
    %dma_start3A_439 = arith.constant 0 : i32
    %dma_start3A_440 = arith.constant 0 : i32
    %dma_start3A_441 = arith.constant 0 : i32
    %dma_start3A_442 = tpu.memref_slice %arg10[%dma_start3A_439, %dma_start3A_440, %dma_start3A_441] : memref<2x128x128xf32, #tpu.memory_space<vmem>> -> memref<1x128x128xf32, #tpu.memory_space<vmem>>
    %dma_start3A_443 = tpu.memref_squeeze %dma_start3A_442 : memref<1x128x128xf32, #tpu.memory_space<vmem>> -> memref<128x128xf32, #tpu.memory_space<vmem>>
    %dma_start3A_444 = arith.constant 0 : i32
    %dma_start3A_445 = tpu.memref_slice %arg9[%dma_start3A_438, %dma_start3A_444] : memref<8x128xi32, #tpu.memory_space<vmem>> -> memref<1x128xi32, #tpu.memory_space<vmem>>
    %dma_start3A_446 = tpu.memref_squeeze %dma_start3A_445 : memref<1x128xi32, #tpu.memory_space<vmem>> -> memref<128xi32, #tpu.memory_space<vmem>>
    %dma_start3A_447 = arith.constant 0 : i32
    %dma_start3A_448 = arith.constant 0 : i32
    %dma_start3A_449 = tpu.memref_slice %arg3[%dma_start3A_447, %dma_start3A_448] : memref<500000x128xf32, #tpu.memory_space<hbm>> -> memref<500000x128xf32, #tpu.memory_space<hbm>>
    tpu.enqueue_indirect_dma source(%dma_start3A_449 : memref<500000x128xf32, #tpu.memory_space<hbm>>) target(%dma_start3A_443 : memref<128x128xf32, #tpu.memory_space<vmem>>) offsets(%dma_start3A_446 : memref<128xi32, #tpu.memory_space<vmem>>) semaphore(%arg11 : memref<!tpu.dma_semaphore, #tpu.memory_space<semaphore_mem>>)
    %dma_start3A_450 = arith.constant 1 : i32
    %dma_start3A_451 = arith.constant 1 : i32
    %dma_start3A_452 = arith.constant 0 : i32
    %dma_start3A_453 = arith.constant 0 : i32
    %dma_start3A_454 = tpu.memref_slice %arg10[%dma_start3A_451, %dma_start3A_452, %dma_start3A_453] : memref<2x128x128xf32, #tpu.memory_space<vmem>> -> memref<1x128x128xf32, #tpu.memory_space<vmem>>
    %dma_start3A_455 = tpu.memref_squeeze %dma_start3A_454 : memref<1x128x128xf32, #tpu.memory_space<vmem>> -> memref<128x128xf32, #tpu.memory_space<vmem>>
    %dma_start3A_456 = arith.constant 0 : i32
    %dma_start3A_457 = tpu.memref_slice %arg9[%dma_start3A_450, %dma_start3A_456] : memref<8x128xi32, #tpu.memory_space<vmem>> -> memref<1x128xi32, #tpu.memory_space<vmem>>
    %dma_start3A_458 = tpu.memref_squeeze %dma_start3A_457 : memref<1x128xi32, #tpu.memory_space<vmem>> -> memref<128xi32, #tpu.memory_space<vmem>>
    %dma_start3A_459 = arith.constant 0 : i32
    %dma_start3A_460 = arith.constant 0 : i32
    %dma_start3A_461 = tpu.memref_slice %arg3[%dma_start3A_459, %dma_start3A_460] : memref<500000x128xf32, #tpu.memory_space<hbm>> -> memref<500000x128xf32, #tpu.memory_space<hbm>>
    tpu.enqueue_indirect_dma source(%dma_start3A_461 : memref<500000x128xf32, #tpu.memory_space<hbm>>) target(%dma_start3A_455 : memref<128x128xf32, #tpu.memory_space<vmem>>) offsets(%dma_start3A_458 : memref<128xi32, #tpu.memory_space<vmem>>) semaphore(%arg12 : memref<!tpu.dma_semaphore, #tpu.memory_space<semaphore_mem>>)
    %dma_wait3A_462 = arith.constant 0 : i32
    %dma_wait3A_463 = arith.constant 0 : i32
    %dma_wait3A_464 = arith.constant 0 : i32
    %dma_wait3A_465 = arith.constant 0 : i32
    %dma_wait3A_466 = tpu.memref_slice %arg10[%dma_wait3A_463, %dma_wait3A_464, %dma_wait3A_465] : memref<2x128x128xf32, #tpu.memory_space<vmem>> -> memref<1x128x128xf32, #tpu.memory_space<vmem>>
    %dma_wait3A_467 = tpu.memref_squeeze %dma_wait3A_466 : memref<1x128x128xf32, #tpu.memory_space<vmem>> -> memref<128x128xf32, #tpu.memory_space<vmem>>
    %dma_wait3A_468 = arith.constant 0 : i32
    %dma_wait3A_469 = tpu.memref_slice %arg9[%dma_wait3A_462, %dma_wait3A_468] : memref<8x128xi32, #tpu.memory_space<vmem>> -> memref<1x128xi32, #tpu.memory_space<vmem>>
    %dma_wait3A_470 = tpu.memref_squeeze %dma_wait3A_469 : memref<1x128xi32, #tpu.memory_space<vmem>> -> memref<128xi32, #tpu.memory_space<vmem>>
    %dma_wait3A_471 = arith.constant 0 : i32
    %dma_wait3A_472 = arith.constant 0 : i32
    %dma_wait3A_473 = tpu.memref_slice %arg3[%dma_wait3A_471, %dma_wait3A_472] : memref<500000x128xf32, #tpu.memory_space<hbm>> -> memref<500000x128xf32, #tpu.memory_space<hbm>>
    tpu.wait_indirect_dma semaphore(%arg11 : memref<!tpu.dma_semaphore, #tpu.memory_space<semaphore_mem>>) src(%dma_wait3A_473 : memref<500000x128xf32, #tpu.memory_space<hbm>>) dst(%dma_wait3A_467 : memref<128x128xf32, #tpu.memory_space<vmem>>)
    %add3A_474 = arith.constant 0 : i32
    %add3A_475 = arith.addi %mul3A_437, %add3A_474 : i32
    %run_scoped3A_476 = arith.constant 0 : i32
    "tpu.region"() ({
      %run_scoped3A_654 = tpu.sem_alloc : memref<!tpu.dma_semaphore, #tpu.memory_space<semaphore_mem>>
      %dma_start3A_655 = arith.constant 0 : i32
      %dma_start3A_656 = arith.constant 0 : i32
      %dma_start3A_657 = tpu.memref_slice %arg10[%run_scoped3A_476, %dma_start3A_655, %dma_start3A_656] : memref<2x128x128xf32, #tpu.memory_space<vmem>> -> memref<1x128x128xf32, #tpu.memory_space<vmem>>
      %dma_start3A_658 = tpu.memref_squeeze %dma_start3A_657 : memref<1x128x128xf32, #tpu.memory_space<vmem>> -> memref<128x128xf32, #tpu.memory_space<vmem>>
      %dma_start3A_659 = arith.constant 0 : i32
      %dma_start3A_660 = tpu.memref_slice %arg7[%add3A_475, %dma_start3A_659] : memref<32768x128xf32, #tpu.memory_space<hbm>> -> memref<128x128xf32, #tpu.memory_space<hbm>>
      %dma_start3A_661 = arith.constant 0 : i32
      %dma_start3A_662 = tpu.memref_slice %arg7[%add3A_475, %dma_start3A_661] : memref<32768x128xf32, #tpu.memory_space<hbm>> -> memref<128x128xf32, #tpu.memory_space<hbm>>
      %dma_start3A_663 = arith.constant 0 : i32
      %dma_start3A_664 = arith.constant 0 : i32
      %dma_start3A_665 = tpu.memref_slice %arg10[%run_scoped3A_476, %dma_start3A_663, %dma_start3A_664] : memref<2x128x128xf32, #tpu.memory_space<vmem>> -> memref<1x128x128xf32, #tpu.memory_space<vmem>>
      %dma_start3A_666 = tpu.memref_squeeze %dma_start3A_665 : memref<1x128x128xf32, #tpu.memory_space<vmem>> -> memref<128x128xf32, #tpu.memory_space<vmem>>
      tpu.enqueue_dma source(%dma_start3A_666 : memref<128x128xf32, #tpu.memory_space<vmem>>) target(%dma_start3A_662 : memref<128x128xf32, #tpu.memory_space<hbm>>) target_semaphore(%run_scoped3A_654 : memref<!tpu.dma_semaphore, #tpu.memory_space<semaphore_mem>>)
      %dma_wait3A_667 = arith.constant 0 : i32
      %dma_wait3A_668 = arith.constant 0 : i32
      %dma_wait3A_669 = tpu.memref_slice %arg10[%run_scoped3A_476, %dma_wait3A_667, %dma_wait3A_668] : memref<2x128x128xf32, #tpu.memory_space<vmem>> -> memref<1x128x128xf32, #tpu.memory_space<vmem>>
      %dma_wait3A_670 = tpu.memref_squeeze %dma_wait3A_669 : memref<1x128x128xf32, #tpu.memory_space<vmem>> -> memref<128x128xf32, #tpu.memory_space<vmem>>
      %dma_wait3A_671 = arith.constant 0 : i32
      %dma_wait3A_672 = tpu.memref_slice %arg7[%add3A_475, %dma_wait3A_671] : memref<32768x128xf32, #tpu.memory_space<hbm>> -> memref<128x128xf32, #tpu.memory_space<hbm>>
      %dma_wait3A_673 = arith.constant 0 : i32
      %dma_wait3A_674 = tpu.memref_slice %arg7[%add3A_475, %dma_wait3A_673] : memref<32768x128xf32, #tpu.memory_space<hbm>> -> memref<128x128xf32, #tpu.memory_space<hbm>>
      %dma_wait3A_675 = arith.constant 0 : i32
      %dma_wait3A_676 = arith.constant 0 : i32
      %dma_wait3A_677 = tpu.memref_slice %arg10[%run_scoped3A_476, %dma_wait3A_675, %dma_wait3A_676] : memref<2x128x128xf32, #tpu.memory_space<vmem>> -> memref<1x128x128xf32, #tpu.memory_space<vmem>>
      %dma_wait3A_678 = tpu.memref_squeeze %dma_wait3A_677 : memref<1x128x128xf32, #tpu.memory_space<vmem>> -> memref<128x128xf32, #tpu.memory_space<vmem>>
      tpu.wait_dma2 semaphore(%run_scoped3A_654 : memref<!tpu.dma_semaphore, #tpu.memory_space<semaphore_mem>>) src(%dma_wait3A_678 : memref<128x128xf32, #tpu.memory_space<vmem>>) dst(%dma_wait3A_674 : memref<128x128xf32, #tpu.memory_space<hbm>>)
      tpu.yield
    }) : () -> ()
    %dma_start3A_477 = arith.constant 2 : i32
    %dma_start3A_478 = arith.constant 0 : i32
    %dma_start3A_479 = arith.constant 0 : i32
    %dma_start3A_480 = arith.constant 0 : i32
    %dma_start3A_481 = tpu.memref_slice %arg10[%dma_start3A_478, %dma_start3A_479, %dma_start3A_480] : memref<2x128x128xf32, #tpu.memory_space<vmem>> -> memref<1x128x128xf32, #tpu.memory_space<vmem>>
    %dma_start3A_482 = tpu.memref_squeeze %dma_start3A_481 : memref<1x128x128xf32, #tpu.memory_space<vmem>> -> memref<128x128xf32, #tpu.memory_space<vmem>>
    %dma_start3A_483 = arith.constant 0 : i32
    %dma_start3A_484 = tpu.memref_slice %arg9[%dma_start3A_477, %dma_start3A_483] : memref<8x128xi32, #tpu.memory_space<vmem>> -> memref<1x128xi32, #tpu.memory_space<vmem>>
    %dma_start3A_485 = tpu.memref_squeeze %dma_start3A_484 : memref<1x128xi32, #tpu.memory_space<vmem>> -> memref<128xi32, #tpu.memory_space<vmem>>
    %dma_start3A_486 = arith.constant 0 : i32
    %dma_start3A_487 = arith.constant 0 : i32
    %dma_start3A_488 = tpu.memref_slice %arg3[%dma_start3A_486, %dma_start3A_487] : memref<500000x128xf32, #tpu.memory_space<hbm>> -> memref<500000x128xf32, #tpu.memory_space<hbm>>
    tpu.enqueue_indirect_dma source(%dma_start3A_488 : memref<500000x128xf32, #tpu.memory_space<hbm>>) target(%dma_start3A_482 : memref<128x128xf32, #tpu.memory_space<vmem>>) offsets(%dma_start3A_485 : memref<128xi32, #tpu.memory_space<vmem>>) semaphore(%arg11 : memref<!tpu.dma_semaphore, #tpu.memory_space<semaphore_mem>>)
    %dma_wait3A_489 = arith.constant 1 : i32
    %dma_wait3A_490 = arith.constant 1 : i32
    %dma_wait3A_491 = arith.constant 0 : i32
    %dma_wait3A_492 = arith.constant 0 : i32
    %dma_wait3A_493 = tpu.memref_slice %arg10[%dma_wait3A_490, %dma_wait3A_491, %dma_wait3A_492] : memref<2x128x128xf32, #tpu.memory_space<vmem>> -> memref<1x128x128xf32, #tpu.memory_space<vmem>>
    %dma_wait3A_494 = tpu.memref_squeeze %dma_wait3A_493 : memref<1x128x128xf32, #tpu.memory_space<vmem>> -> memref<128x128xf32, #tpu.memory_space<vmem>>
    %dma_wait3A_495 = arith.constant 0 : i32
    %dma_wait3A_496 = tpu.memref_slice %arg9[%dma_wait3A_489, %dma_wait3A_495] : memref<8x128xi32, #tpu.memory_space<vmem>> -> memref<1x128xi32, #tpu.memory_space<vmem>>
    %dma_wait3A_497 = tpu.memref_squeeze %dma_wait3A_496 : memref<1x128xi32, #tpu.memory_space<vmem>> -> memref<128xi32, #tpu.memory_space<vmem>>
    %dma_wait3A_498 = arith.constant 0 : i32
    %dma_wait3A_499 = arith.constant 0 : i32
    %dma_wait3A_500 = tpu.memref_slice %arg3[%dma_wait3A_498, %dma_wait3A_499] : memref<500000x128xf32, #tpu.memory_space<hbm>> -> memref<500000x128xf32, #tpu.memory_space<hbm>>
    tpu.wait_indirect_dma semaphore(%arg12 : memref<!tpu.dma_semaphore, #tpu.memory_space<semaphore_mem>>) src(%dma_wait3A_500 : memref<500000x128xf32, #tpu.memory_space<hbm>>) dst(%dma_wait3A_494 : memref<128x128xf32, #tpu.memory_space<vmem>>)
    %add3A_501 = arith.constant 128 : i32
    %add3A_502 = arith.addi %mul3A_437, %add3A_501 : i32
    %run_scoped3A_503 = arith.constant 1 : i32
    "tpu.region"() ({
      %run_scoped3A_654 = tpu.sem_alloc : memref<!tpu.dma_semaphore, #tpu.memory_space<semaphore_mem>>
      %dma_start3A_655 = arith.constant 0 : i32
      %dma_start3A_656 = arith.constant 0 : i32
      %dma_start3A_657 = tpu.memref_slice %arg10[%run_scoped3A_503, %dma_start3A_655, %dma_start3A_656] : memref<2x128x128xf32, #tpu.memory_space<vmem>> -> memref<1x128x128xf32, #tpu.memory_space<vmem>>
      %dma_start3A_658 = tpu.memref_squeeze %dma_start3A_657 : memref<1x128x128xf32, #tpu.memory_space<vmem>> -> memref<128x128xf32, #tpu.memory_space<vmem>>
      %dma_start3A_659 = arith.constant 0 : i32
      %dma_start3A_660 = tpu.memref_slice %arg7[%add3A_502, %dma_start3A_659] : memref<32768x128xf32, #tpu.memory_space<hbm>> -> memref<128x128xf32, #tpu.memory_space<hbm>>
      %dma_start3A_661 = arith.constant 0 : i32
      %dma_start3A_662 = tpu.memref_slice %arg7[%add3A_502, %dma_start3A_661] : memref<32768x128xf32, #tpu.memory_space<hbm>> -> memref<128x128xf32, #tpu.memory_space<hbm>>
      %dma_start3A_663 = arith.constant 0 : i32
      %dma_start3A_664 = arith.constant 0 : i32
      %dma_start3A_665 = tpu.memref_slice %arg10[%run_scoped3A_503, %dma_start3A_663, %dma_start3A_664] : memref<2x128x128xf32, #tpu.memory_space<vmem>> -> memref<1x128x128xf32, #tpu.memory_space<vmem>>
      %dma_start3A_666 = tpu.memref_squeeze %dma_start3A_665 : memref<1x128x128xf32, #tpu.memory_space<vmem>> -> memref<128x128xf32, #tpu.memory_space<vmem>>
      tpu.enqueue_dma source(%dma_start3A_666 : memref<128x128xf32, #tpu.memory_space<vmem>>) target(%dma_start3A_662 : memref<128x128xf32, #tpu.memory_space<hbm>>) target_semaphore(%run_scoped3A_654 : memref<!tpu.dma_semaphore, #tpu.memory_space<semaphore_mem>>)
      %dma_wait3A_667 = arith.constant 0 : i32
      %dma_wait3A_668 = arith.constant 0 : i32
      %dma_wait3A_669 = tpu.memref_slice %arg10[%run_scoped3A_503, %dma_wait3A_667, %dma_wait3A_668] : memref<2x128x128xf32, #tpu.memory_space<vmem>> -> memref<1x128x128xf32, #tpu.memory_space<vmem>>
      %dma_wait3A_670 = tpu.memref_squeeze %dma_wait3A_669 : memref<1x128x128xf32, #tpu.memory_space<vmem>> -> memref<128x128xf32, #tpu.memory_space<vmem>>
      %dma_wait3A_671 = arith.constant 0 : i32
      %dma_wait3A_672 = tpu.memref_slice %arg7[%add3A_502, %dma_wait3A_671] : memref<32768x128xf32, #tpu.memory_space<hbm>> -> memref<128x128xf32, #tpu.memory_space<hbm>>
      %dma_wait3A_673 = arith.constant 0 : i32
      %dma_wait3A_674 = tpu.memref_slice %arg7[%add3A_502, %dma_wait3A_673] : memref<32768x128xf32, #tpu.memory_space<hbm>> -> memref<128x128xf32, #tpu.memory_space<hbm>>
      %dma_wait3A_675 = arith.constant 0 : i32
      %dma_wait3A_676 = arith.constant 0 : i32
      %dma_wait3A_677 = tpu.memref_slice %arg10[%run_scoped3A_503, %dma_wait3A_675, %dma_wait3A_676] : memref<2x128x128xf32, #tpu.memory_space<vmem>> -> memref<1x128x128xf32, #tpu.memory_space<vmem>>
      %dma_wait3A_678 = tpu.memref_squeeze %dma_wait3A_677 : memref<1x128x128xf32, #tpu.memory_space<vmem>> -> memref<128x128xf32, #tpu.memory_space<vmem>>
      tpu.wait_dma2 semaphore(%run_scoped3A_654 : memref<!tpu.dma_semaphore, #tpu.memory_space<semaphore_mem>>) src(%dma_wait3A_678 : memref<128x128xf32, #tpu.memory_space<vmem>>) dst(%dma_wait3A_674 : memref<128x128xf32, #tpu.memory_space<hbm>>)
      tpu.yield
    }) : () -> ()
    %dma_start3A_504 = arith.constant 3 : i32
    %dma_start3A_505 = arith.constant 1 : i32
    %dma_start3A_506 = arith.constant 0 : i32
    %dma_start3A_507 = arith.constant 0 : i32
    %dma_start3A_508 = tpu.memref_slice %arg10[%dma_start3A_505, %dma_start3A_506, %dma_start3A_507] : memref<2x128x128xf32, #tpu.memory_space<vmem>> -> memref<1x128x128xf32, #tpu.memory_space<vmem>>
    %dma_start3A_509 = tpu.memref_squeeze %dma_start3A_508 : memref<1x128x128xf32, #tpu.memory_space<vmem>> -> memref<128x128xf32, #tpu.memory_space<vmem>>
    %dma_start3A_510 = arith.constant 0 : i32
    %dma_start3A_511 = tpu.memref_slice %arg9[%dma_start3A_504, %dma_start3A_510] : memref<8x128xi32, #tpu.memory_space<vmem>> -> memref<1x128xi32, #tpu.memory_space<vmem>>
    %dma_start3A_512 = tpu.memref_squeeze %dma_start3A_511 : memref<1x128xi32, #tpu.memory_space<vmem>> -> memref<128xi32, #tpu.memory_space<vmem>>
    %dma_start3A_513 = arith.constant 0 : i32
    %dma_start3A_514 = arith.constant 0 : i32
    %dma_start3A_515 = tpu.memref_slice %arg3[%dma_start3A_513, %dma_start3A_514] : memref<500000x128xf32, #tpu.memory_space<hbm>> -> memref<500000x128xf32, #tpu.memory_space<hbm>>
    tpu.enqueue_indirect_dma source(%dma_start3A_515 : memref<500000x128xf32, #tpu.memory_space<hbm>>) target(%dma_start3A_509 : memref<128x128xf32, #tpu.memory_space<vmem>>) offsets(%dma_start3A_512 : memref<128xi32, #tpu.memory_space<vmem>>) semaphore(%arg12 : memref<!tpu.dma_semaphore, #tpu.memory_space<semaphore_mem>>)
    %dma_wait3A_516 = arith.constant 2 : i32
    %dma_wait3A_517 = arith.constant 0 : i32
    %dma_wait3A_518 = arith.constant 0 : i32
    %dma_wait3A_519 = arith.constant 0 : i32
    %dma_wait3A_520 = tpu.memref_slice %arg10[%dma_wait3A_517, %dma_wait3A_518, %dma_wait3A_519] : memref<2x128x128xf32, #tpu.memory_space<vmem>> -> memref<1x128x128xf32, #tpu.memory_space<vmem>>
    %dma_wait3A_521 = tpu.memref_squeeze %dma_wait3A_520 : memref<1x128x128xf32, #tpu.memory_space<vmem>> -> memref<128x128xf32, #tpu.memory_space<vmem>>
    %dma_wait3A_522 = arith.constant 0 : i32
    %dma_wait3A_523 = tpu.memref_slice %arg9[%dma_wait3A_516, %dma_wait3A_522] : memref<8x128xi32, #tpu.memory_space<vmem>> -> memref<1x128xi32, #tpu.memory_space<vmem>>
    %dma_wait3A_524 = tpu.memref_squeeze %dma_wait3A_523 : memref<1x128xi32, #tpu.memory_space<vmem>> -> memref<128xi32, #tpu.memory_space<vmem>>
    %dma_wait3A_525 = arith.constant 0 : i32
    %dma_wait3A_526 = arith.constant 0 : i32
    %dma_wait3A_527 = tpu.memref_slice %arg3[%dma_wait3A_525, %dma_wait3A_526] : memref<500000x128xf32, #tpu.memory_space<hbm>> -> memref<500000x128xf32, #tpu.memory_space<hbm>>
    tpu.wait_indirect_dma semaphore(%arg11 : memref<!tpu.dma_semaphore, #tpu.memory_space<semaphore_mem>>) src(%dma_wait3A_527 : memref<500000x128xf32, #tpu.memory_space<hbm>>) dst(%dma_wait3A_521 : memref<128x128xf32, #tpu.memory_space<vmem>>)
    %add3A_528 = arith.constant 256 : i32
    %add3A_529 = arith.addi %mul3A_437, %add3A_528 : i32
    %run_scoped3A_530 = arith.constant 0 : i32
    "tpu.region"() ({
      %run_scoped3A_654 = tpu.sem_alloc : memref<!tpu.dma_semaphore, #tpu.memory_space<semaphore_mem>>
      %dma_start3A_655 = arith.constant 0 : i32
      %dma_start3A_656 = arith.constant 0 : i32
      %dma_start3A_657 = tpu.memref_slice %arg10[%run_scoped3A_530, %dma_start3A_655, %dma_start3A_656] : memref<2x128x128xf32, #tpu.memory_space<vmem>> -> memref<1x128x128xf32, #tpu.memory_space<vmem>>
      %dma_start3A_658 = tpu.memref_squeeze %dma_start3A_657 : memref<1x128x128xf32, #tpu.memory_space<vmem>> -> memref<128x128xf32, #tpu.memory_space<vmem>>
      %dma_start3A_659 = arith.constant 0 : i32
      %dma_start3A_660 = tpu.memref_slice %arg7[%add3A_529, %dma_start3A_659] : memref<32768x128xf32, #tpu.memory_space<hbm>> -> memref<128x128xf32, #tpu.memory_space<hbm>>
      %dma_start3A_661 = arith.constant 0 : i32
      %dma_start3A_662 = tpu.memref_slice %arg7[%add3A_529, %dma_start3A_661] : memref<32768x128xf32, #tpu.memory_space<hbm>> -> memref<128x128xf32, #tpu.memory_space<hbm>>
      %dma_start3A_663 = arith.constant 0 : i32
      %dma_start3A_664 = arith.constant 0 : i32
      %dma_start3A_665 = tpu.memref_slice %arg10[%run_scoped3A_530, %dma_start3A_663, %dma_start3A_664] : memref<2x128x128xf32, #tpu.memory_space<vmem>> -> memref<1x128x128xf32, #tpu.memory_space<vmem>>
      %dma_start3A_666 = tpu.memref_squeeze %dma_start3A_665 : memref<1x128x128xf32, #tpu.memory_space<vmem>> -> memref<128x128xf32, #tpu.memory_space<vmem>>
      tpu.enqueue_dma source(%dma_start3A_666 : memref<128x128xf32, #tpu.memory_space<vmem>>) target(%dma_start3A_662 : memref<128x128xf32, #tpu.memory_space<hbm>>) target_semaphore(%run_scoped3A_654 : memref<!tpu.dma_semaphore, #tpu.memory_space<semaphore_mem>>)
      %dma_wait3A_667 = arith.constant 0 : i32
      %dma_wait3A_668 = arith.constant 0 : i32
      %dma_wait3A_669 = tpu.memref_slice %arg10[%run_scoped3A_530, %dma_wait3A_667, %dma_wait3A_668] : memref<2x128x128xf32, #tpu.memory_space<vmem>> -> memref<1x128x128xf32, #tpu.memory_space<vmem>>
      %dma_wait3A_670 = tpu.memref_squeeze %dma_wait3A_669 : memref<1x128x128xf32, #tpu.memory_space<vmem>> -> memref<128x128xf32, #tpu.memory_space<vmem>>
      %dma_wait3A_671 = arith.constant 0 : i32
      %dma_wait3A_672 = tpu.memref_slice %arg7[%add3A_529, %dma_wait3A_671] : memref<32768x128xf32, #tpu.memory_space<hbm>> -> memref<128x128xf32, #tpu.memory_space<hbm>>
      %dma_wait3A_673 = arith.constant 0 : i32
      %dma_wait3A_674 = tpu.memref_slice %arg7[%add3A_529, %dma_wait3A_673] : memref<32768x128xf32, #tpu.memory_space<hbm>> -> memref<128x128xf32, #tpu.memory_space<hbm>>
      %dma_wait3A_675 = arith.constant 0 : i32
      %dma_wait3A_676 = arith.constant 0 : i32
      %dma_wait3A_677 = tpu.memref_slice %arg10[%run_scoped3A_530, %dma_wait3A_675, %dma_wait3A_676] : memref<2x128x128xf32, #tpu.memory_space<vmem>> -> memref<1x128x128xf32, #tpu.memory_space<vmem>>
      %dma_wait3A_678 = tpu.memref_squeeze %dma_wait3A_677 : memref<1x128x128xf32, #tpu.memory_space<vmem>> -> memref<128x128xf32, #tpu.memory_space<vmem>>
      tpu.wait_dma2 semaphore(%run_scoped3A_654 : memref<!tpu.dma_semaphore, #tpu.memory_space<semaphore_mem>>) src(%dma_wait3A_678 : memref<128x128xf32, #tpu.memory_space<vmem>>) dst(%dma_wait3A_674 : memref<128x128xf32, #tpu.memory_space<hbm>>)
      tpu.yield
    }) : () -> ()
    %dma_start3A_531 = arith.constant 4 : i32
    %dma_start3A_532 = arith.constant 0 : i32
    %dma_start3A_533 = arith.constant 0 : i32
    %dma_start3A_534 = arith.constant 0 : i32
    %dma_start3A_535 = tpu.memref_slice %arg10[%dma_start3A_532, %dma_start3A_533, %dma_start3A_534] : memref<2x128x128xf32, #tpu.memory_space<vmem>> -> memref<1x128x128xf32, #tpu.memory_space<vmem>>
    %dma_start3A_536 = tpu.memref_squeeze %dma_start3A_535 : memref<1x128x128xf32, #tpu.memory_space<vmem>> -> memref<128x128xf32, #tpu.memory_space<vmem>>
    %dma_start3A_537 = arith.constant 0 : i32
    %dma_start3A_538 = tpu.memref_slice %arg9[%dma_start3A_531, %dma_start3A_537] : memref<8x128xi32, #tpu.memory_space<vmem>> -> memref<1x128xi32, #tpu.memory_space<vmem>>
    %dma_start3A_539 = tpu.memref_squeeze %dma_start3A_538 : memref<1x128xi32, #tpu.memory_space<vmem>> -> memref<128xi32, #tpu.memory_space<vmem>>
    %dma_start3A_540 = arith.constant 0 : i32
    %dma_start3A_541 = arith.constant 0 : i32
    %dma_start3A_542 = tpu.memref_slice %arg3[%dma_start3A_540, %dma_start3A_541] : memref<500000x128xf32, #tpu.memory_space<hbm>> -> memref<500000x128xf32, #tpu.memory_space<hbm>>
    tpu.enqueue_indirect_dma source(%dma_start3A_542 : memref<500000x128xf32, #tpu.memory_space<hbm>>) target(%dma_start3A_536 : memref<128x128xf32, #tpu.memory_space<vmem>>) offsets(%dma_start3A_539 : memref<128xi32, #tpu.memory_space<vmem>>) semaphore(%arg11 : memref<!tpu.dma_semaphore, #tpu.memory_space<semaphore_mem>>)
    %dma_wait3A_543 = arith.constant 3 : i32
    %dma_wait3A_544 = arith.constant 1 : i32
    %dma_wait3A_545 = arith.constant 0 : i32
    %dma_wait3A_546 = arith.constant 0 : i32
    %dma_wait3A_547 = tpu.memref_slice %arg10[%dma_wait3A_544, %dma_wait3A_545, %dma_wait3A_546] : memref<2x128x128xf32, #tpu.memory_space<vmem>> -> memref<1x128x128xf32, #tpu.memory_space<vmem>>
    %dma_wait3A_548 = tpu.memref_squeeze %dma_wait3A_547 : memref<1x128x128xf32, #tpu.memory_space<vmem>> -> memref<128x128xf32, #tpu.memory_space<vmem>>
    %dma_wait3A_549 = arith.constant 0 : i32
    %dma_wait3A_550 = tpu.memref_slice %arg9[%dma_wait3A_543, %dma_wait3A_549] : memref<8x128xi32, #tpu.memory_space<vmem>> -> memref<1x128xi32, #tpu.memory_space<vmem>>
    %dma_wait3A_551 = tpu.memref_squeeze %dma_wait3A_550 : memref<1x128xi32, #tpu.memory_space<vmem>> -> memref<128xi32, #tpu.memory_space<vmem>>
    %dma_wait3A_552 = arith.constant 0 : i32
    %dma_wait3A_553 = arith.constant 0 : i32
    %dma_wait3A_554 = tpu.memref_slice %arg3[%dma_wait3A_552, %dma_wait3A_553] : memref<500000x128xf32, #tpu.memory_space<hbm>> -> memref<500000x128xf32, #tpu.memory_space<hbm>>
    tpu.wait_indirect_dma semaphore(%arg12 : memref<!tpu.dma_semaphore, #tpu.memory_space<semaphore_mem>>) src(%dma_wait3A_554 : memref<500000x128xf32, #tpu.memory_space<hbm>>) dst(%dma_wait3A_548 : memref<128x128xf32, #tpu.memory_space<vmem>>)
    %add3A_555 = arith.constant 384 : i32
    %add3A_556 = arith.addi %mul3A_437, %add3A_555 : i32
    %run_scoped3A_557 = arith.constant 1 : i32
    "tpu.region"() ({
      %run_scoped3A_654 = tpu.sem_alloc : memref<!tpu.dma_semaphore, #tpu.memory_space<semaphore_mem>>
      %dma_start3A_655 = arith.constant 0 : i32
      %dma_start3A_656 = arith.constant 0 : i32
      %dma_start3A_657 = tpu.memref_slice %arg10[%run_scoped3A_557, %dma_start3A_655, %dma_start3A_656] : memref<2x128x128xf32, #tpu.memory_space<vmem>> -> memref<1x128x128xf32, #tpu.memory_space<vmem>>
      %dma_start3A_658 = tpu.memref_squeeze %dma_start3A_657 : memref<1x128x128xf32, #tpu.memory_space<vmem>> -> memref<128x128xf32, #tpu.memory_space<vmem>>
      %dma_start3A_659 = arith.constant 0 : i32
      %dma_start3A_660 = tpu.memref_slice %arg7[%add3A_556, %dma_start3A_659] : memref<32768x128xf32, #tpu.memory_space<hbm>> -> memref<128x128xf32, #tpu.memory_space<hbm>>
      %dma_start3A_661 = arith.constant 0 : i32
      %dma_start3A_662 = tpu.memref_slice %arg7[%add3A_556, %dma_start3A_661] : memref<32768x128xf32, #tpu.memory_space<hbm>> -> memref<128x128xf32, #tpu.memory_space<hbm>>
      %dma_start3A_663 = arith.constant 0 : i32
      %dma_start3A_664 = arith.constant 0 : i32
      %dma_start3A_665 = tpu.memref_slice %arg10[%run_scoped3A_557, %dma_start3A_663, %dma_start3A_664] : memref<2x128x128xf32, #tpu.memory_space<vmem>> -> memref<1x128x128xf32, #tpu.memory_space<vmem>>
      %dma_start3A_666 = tpu.memref_squeeze %dma_start3A_665 : memref<1x128x128xf32, #tpu.memory_space<vmem>> -> memref<128x128xf32, #tpu.memory_space<vmem>>
      tpu.enqueue_dma source(%dma_start3A_666 : memref<128x128xf32, #tpu.memory_space<vmem>>) target(%dma_start3A_662 : memref<128x128xf32, #tpu.memory_space<hbm>>) target_semaphore(%run_scoped3A_654 : memref<!tpu.dma_semaphore, #tpu.memory_space<semaphore_mem>>)
      %dma_wait3A_667 = arith.constant 0 : i32
      %dma_wait3A_668 = arith.constant 0 : i32
      %dma_wait3A_669 = tpu.memref_slice %arg10[%run_scoped3A_557, %dma_wait3A_667, %dma_wait3A_668] : memref<2x128x128xf32, #tpu.memory_space<vmem>> -> memref<1x128x128xf32, #tpu.memory_space<vmem>>
      %dma_wait3A_670 = tpu.memref_squeeze %dma_wait3A_669 : memref<1x128x128xf32, #tpu.memory_space<vmem>> -> memref<128x128xf32, #tpu.memory_space<vmem>>
      %dma_wait3A_671 = arith.constant 0 : i32
      %dma_wait3A_672 = tpu.memref_slice %arg7[%add3A_556, %dma_wait3A_671] : memref<32768x128xf32, #tpu.memory_space<hbm>> -> memref<128x128xf32, #tpu.memory_space<hbm>>
      %dma_wait3A_673 = arith.constant 0 : i32
      %dma_wait3A_674 = tpu.memref_slice %arg7[%add3A_556, %dma_wait3A_673] : memref<32768x128xf32, #tpu.memory_space<hbm>> -> memref<128x128xf32, #tpu.memory_space<hbm>>
      %dma_wait3A_675 = arith.constant 0 : i32
      %dma_wait3A_676 = arith.constant 0 : i32
      %dma_wait3A_677 = tpu.memref_slice %arg10[%run_scoped3A_557, %dma_wait3A_675, %dma_wait3A_676] : memref<2x128x128xf32, #tpu.memory_space<vmem>> -> memref<1x128x128xf32, #tpu.memory_space<vmem>>
      %dma_wait3A_678 = tpu.memref_squeeze %dma_wait3A_677 : memref<1x128x128xf32, #tpu.memory_space<vmem>> -> memref<128x128xf32, #tpu.memory_space<vmem>>
      tpu.wait_dma2 semaphore(%run_scoped3A_654 : memref<!tpu.dma_semaphore, #tpu.memory_space<semaphore_mem>>) src(%dma_wait3A_678 : memref<128x128xf32, #tpu.memory_space<vmem>>) dst(%dma_wait3A_674 : memref<128x128xf32, #tpu.memory_space<hbm>>)
      tpu.yield
    }) : () -> ()
    %dma_start3A_558 = arith.constant 5 : i32
    %dma_start3A_559 = arith.constant 1 : i32
    %dma_start3A_560 = arith.constant 0 : i32
    %dma_start3A_561 = arith.constant 0 : i32
    %dma_start3A_562 = tpu.memref_slice %arg10[%dma_start3A_559, %dma_start3A_560, %dma_start3A_561] : memref<2x128x128xf32, #tpu.memory_space<vmem>> -> memref<1x128x128xf32, #tpu.memory_space<vmem>>
    %dma_start3A_563 = tpu.memref_squeeze %dma_start3A_562 : memref<1x128x128xf32, #tpu.memory_space<vmem>> -> memref<128x128xf32, #tpu.memory_space<vmem>>
    %dma_start3A_564 = arith.constant 0 : i32
    %dma_start3A_565 = tpu.memref_slice %arg9[%dma_start3A_558, %dma_start3A_564] : memref<8x128xi32, #tpu.memory_space<vmem>> -> memref<1x128xi32, #tpu.memory_space<vmem>>
    %dma_start3A_566 = tpu.memref_squeeze %dma_start3A_565 : memref<1x128xi32, #tpu.memory_space<vmem>> -> memref<128xi32, #tpu.memory_space<vmem>>
    %dma_start3A_567 = arith.constant 0 : i32
    %dma_start3A_568 = arith.constant 0 : i32
    %dma_start3A_569 = tpu.memref_slice %arg3[%dma_start3A_567, %dma_start3A_568] : memref<500000x128xf32, #tpu.memory_space<hbm>> -> memref<500000x128xf32, #tpu.memory_space<hbm>>
    tpu.enqueue_indirect_dma source(%dma_start3A_569 : memref<500000x128xf32, #tpu.memory_space<hbm>>) target(%dma_start3A_563 : memref<128x128xf32, #tpu.memory_space<vmem>>) offsets(%dma_start3A_566 : memref<128xi32, #tpu.memory_space<vmem>>) semaphore(%arg12 : memref<!tpu.dma_semaphore, #tpu.memory_space<semaphore_mem>>)
    %dma_wait3A_570 = arith.constant 4 : i32
    %dma_wait3A_571 = arith.constant 0 : i32
    %dma_wait3A_572 = arith.constant 0 : i32
    %dma_wait3A_573 = arith.constant 0 : i32
    %dma_wait3A_574 = tpu.memref_slice %arg10[%dma_wait3A_571, %dma_wait3A_572, %dma_wait3A_573] : memref<2x128x128xf32, #tpu.memory_space<vmem>> -> memref<1x128x128xf32, #tpu.memory_space<vmem>>
    %dma_wait3A_575 = tpu.memref_squeeze %dma_wait3A_574 : memref<1x128x128xf32, #tpu.memory_space<vmem>> -> memref<128x128xf32, #tpu.memory_space<vmem>>
    %dma_wait3A_576 = arith.constant 0 : i32
    %dma_wait3A_577 = tpu.memref_slice %arg9[%dma_wait3A_570, %dma_wait3A_576] : memref<8x128xi32, #tpu.memory_space<vmem>> -> memref<1x128xi32, #tpu.memory_space<vmem>>
    %dma_wait3A_578 = tpu.memref_squeeze %dma_wait3A_577 : memref<1x128xi32, #tpu.memory_space<vmem>> -> memref<128xi32, #tpu.memory_space<vmem>>
    %dma_wait3A_579 = arith.constant 0 : i32
    %dma_wait3A_580 = arith.constant 0 : i32
    %dma_wait3A_581 = tpu.memref_slice %arg3[%dma_wait3A_579, %dma_wait3A_580] : memref<500000x128xf32, #tpu.memory_space<hbm>> -> memref<500000x128xf32, #tpu.memory_space<hbm>>
    tpu.wait_indirect_dma semaphore(%arg11 : memref<!tpu.dma_semaphore, #tpu.memory_space<semaphore_mem>>) src(%dma_wait3A_581 : memref<500000x128xf32, #tpu.memory_space<hbm>>) dst(%dma_wait3A_575 : memref<128x128xf32, #tpu.memory_space<vmem>>)
    %add3A_582 = arith.constant 512 : i32
    %add3A_583 = arith.addi %mul3A_437, %add3A_582 : i32
    %run_scoped3A_584 = arith.constant 0 : i32
    "tpu.region"() ({
      %run_scoped3A_654 = tpu.sem_alloc : memref<!tpu.dma_semaphore, #tpu.memory_space<semaphore_mem>>
      %dma_start3A_655 = arith.constant 0 : i32
      %dma_start3A_656 = arith.constant 0 : i32
      %dma_start3A_657 = tpu.memref_slice %arg10[%run_scoped3A_584, %dma_start3A_655, %dma_start3A_656] : memref<2x128x128xf32, #tpu.memory_space<vmem>> -> memref<1x128x128xf32, #tpu.memory_space<vmem>>
      %dma_start3A_658 = tpu.memref_squeeze %dma_start3A_657 : memref<1x128x128xf32, #tpu.memory_space<vmem>> -> memref<128x128xf32, #tpu.memory_space<vmem>>
      %dma_start3A_659 = arith.constant 0 : i32
      %dma_start3A_660 = tpu.memref_slice %arg7[%add3A_583, %dma_start3A_659] : memref<32768x128xf32, #tpu.memory_space<hbm>> -> memref<128x128xf32, #tpu.memory_space<hbm>>
      %dma_start3A_661 = arith.constant 0 : i32
      %dma_start3A_662 = tpu.memref_slice %arg7[%add3A_583, %dma_start3A_661] : memref<32768x128xf32, #tpu.memory_space<hbm>> -> memref<128x128xf32, #tpu.memory_space<hbm>>
      %dma_start3A_663 = arith.constant 0 : i32
      %dma_start3A_664 = arith.constant 0 : i32
      %dma_start3A_665 = tpu.memref_slice %arg10[%run_scoped3A_584, %dma_start3A_663, %dma_start3A_664] : memref<2x128x128xf32, #tpu.memory_space<vmem>> -> memref<1x128x128xf32, #tpu.memory_space<vmem>>
      %dma_start3A_666 = tpu.memref_squeeze %dma_start3A_665 : memref<1x128x128xf32, #tpu.memory_space<vmem>> -> memref<128x128xf32, #tpu.memory_space<vmem>>
      tpu.enqueue_dma source(%dma_start3A_666 : memref<128x128xf32, #tpu.memory_space<vmem>>) target(%dma_start3A_662 : memref<128x128xf32, #tpu.memory_space<hbm>>) target_semaphore(%run_scoped3A_654 : memref<!tpu.dma_semaphore, #tpu.memory_space<semaphore_mem>>)
      %dma_wait3A_667 = arith.constant 0 : i32
      %dma_wait3A_668 = arith.constant 0 : i32
      %dma_wait3A_669 = tpu.memref_slice %arg10[%run_scoped3A_584, %dma_wait3A_667, %dma_wait3A_668] : memref<2x128x128xf32, #tpu.memory_space<vmem>> -> memref<1x128x128xf32, #tpu.memory_space<vmem>>
      %dma_wait3A_670 = tpu.memref_squeeze %dma_wait3A_669 : memref<1x128x128xf32, #tpu.memory_space<vmem>> -> memref<128x128xf32, #tpu.memory_space<vmem>>
      %dma_wait3A_671 = arith.constant 0 : i32
      %dma_wait3A_672 = tpu.memref_slice %arg7[%add3A_583, %dma_wait3A_671] : memref<32768x128xf32, #tpu.memory_space<hbm>> -> memref<128x128xf32, #tpu.memory_space<hbm>>
      %dma_wait3A_673 = arith.constant 0 : i32
      %dma_wait3A_674 = tpu.memref_slice %arg7[%add3A_583, %dma_wait3A_673] : memref<32768x128xf32, #tpu.memory_space<hbm>> -> memref<128x128xf32, #tpu.memory_space<hbm>>
      %dma_wait3A_675 = arith.constant 0 : i32
      %dma_wait3A_676 = arith.constant 0 : i32
      %dma_wait3A_677 = tpu.memref_slice %arg10[%run_scoped3A_584, %dma_wait3A_675, %dma_wait3A_676] : memref<2x128x128xf32, #tpu.memory_space<vmem>> -> memref<1x128x128xf32, #tpu.memory_space<vmem>>
      %dma_wait3A_678 = tpu.memref_squeeze %dma_wait3A_677 : memref<1x128x128xf32, #tpu.memory_space<vmem>> -> memref<128x128xf32, #tpu.memory_space<vmem>>
      tpu.wait_dma2 semaphore(%run_scoped3A_654 : memref<!tpu.dma_semaphore, #tpu.memory_space<semaphore_mem>>) src(%dma_wait3A_678 : memref<128x128xf32, #tpu.memory_space<vmem>>) dst(%dma_wait3A_674 : memref<128x128xf32, #tpu.memory_space<hbm>>)
      tpu.yield
    }) : () -> ()
    %dma_start3A_585 = arith.constant 6 : i32
    %dma_start3A_586 = arith.constant 0 : i32
    %dma_start3A_587 = arith.constant 0 : i32
    %dma_start3A_588 = arith.constant 0 : i32
    %dma_start3A_589 = tpu.memref_slice %arg10[%dma_start3A_586, %dma_start3A_587, %dma_start3A_588] : memref<2x128x128xf32, #tpu.memory_space<vmem>> -> memref<1x128x128xf32, #tpu.memory_space<vmem>>
    %dma_start3A_590 = tpu.memref_squeeze %dma_start3A_589 : memref<1x128x128xf32, #tpu.memory_space<vmem>> -> memref<128x128xf32, #tpu.memory_space<vmem>>
    %dma_start3A_591 = arith.constant 0 : i32
    %dma_start3A_592 = tpu.memref_slice %arg9[%dma_start3A_585, %dma_start3A_591] : memref<8x128xi32, #tpu.memory_space<vmem>> -> memref<1x128xi32, #tpu.memory_space<vmem>>
    %dma_start3A_593 = tpu.memref_squeeze %dma_start3A_592 : memref<1x128xi32, #tpu.memory_space<vmem>> -> memref<128xi32, #tpu.memory_space<vmem>>
    %dma_start3A_594 = arith.constant 0 : i32
    %dma_start3A_595 = arith.constant 0 : i32
    %dma_start3A_596 = tpu.memref_slice %arg3[%dma_start3A_594, %dma_start3A_595] : memref<500000x128xf32, #tpu.memory_space<hbm>> -> memref<500000x128xf32, #tpu.memory_space<hbm>>
    tpu.enqueue_indirect_dma source(%dma_start3A_596 : memref<500000x128xf32, #tpu.memory_space<hbm>>) target(%dma_start3A_590 : memref<128x128xf32, #tpu.memory_space<vmem>>) offsets(%dma_start3A_593 : memref<128xi32, #tpu.memory_space<vmem>>) semaphore(%arg11 : memref<!tpu.dma_semaphore, #tpu.memory_space<semaphore_mem>>)
    %dma_wait3A_597 = arith.constant 5 : i32
    %dma_wait3A_598 = arith.constant 1 : i32
    %dma_wait3A_599 = arith.constant 0 : i32
    %dma_wait3A_600 = arith.constant 0 : i32
    %dma_wait3A_601 = tpu.memref_slice %arg10[%dma_wait3A_598, %dma_wait3A_599, %dma_wait3A_600] : memref<2x128x128xf32, #tpu.memory_space<vmem>> -> memref<1x128x128xf32, #tpu.memory_space<vmem>>
    %dma_wait3A_602 = tpu.memref_squeeze %dma_wait3A_601 : memref<1x128x128xf32, #tpu.memory_space<vmem>> -> memref<128x128xf32, #tpu.memory_space<vmem>>
    %dma_wait3A_603 = arith.constant 0 : i32
    %dma_wait3A_604 = tpu.memref_slice %arg9[%dma_wait3A_597, %dma_wait3A_603] : memref<8x128xi32, #tpu.memory_space<vmem>> -> memref<1x128xi32, #tpu.memory_space<vmem>>
    %dma_wait3A_605 = tpu.memref_squeeze %dma_wait3A_604 : memref<1x128xi32, #tpu.memory_space<vmem>> -> memref<128xi32, #tpu.memory_space<vmem>>
    %dma_wait3A_606 = arith.constant 0 : i32
    %dma_wait3A_607 = arith.constant 0 : i32
    %dma_wait3A_608 = tpu.memref_slice %arg3[%dma_wait3A_606, %dma_wait3A_607] : memref<500000x128xf32, #tpu.memory_space<hbm>> -> memref<500000x128xf32, #tpu.memory_space<hbm>>
    tpu.wait_indirect_dma semaphore(%arg12 : memref<!tpu.dma_semaphore, #tpu.memory_space<semaphore_mem>>) src(%dma_wait3A_608 : memref<500000x128xf32, #tpu.memory_space<hbm>>) dst(%dma_wait3A_602 : memref<128x128xf32, #tpu.memory_space<vmem>>)
    %add3A_609 = arith.constant 640 : i32
    %add3A_610 = arith.addi %mul3A_437, %add3A_609 : i32
    %run_scoped3A_611 = arith.constant 1 : i32
    "tpu.region"() ({
      %run_scoped3A_654 = tpu.sem_alloc : memref<!tpu.dma_semaphore, #tpu.memory_space<semaphore_mem>>
      %dma_start3A_655 = arith.constant 0 : i32
      %dma_start3A_656 = arith.constant 0 : i32
      %dma_start3A_657 = tpu.memref_slice %arg10[%run_scoped3A_611, %dma_start3A_655, %dma_start3A_656] : memref<2x128x128xf32, #tpu.memory_space<vmem>> -> memref<1x128x128xf32, #tpu.memory_space<vmem>>
      %dma_start3A_658 = tpu.memref_squeeze %dma_start3A_657 : memref<1x128x128xf32, #tpu.memory_space<vmem>> -> memref<128x128xf32, #tpu.memory_space<vmem>>
      %dma_start3A_659 = arith.constant 0 : i32
      %dma_start3A_660 = tpu.memref_slice %arg7[%add3A_610, %dma_start3A_659] : memref<32768x128xf32, #tpu.memory_space<hbm>> -> memref<128x128xf32, #tpu.memory_space<hbm>>
      %dma_start3A_661 = arith.constant 0 : i32
      %dma_start3A_662 = tpu.memref_slice %arg7[%add3A_610, %dma_start3A_661] : memref<32768x128xf32, #tpu.memory_space<hbm>> -> memref<128x128xf32, #tpu.memory_space<hbm>>
      %dma_start3A_663 = arith.constant 0 : i32
      %dma_start3A_664 = arith.constant 0 : i32
      %dma_start3A_665 = tpu.memref_slice %arg10[%run_scoped3A_611, %dma_start3A_663, %dma_start3A_664] : memref<2x128x128xf32, #tpu.memory_space<vmem>> -> memref<1x128x128xf32, #tpu.memory_space<vmem>>
      %dma_start3A_666 = tpu.memref_squeeze %dma_start3A_665 : memref<1x128x128xf32, #tpu.memory_space<vmem>> -> memref<128x128xf32, #tpu.memory_space<vmem>>
      tpu.enqueue_dma source(%dma_start3A_666 : memref<128x128xf32, #tpu.memory_space<vmem>>) target(%dma_start3A_662 : memref<128x128xf32, #tpu.memory_space<hbm>>) target_semaphore(%run_scoped3A_654 : memref<!tpu.dma_semaphore, #tpu.memory_space<semaphore_mem>>)
      %dma_wait3A_667 = arith.constant 0 : i32
      %dma_wait3A_668 = arith.constant 0 : i32
      %dma_wait3A_669 = tpu.memref_slice %arg10[%run_scoped3A_611, %dma_wait3A_667, %dma_wait3A_668] : memref<2x128x128xf32, #tpu.memory_space<vmem>> -> memref<1x128x128xf32, #tpu.memory_space<vmem>>
      %dma_wait3A_670 = tpu.memref_squeeze %dma_wait3A_669 : memref<1x128x128xf32, #tpu.memory_space<vmem>> -> memref<128x128xf32, #tpu.memory_space<vmem>>
      %dma_wait3A_671 = arith.constant 0 : i32
      %dma_wait3A_672 = tpu.memref_slice %arg7[%add3A_610, %dma_wait3A_671] : memref<32768x128xf32, #tpu.memory_space<hbm>> -> memref<128x128xf32, #tpu.memory_space<hbm>>
      %dma_wait3A_673 = arith.constant 0 : i32
      %dma_wait3A_674 = tpu.memref_slice %arg7[%add3A_610, %dma_wait3A_673] : memref<32768x128xf32, #tpu.memory_space<hbm>> -> memref<128x128xf32, #tpu.memory_space<hbm>>
      %dma_wait3A_675 = arith.constant 0 : i32
      %dma_wait3A_676 = arith.constant 0 : i32
      %dma_wait3A_677 = tpu.memref_slice %arg10[%run_scoped3A_611, %dma_wait3A_675, %dma_wait3A_676] : memref<2x128x128xf32, #tpu.memory_space<vmem>> -> memref<1x128x128xf32, #tpu.memory_space<vmem>>
      %dma_wait3A_678 = tpu.memref_squeeze %dma_wait3A_677 : memref<1x128x128xf32, #tpu.memory_space<vmem>> -> memref<128x128xf32, #tpu.memory_space<vmem>>
      tpu.wait_dma2 semaphore(%run_scoped3A_654 : memref<!tpu.dma_semaphore, #tpu.memory_space<semaphore_mem>>) src(%dma_wait3A_678 : memref<128x128xf32, #tpu.memory_space<vmem>>) dst(%dma_wait3A_674 : memref<128x128xf32, #tpu.memory_space<hbm>>)
      tpu.yield
    }) : () -> ()
    %dma_start3A_612 = arith.constant 7 : i32
    %dma_start3A_613 = arith.constant 1 : i32
    %dma_start3A_614 = arith.constant 0 : i32
    %dma_start3A_615 = arith.constant 0 : i32
    %dma_start3A_616 = tpu.memref_slice %arg10[%dma_start3A_613, %dma_start3A_614, %dma_start3A_615] : memref<2x128x128xf32, #tpu.memory_space<vmem>> -> memref<1x128x128xf32, #tpu.memory_space<vmem>>
    %dma_start3A_617 = tpu.memref_squeeze %dma_start3A_616 : memref<1x128x128xf32, #tpu.memory_space<vmem>> -> memref<128x128xf32, #tpu.memory_space<vmem>>
    %dma_start3A_618 = arith.constant 0 : i32
    %dma_start3A_619 = tpu.memref_slice %arg9[%dma_start3A_612, %dma_start3A_618] : memref<8x128xi32, #tpu.memory_space<vmem>> -> memref<1x128xi32, #tpu.memory_space<vmem>>
    %dma_start3A_620 = tpu.memref_squeeze %dma_start3A_619 : memref<1x128xi32, #tpu.memory_space<vmem>> -> memref<128xi32, #tpu.memory_space<vmem>>
    %dma_start3A_621 = arith.constant 0 : i32
    %dma_start3A_622 = arith.constant 0 : i32
    %dma_start3A_623 = tpu.memref_slice %arg3[%dma_start3A_621, %dma_start3A_622] : memref<500000x128xf32, #tpu.memory_space<hbm>> -> memref<500000x128xf32, #tpu.memory_space<hbm>>
    tpu.enqueue_indirect_dma source(%dma_start3A_623 : memref<500000x128xf32, #tpu.memory_space<hbm>>) target(%dma_start3A_617 : memref<128x128xf32, #tpu.memory_space<vmem>>) offsets(%dma_start3A_620 : memref<128xi32, #tpu.memory_space<vmem>>) semaphore(%arg12 : memref<!tpu.dma_semaphore, #tpu.memory_space<semaphore_mem>>)
    %dma_wait3A_624 = arith.constant 6 : i32
    %dma_wait3A_625 = arith.constant 0 : i32
    %dma_wait3A_626 = arith.constant 0 : i32
    %dma_wait3A_627 = arith.constant 0 : i32
    %dma_wait3A_628 = tpu.memref_slice %arg10[%dma_wait3A_625, %dma_wait3A_626, %dma_wait3A_627] : memref<2x128x128xf32, #tpu.memory_space<vmem>> -> memref<1x128x128xf32, #tpu.memory_space<vmem>>
    %dma_wait3A_629 = tpu.memref_squeeze %dma_wait3A_628 : memref<1x128x128xf32, #tpu.memory_space<vmem>> -> memref<128x128xf32, #tpu.memory_space<vmem>>
    %dma_wait3A_630 = arith.constant 0 : i32
    %dma_wait3A_631 = tpu.memref_slice %arg9[%dma_wait3A_624, %dma_wait3A_630] : memref<8x128xi32, #tpu.memory_space<vmem>> -> memref<1x128xi32, #tpu.memory_space<vmem>>
    %dma_wait3A_632 = tpu.memref_squeeze %dma_wait3A_631 : memref<1x128xi32, #tpu.memory_space<vmem>> -> memref<128xi32, #tpu.memory_space<vmem>>
    %dma_wait3A_633 = arith.constant 0 : i32
    %dma_wait3A_634 = arith.constant 0 : i32
    %dma_wait3A_635 = tpu.memref_slice %arg3[%dma_wait3A_633, %dma_wait3A_634] : memref<500000x128xf32, #tpu.memory_space<hbm>> -> memref<500000x128xf32, #tpu.memory_space<hbm>>
    tpu.wait_indirect_dma semaphore(%arg11 : memref<!tpu.dma_semaphore, #tpu.memory_space<semaphore_mem>>) src(%dma_wait3A_635 : memref<500000x128xf32, #tpu.memory_space<hbm>>) dst(%dma_wait3A_629 : memref<128x128xf32, #tpu.memory_space<vmem>>)
    %add3A_636 = arith.constant 768 : i32
    %add3A_637 = arith.addi %mul3A_437, %add3A_636 : i32
    %run_scoped3A_638 = arith.constant 0 : i32
    "tpu.region"() ({
      %run_scoped3A_654 = tpu.sem_alloc : memref<!tpu.dma_semaphore, #tpu.memory_space<semaphore_mem>>
      %dma_start3A_655 = arith.constant 0 : i32
      %dma_start3A_656 = arith.constant 0 : i32
      %dma_start3A_657 = tpu.memref_slice %arg10[%run_scoped3A_638, %dma_start3A_655, %dma_start3A_656] : memref<2x128x128xf32, #tpu.memory_space<vmem>> -> memref<1x128x128xf32, #tpu.memory_space<vmem>>
      %dma_start3A_658 = tpu.memref_squeeze %dma_start3A_657 : memref<1x128x128xf32, #tpu.memory_space<vmem>> -> memref<128x128xf32, #tpu.memory_space<vmem>>
      %dma_start3A_659 = arith.constant 0 : i32
      %dma_start3A_660 = tpu.memref_slice %arg7[%add3A_637, %dma_start3A_659] : memref<32768x128xf32, #tpu.memory_space<hbm>> -> memref<128x128xf32, #tpu.memory_space<hbm>>
      %dma_start3A_661 = arith.constant 0 : i32
      %dma_start3A_662 = tpu.memref_slice %arg7[%add3A_637, %dma_start3A_661] : memref<32768x128xf32, #tpu.memory_space<hbm>> -> memref<128x128xf32, #tpu.memory_space<hbm>>
      %dma_start3A_663 = arith.constant 0 : i32
      %dma_start3A_664 = arith.constant 0 : i32
      %dma_start3A_665 = tpu.memref_slice %arg10[%run_scoped3A_638, %dma_start3A_663, %dma_start3A_664] : memref<2x128x128xf32, #tpu.memory_space<vmem>> -> memref<1x128x128xf32, #tpu.memory_space<vmem>>
      %dma_start3A_666 = tpu.memref_squeeze %dma_start3A_665 : memref<1x128x128xf32, #tpu.memory_space<vmem>> -> memref<128x128xf32, #tpu.memory_space<vmem>>
      tpu.enqueue_dma source(%dma_start3A_666 : memref<128x128xf32, #tpu.memory_space<vmem>>) target(%dma_start3A_662 : memref<128x128xf32, #tpu.memory_space<hbm>>) target_semaphore(%run_scoped3A_654 : memref<!tpu.dma_semaphore, #tpu.memory_space<semaphore_mem>>)
      %dma_wait3A_667 = arith.constant 0 : i32
      %dma_wait3A_668 = arith.constant 0 : i32
      %dma_wait3A_669 = tpu.memref_slice %arg10[%run_scoped3A_638, %dma_wait3A_667, %dma_wait3A_668] : memref<2x128x128xf32, #tpu.memory_space<vmem>> -> memref<1x128x128xf32, #tpu.memory_space<vmem>>
      %dma_wait3A_670 = tpu.memref_squeeze %dma_wait3A_669 : memref<1x128x128xf32, #tpu.memory_space<vmem>> -> memref<128x128xf32, #tpu.memory_space<vmem>>
      %dma_wait3A_671 = arith.constant 0 : i32
      %dma_wait3A_672 = tpu.memref_slice %arg7[%add3A_637, %dma_wait3A_671] : memref<32768x128xf32, #tpu.memory_space<hbm>> -> memref<128x128xf32, #tpu.memory_space<hbm>>
      %dma_wait3A_673 = arith.constant 0 : i32
      %dma_wait3A_674 = tpu.memref_slice %arg7[%add3A_637, %dma_wait3A_673] : memref<32768x128xf32, #tpu.memory_space<hbm>> -> memref<128x128xf32, #tpu.memory_space<hbm>>
      %dma_wait3A_675 = arith.constant 0 : i32
      %dma_wait3A_676 = arith.constant 0 : i32
      %dma_wait3A_677 = tpu.memref_slice %arg10[%run_scoped3A_638, %dma_wait3A_675, %dma_wait3A_676] : memref<2x128x128xf32, #tpu.memory_space<vmem>> -> memref<1x128x128xf32, #tpu.memory_space<vmem>>
      %dma_wait3A_678 = tpu.memref_squeeze %dma_wait3A_677 : memref<1x128x128xf32, #tpu.memory_space<vmem>> -> memref<128x128xf32, #tpu.memory_space<vmem>>
      tpu.wait_dma2 semaphore(%run_scoped3A_654 : memref<!tpu.dma_semaphore, #tpu.memory_space<semaphore_mem>>) src(%dma_wait3A_678 : memref<128x128xf32, #tpu.memory_space<vmem>>) dst(%dma_wait3A_674 : memref<128x128xf32, #tpu.memory_space<hbm>>)
      tpu.yield
    }) : () -> ()
    %dma_wait3A_639 = arith.constant 7 : i32
    %dma_wait3A_640 = arith.constant 1 : i32
    %dma_wait3A_641 = arith.constant 0 : i32
    %dma_wait3A_642 = arith.constant 0 : i32
    %dma_wait3A_643 = tpu.memref_slice %arg10[%dma_wait3A_640, %dma_wait3A_641, %dma_wait3A_642] : memref<2x128x128xf32, #tpu.memory_space<vmem>> -> memref<1x128x128xf32, #tpu.memory_space<vmem>>
    %dma_wait3A_644 = tpu.memref_squeeze %dma_wait3A_643 : memref<1x128x128xf32, #tpu.memory_space<vmem>> -> memref<128x128xf32, #tpu.memory_space<vmem>>
    %dma_wait3A_645 = arith.constant 0 : i32
    %dma_wait3A_646 = tpu.memref_slice %arg9[%dma_wait3A_639, %dma_wait3A_645] : memref<8x128xi32, #tpu.memory_space<vmem>> -> memref<1x128xi32, #tpu.memory_space<vmem>>
    %dma_wait3A_647 = tpu.memref_squeeze %dma_wait3A_646 : memref<1x128xi32, #tpu.memory_space<vmem>> -> memref<128xi32, #tpu.memory_space<vmem>>
    %dma_wait3A_648 = arith.constant 0 : i32
    %dma_wait3A_649 = arith.constant 0 : i32
    %dma_wait3A_650 = tpu.memref_slice %arg3[%dma_wait3A_648, %dma_wait3A_649] : memref<500000x128xf32, #tpu.memory_space<hbm>> -> memref<500000x128xf32, #tpu.memory_space<hbm>>
    tpu.wait_indirect_dma semaphore(%arg12 : memref<!tpu.dma_semaphore, #tpu.memory_space<semaphore_mem>>) src(%dma_wait3A_650 : memref<500000x128xf32, #tpu.memory_space<hbm>>) dst(%dma_wait3A_644 : memref<128x128xf32, #tpu.memory_space<vmem>>)
    %add3A_651 = arith.constant 896 : i32
    %add3A_652 = arith.addi %mul3A_437, %add3A_651 : i32
    %run_scoped3A_653 = arith.constant 1 : i32
    "tpu.region"() ({
      %run_scoped3A_654 = tpu.sem_alloc : memref<!tpu.dma_semaphore, #tpu.memory_space<semaphore_mem>>
      %dma_start3A_655 = arith.constant 0 : i32
      %dma_start3A_656 = arith.constant 0 : i32
      %dma_start3A_657 = tpu.memref_slice %arg10[%run_scoped3A_653, %dma_start3A_655, %dma_start3A_656] : memref<2x128x128xf32, #tpu.memory_space<vmem>> -> memref<1x128x128xf32, #tpu.memory_space<vmem>>
      %dma_start3A_658 = tpu.memref_squeeze %dma_start3A_657 : memref<1x128x128xf32, #tpu.memory_space<vmem>> -> memref<128x128xf32, #tpu.memory_space<vmem>>
      %dma_start3A_659 = arith.constant 0 : i32
      %dma_start3A_660 = tpu.memref_slice %arg7[%add3A_652, %dma_start3A_659] : memref<32768x128xf32, #tpu.memory_space<hbm>> -> memref<128x128xf32, #tpu.memory_space<hbm>>
      %dma_start3A_661 = arith.constant 0 : i32
      %dma_start3A_662 = tpu.memref_slice %arg7[%add3A_652, %dma_start3A_661] : memref<32768x128xf32, #tpu.memory_space<hbm>> -> memref<128x128xf32, #tpu.memory_space<hbm>>
      %dma_start3A_663 = arith.constant 0 : i32
      %dma_start3A_664 = arith.constant 0 : i32
      %dma_start3A_665 = tpu.memref_slice %arg10[%run_scoped3A_653, %dma_start3A_663, %dma_start3A_664] : memref<2x128x128xf32, #tpu.memory_space<vmem>> -> memref<1x128x128xf32, #tpu.memory_space<vmem>>
      %dma_start3A_666 = tpu.memref_squeeze %dma_start3A_665 : memref<1x128x128xf32, #tpu.memory_space<vmem>> -> memref<128x128xf32, #tpu.memory_space<vmem>>
      tpu.enqueue_dma source(%dma_start3A_666 : memref<128x128xf32, #tpu.memory_space<vmem>>) target(%dma_start3A_662 : memref<128x128xf32, #tpu.memory_space<hbm>>) target_semaphore(%run_scoped3A_654 : memref<!tpu.dma_semaphore, #tpu.memory_space<semaphore_mem>>)
      %dma_wait3A_667 = arith.constant 0 : i32
      %dma_wait3A_668 = arith.constant 0 : i32
      %dma_wait3A_669 = tpu.memref_slice %arg10[%run_scoped3A_653, %dma_wait3A_667, %dma_wait3A_668] : memref<2x128x128xf32, #tpu.memory_space<vmem>> -> memref<1x128x128xf32, #tpu.memory_space<vmem>>
      %dma_wait3A_670 = tpu.memref_squeeze %dma_wait3A_669 : memref<1x128x128xf32, #tpu.memory_space<vmem>> -> memref<128x128xf32, #tpu.memory_space<vmem>>
      %dma_wait3A_671 = arith.constant 0 : i32
      %dma_wait3A_672 = tpu.memref_slice %arg7[%add3A_652, %dma_wait3A_671] : memref<32768x128xf32, #tpu.memory_space<hbm>> -> memref<128x128xf32, #tpu.memory_space<hbm>>
      %dma_wait3A_673 = arith.constant 0 : i32
      %dma_wait3A_674 = tpu.memref_slice %arg7[%add3A_652, %dma_wait3A_673] : memref<32768x128xf32, #tpu.memory_space<hbm>> -> memref<128x128xf32, #tpu.memory_space<hbm>>
      %dma_wait3A_675 = arith.constant 0 : i32
      %dma_wait3A_676 = arith.constant 0 : i32
      %dma_wait3A_677 = tpu.memref_slice %arg10[%run_scoped3A_653, %dma_wait3A_675, %dma_wait3A_676] : memref<2x128x128xf32, #tpu.memory_space<vmem>> -> memref<1x128x128xf32, #tpu.memory_space<vmem>>
      %dma_wait3A_678 = tpu.memref_squeeze %dma_wait3A_677 : memref<1x128x128xf32, #tpu.memory_space<vmem>> -> memref<128x128xf32, #tpu.memory_space<vmem>>
      tpu.wait_dma2 semaphore(%run_scoped3A_654 : memref<!tpu.dma_semaphore, #tpu.memory_space<semaphore_mem>>) src(%dma_wait3A_678 : memref<128x128xf32, #tpu.memory_space<vmem>>) dst(%dma_wait3A_674 : memref<128x128xf32, #tpu.memory_space<hbm>>)
      tpu.yield
    }) : () -> ()
    return
  }
}

module attributes {stable_mosaic.version = 14 : i64} {
  func.func @_score_body(%arg0: i32, %arg1: memref<2048x128xf32, #tpu.memory_space<vmem>>, %arg2: memref<2048x128xf32, #tpu.memory_space<vmem>>, %arg3: memref<2048x128xf32, #tpu.memory_space<vmem>>, %arg4: memref<2048x128xf32, #tpu.memory_space<vmem>>, %arg5: memref<2048x128xf32, #tpu.memory_space<vmem>>, %arg6: memref<2048x128xf32, #tpu.memory_space<vmem>>, %arg7: memref<2048x8xf32, #tpu.memory_space<vmem>>, %arg8: memref<1x1xf32, #tpu.memory_space<vmem>>) attributes {dimension_semantics = [#tpu.dimension_semantics<arbitrary>], iteration_bounds = array<i64: 8>, scalar_prefetch = 0 : i64, scratch_operands = 0 : i64, tpu.core_type = #tpu.core_type<tc>, window_params = [{transform_indices = @transform_0, window_bounds = array<i64: 2048, 128>}, {transform_indices = @transform_1, window_bounds = array<i64: 2048, 128>}, {transform_indices = @transform_2, window_bounds = array<i64: 2048, 128>}, {transform_indices = @transform_3, window_bounds = array<i64: 2048, 128>}, {transform_indices = @transform_4, window_bounds = array<i64: 2048, 128>}, {transform_indices = @transform_5, window_bounds = array<i64: 2048, 128>}, {transform_indices = @transform_6, window_bounds = array<i64: 2048, 8>}, {pipeline_mode = #tpu.pipeline_mode<synchronous>, transform_indices = @transform_7, window_bounds = array<i64: 1, 1>}]} {
    %get3A = arith.constant 0 : index
    %get3A_0 = arith.constant 0 : index
    %get3A_1 = vector.load %arg7[%get3A, %get3A_0] : memref<2048x8xf32, #tpu.memory_space<vmem>>, vector<2048x8xf32>
    %get3A_2 = arith.constant 0 : index
    %get3A_3 = arith.constant 0 : index
    %get3A_4 = vector.load %arg1[%get3A_2, %get3A_3] : memref<2048x128xf32, #tpu.memory_space<vmem>>, vector<2048x128xf32>
    %slice3A = vector.extract_strided_slice %get3A_4 {offsets = [0, 0], sizes = [2048, 64], strides = [1, 1]} : vector<2048x128xf32> to vector<2048x64xf32>
    %slice3A_5 = vector.extract_strided_slice %get3A_4 {offsets = [0, 64], sizes = [2048, 64], strides = [1, 1]} : vector<2048x128xf32> to vector<2048x64xf32>
    %slice3A_6 = vector.extract_strided_slice %get3A_1 {offsets = [0, 0], sizes = [2048, 1], strides = [1, 1]} : vector<2048x8xf32> to vector<2048x1xf32>
    %gt3A = arith.constant 0.000000e+00 : f32
    %gt3A_7 = vector.broadcast %gt3A : f32 to vector<2048x1xf32>
    %gt3A_8 = arith.cmpf ogt, %slice3A_6, %gt3A_7 : vector<2048x1xf32>
    %broadcast_in_dim3A = vector.shape_cast %gt3A_8 : vector<2048x1xi1> to vector<2048x1xi1>
    %broadcast_in_dim3A_9 = vector.broadcast %broadcast_in_dim3A : vector<2048x1xi1> to vector<2048x64xi1>
    %select_n3A = arith.select %broadcast_in_dim3A_9, %slice3A_5, %slice3A : vector<2048x64xi1>, vector<2048x64xf32>
    %get3A_10 = arith.constant 0 : index
    %get3A_11 = arith.constant 0 : index
    %get3A_12 = vector.load %arg2[%get3A_10, %get3A_11] : memref<2048x128xf32, #tpu.memory_space<vmem>>, vector<2048x128xf32>
    %slice3A_13 = vector.extract_strided_slice %get3A_12 {offsets = [0, 0], sizes = [2048, 64], strides = [1, 1]} : vector<2048x128xf32> to vector<2048x64xf32>
    %slice3A_14 = vector.extract_strided_slice %get3A_12 {offsets = [0, 64], sizes = [2048, 64], strides = [1, 1]} : vector<2048x128xf32> to vector<2048x64xf32>
    %slice3A_15 = vector.extract_strided_slice %get3A_1 {offsets = [0, 1], sizes = [2048, 1], strides = [1, 1]} : vector<2048x8xf32> to vector<2048x1xf32>
    %gt3A_16 = arith.constant 0.000000e+00 : f32
    %gt3A_17 = vector.broadcast %gt3A_16 : f32 to vector<2048x1xf32>
    %gt3A_18 = arith.cmpf ogt, %slice3A_15, %gt3A_17 : vector<2048x1xf32>
    %broadcast_in_dim3A_19 = vector.shape_cast %gt3A_18 : vector<2048x1xi1> to vector<2048x1xi1>
    %broadcast_in_dim3A_20 = vector.broadcast %broadcast_in_dim3A_19 : vector<2048x1xi1> to vector<2048x64xi1>
    %select_n3A_21 = arith.select %broadcast_in_dim3A_20, %slice3A_14, %slice3A_13 : vector<2048x64xi1>, vector<2048x64xf32>
    %get3A_22 = arith.constant 0 : index
    %get3A_23 = arith.constant 0 : index
    %get3A_24 = vector.load %arg3[%get3A_22, %get3A_23] : memref<2048x128xf32, #tpu.memory_space<vmem>>, vector<2048x128xf32>
    %slice3A_25 = vector.extract_strided_slice %get3A_24 {offsets = [0, 0], sizes = [2048, 64], strides = [1, 1]} : vector<2048x128xf32> to vector<2048x64xf32>
    %slice3A_26 = vector.extract_strided_slice %get3A_24 {offsets = [0, 64], sizes = [2048, 64], strides = [1, 1]} : vector<2048x128xf32> to vector<2048x64xf32>
    %slice3A_27 = vector.extract_strided_slice %get3A_1 {offsets = [0, 2], sizes = [2048, 1], strides = [1, 1]} : vector<2048x8xf32> to vector<2048x1xf32>
    %gt3A_28 = arith.constant 0.000000e+00 : f32
    %gt3A_29 = vector.broadcast %gt3A_28 : f32 to vector<2048x1xf32>
    %gt3A_30 = arith.cmpf ogt, %slice3A_27, %gt3A_29 : vector<2048x1xf32>
    %broadcast_in_dim3A_31 = vector.shape_cast %gt3A_30 : vector<2048x1xi1> to vector<2048x1xi1>
    %broadcast_in_dim3A_32 = vector.broadcast %broadcast_in_dim3A_31 : vector<2048x1xi1> to vector<2048x64xi1>
    %select_n3A_33 = arith.select %broadcast_in_dim3A_32, %slice3A_26, %slice3A_25 : vector<2048x64xi1>, vector<2048x64xf32>
    %mul3A = arith.mulf %select_n3A, %select_n3A : vector<2048x64xf32>
    %reduce_sum3A = arith.constant dense<0.000000e+00> : vector<2048xf32>
    %reduce_sum3A_34 = vector.multi_reduction <add>, %mul3A, %reduce_sum3A [1] : vector<2048x64xf32> to vector<2048xf32>
    %broadcast_in_dim3A_35 = vector.shape_cast %reduce_sum3A_34 : vector<2048xf32> to vector<2048x1xf32>
    %sqrt3A = math.sqrt %broadcast_in_dim3A_35 : vector<2048x1xf32>
    %div3A = vector.broadcast %sqrt3A : vector<2048x1xf32> to vector<2048x64xf32>
    %div3A_36 = arith.divf %select_n3A, %div3A : vector<2048x64xf32>
    %mul3A_37 = arith.mulf %select_n3A_21, %select_n3A_21 : vector<2048x64xf32>
    %reduce_sum3A_38 = arith.constant dense<0.000000e+00> : vector<2048xf32>
    %reduce_sum3A_39 = vector.multi_reduction <add>, %mul3A_37, %reduce_sum3A_38 [1] : vector<2048x64xf32> to vector<2048xf32>
    %broadcast_in_dim3A_40 = vector.shape_cast %reduce_sum3A_39 : vector<2048xf32> to vector<2048x1xf32>
    %sqrt3A_41 = math.sqrt %broadcast_in_dim3A_40 : vector<2048x1xf32>
    %div3A_42 = vector.broadcast %sqrt3A_41 : vector<2048x1xf32> to vector<2048x64xf32>
    %div3A_43 = arith.divf %select_n3A_21, %div3A_42 : vector<2048x64xf32>
    %add3A = arith.addf %div3A_36, %select_n3A_33 : vector<2048x64xf32>
    %sub3A = arith.subf %add3A, %div3A_43 : vector<2048x64xf32>
    %mul3A_44 = arith.mulf %sub3A, %sub3A : vector<2048x64xf32>
    %reduce_sum3A_45 = arith.constant dense<0.000000e+00> : vector<2048xf32>
    %reduce_sum3A_46 = vector.multi_reduction <add>, %mul3A_44, %reduce_sum3A_45 [1] : vector<2048x64xf32> to vector<2048xf32>
    %sqrt3A_47 = math.sqrt %reduce_sum3A_46 : vector<2048xf32>
    %get3A_48 = arith.constant 0 : index
    %get3A_49 = arith.constant 0 : index
    %get3A_50 = vector.load %arg4[%get3A_48, %get3A_49] : memref<2048x128xf32, #tpu.memory_space<vmem>>, vector<2048x128xf32>
    %slice3A_51 = vector.extract_strided_slice %get3A_50 {offsets = [0, 0], sizes = [2048, 64], strides = [1, 1]} : vector<2048x128xf32> to vector<2048x64xf32>
    %slice3A_52 = vector.extract_strided_slice %get3A_50 {offsets = [0, 64], sizes = [2048, 64], strides = [1, 1]} : vector<2048x128xf32> to vector<2048x64xf32>
    %slice3A_53 = vector.extract_strided_slice %get3A_1 {offsets = [0, 3], sizes = [2048, 1], strides = [1, 1]} : vector<2048x8xf32> to vector<2048x1xf32>
    %gt3A_54 = arith.constant 0.000000e+00 : f32
    %gt3A_55 = vector.broadcast %gt3A_54 : f32 to vector<2048x1xf32>
    %gt3A_56 = arith.cmpf ogt, %slice3A_53, %gt3A_55 : vector<2048x1xf32>
    %broadcast_in_dim3A_57 = vector.shape_cast %gt3A_56 : vector<2048x1xi1> to vector<2048x1xi1>
    %broadcast_in_dim3A_58 = vector.broadcast %broadcast_in_dim3A_57 : vector<2048x1xi1> to vector<2048x64xi1>
    %select_n3A_59 = arith.select %broadcast_in_dim3A_58, %slice3A_52, %slice3A_51 : vector<2048x64xi1>, vector<2048x64xf32>
    %get3A_60 = arith.constant 0 : index
    %get3A_61 = arith.constant 0 : index
    %get3A_62 = vector.load %arg5[%get3A_60, %get3A_61] : memref<2048x128xf32, #tpu.memory_space<vmem>>, vector<2048x128xf32>
    %slice3A_63 = vector.extract_strided_slice %get3A_62 {offsets = [0, 0], sizes = [2048, 64], strides = [1, 1]} : vector<2048x128xf32> to vector<2048x64xf32>
    %slice3A_64 = vector.extract_strided_slice %get3A_62 {offsets = [0, 64], sizes = [2048, 64], strides = [1, 1]} : vector<2048x128xf32> to vector<2048x64xf32>
    %slice3A_65 = vector.extract_strided_slice %get3A_1 {offsets = [0, 4], sizes = [2048, 1], strides = [1, 1]} : vector<2048x8xf32> to vector<2048x1xf32>
    %gt3A_66 = arith.constant 0.000000e+00 : f32
    %gt3A_67 = vector.broadcast %gt3A_66 : f32 to vector<2048x1xf32>
    %gt3A_68 = arith.cmpf ogt, %slice3A_65, %gt3A_67 : vector<2048x1xf32>
    %broadcast_in_dim3A_69 = vector.shape_cast %gt3A_68 : vector<2048x1xi1> to vector<2048x1xi1>
    %broadcast_in_dim3A_70 = vector.broadcast %broadcast_in_dim3A_69 : vector<2048x1xi1> to vector<2048x64xi1>
    %select_n3A_71 = arith.select %broadcast_in_dim3A_70, %slice3A_64, %slice3A_63 : vector<2048x64xi1>, vector<2048x64xf32>
    %get3A_72 = arith.constant 0 : index
    %get3A_73 = arith.constant 0 : index
    %get3A_74 = vector.load %arg6[%get3A_72, %get3A_73] : memref<2048x128xf32, #tpu.memory_space<vmem>>, vector<2048x128xf32>
    %slice3A_75 = vector.extract_strided_slice %get3A_74 {offsets = [0, 0], sizes = [2048, 64], strides = [1, 1]} : vector<2048x128xf32> to vector<2048x64xf32>
    %slice3A_76 = vector.extract_strided_slice %get3A_74 {offsets = [0, 64], sizes = [2048, 64], strides = [1, 1]} : vector<2048x128xf32> to vector<2048x64xf32>
    %slice3A_77 = vector.extract_strided_slice %get3A_1 {offsets = [0, 5], sizes = [2048, 1], strides = [1, 1]} : vector<2048x8xf32> to vector<2048x1xf32>
    %gt3A_78 = arith.constant 0.000000e+00 : f32
    %gt3A_79 = vector.broadcast %gt3A_78 : f32 to vector<2048x1xf32>
    %gt3A_80 = arith.cmpf ogt, %slice3A_77, %gt3A_79 : vector<2048x1xf32>
    %broadcast_in_dim3A_81 = vector.shape_cast %gt3A_80 : vector<2048x1xi1> to vector<2048x1xi1>
    %broadcast_in_dim3A_82 = vector.broadcast %broadcast_in_dim3A_81 : vector<2048x1xi1> to vector<2048x64xi1>
    %select_n3A_83 = arith.select %broadcast_in_dim3A_82, %slice3A_76, %slice3A_75 : vector<2048x64xi1>, vector<2048x64xf32>
    %mul3A_84 = arith.mulf %select_n3A_59, %select_n3A_59 : vector<2048x64xf32>
    %reduce_sum3A_85 = arith.constant dense<0.000000e+00> : vector<2048xf32>
    %reduce_sum3A_86 = vector.multi_reduction <add>, %mul3A_84, %reduce_sum3A_85 [1] : vector<2048x64xf32> to vector<2048xf32>
    %broadcast_in_dim3A_87 = vector.shape_cast %reduce_sum3A_86 : vector<2048xf32> to vector<2048x1xf32>
    %sqrt3A_88 = math.sqrt %broadcast_in_dim3A_87 : vector<2048x1xf32>
    %div3A_89 = vector.broadcast %sqrt3A_88 : vector<2048x1xf32> to vector<2048x64xf32>
    %div3A_90 = arith.divf %select_n3A_59, %div3A_89 : vector<2048x64xf32>
    %mul3A_91 = arith.mulf %select_n3A_71, %select_n3A_71 : vector<2048x64xf32>
    %reduce_sum3A_92 = arith.constant dense<0.000000e+00> : vector<2048xf32>
    %reduce_sum3A_93 = vector.multi_reduction <add>, %mul3A_91, %reduce_sum3A_92 [1] : vector<2048x64xf32> to vector<2048xf32>
    %broadcast_in_dim3A_94 = vector.shape_cast %reduce_sum3A_93 : vector<2048xf32> to vector<2048x1xf32>
    %sqrt3A_95 = math.sqrt %broadcast_in_dim3A_94 : vector<2048x1xf32>
    %div3A_96 = vector.broadcast %sqrt3A_95 : vector<2048x1xf32> to vector<2048x64xf32>
    %div3A_97 = arith.divf %select_n3A_71, %div3A_96 : vector<2048x64xf32>
    %add3A_98 = arith.addf %div3A_90, %select_n3A_83 : vector<2048x64xf32>
    %sub3A_99 = arith.subf %add3A_98, %div3A_97 : vector<2048x64xf32>
    %mul3A_100 = arith.mulf %sub3A_99, %sub3A_99 : vector<2048x64xf32>
    %reduce_sum3A_101 = arith.constant dense<0.000000e+00> : vector<2048xf32>
    %reduce_sum3A_102 = vector.multi_reduction <add>, %mul3A_100, %reduce_sum3A_101 [1] : vector<2048x64xf32> to vector<2048xf32>
    %sqrt3A_103 = math.sqrt %reduce_sum3A_102 : vector<2048xf32>
    %add3A_104 = arith.constant 1.000000e+00 : f32
    %add3A_105 = vector.broadcast %add3A_104 : f32 to vector<2048xf32>
    %add3A_106 = arith.addf %add3A_105, %sqrt3A_47 : vector<2048xf32>
    %sub3A_107 = arith.subf %add3A_106, %sqrt3A_103 : vector<2048xf32>
    %max3A = arith.constant 0.000000e+00 : f32
    %max3A_108 = vector.broadcast %max3A : f32 to vector<2048xf32>
    %max3A_109 = arith.maximumf %sub3A_107, %max3A_108 : vector<2048xf32>
    %reduce_sum3A_110 = vector.shape_cast %max3A_109 : vector<2048xf32> to vector<1x2048xf32>
    %reduce_sum3A_111 = arith.constant dense<0.000000e+00> : vector<1xf32>
    %reduce_sum3A_112 = vector.multi_reduction <add>, %reduce_sum3A_110, %reduce_sum3A_111 [1] : vector<1x2048xf32> to vector<1xf32>
    %reduce_sum3A_113 = vector.shape_cast %reduce_sum3A_112 : vector<1xf32> to vector<1x1xf32>
    %reduce_sum3A_114 = vector.extract %reduce_sum3A_113[0, 0] : f32 from vector<1x1xf32>
    %reshape3A = vector.broadcast %reduce_sum3A_114 : f32 to vector<1x1xf32>
    %eq3A = arith.constant 0 : i32
    %eq3A_115 = arith.cmpi eq, %arg0, %eq3A : i32
    %broadcast_in_dim3A_116 = arith.constant 0.000000e+00 : f32
    %broadcast_in_dim3A_117 = vector.broadcast %broadcast_in_dim3A_116 : f32 to vector<1x1xf32>
    %get3A_118 = arith.constant 0 : index
    %get3A_119 = arith.constant 0 : index
    %get3A_120 = vector.load %arg8[%get3A_118, %get3A_119] : memref<1x1xf32, #tpu.memory_space<vmem>>, vector<1x1xf32>
    %select_n3A_121 = arith.select %eq3A_115, %broadcast_in_dim3A_117, %get3A_120 : vector<1x1xf32>
    %add3A_122 = arith.addf %select_n3A_121, %reshape3A : vector<1x1xf32>
    %eq3A_123 = arith.constant 7 : i32
    %eq3A_124 = arith.cmpi eq, %arg0, %eq3A_123 : i32
    %div3A_125 = arith.constant 1.638400e+04 : f32
    %div3A_126 = vector.broadcast %div3A_125 : f32 to vector<1x1xf32>
    %div3A_127 = arith.divf %add3A_122, %div3A_126 : vector<1x1xf32>
    %select_n3A_128 = arith.select %eq3A_124, %div3A_127, %add3A_122 : vector<1x1xf32>
    %swap3A = arith.constant 0 : index
    %swap3A_129 = arith.constant 0 : index
    %swap3A_130 = vector.load %arg8[%swap3A, %swap3A_129] : memref<1x1xf32, #tpu.memory_space<vmem>>, vector<1x1xf32>
    tpu.vector_store %arg8[%swap3A, %swap3A_129], %select_n3A_128 {strides = array<i32>} : memref<1x1xf32, #tpu.memory_space<vmem>>, vector<1x1xf32>,
    return
  }
  func.func @transform_0(%arg0: i32) -> (i32, i32) {
    %add3A = arith.constant 0 : i32
    %add3A_0 = arith.addi %arg0, %add3A : i32
    %c0_i32 = arith.constant 0 : i32
    %c0_i32_1 = arith.constant 0 : i32
    return %add3A_0, %c0_i32 : i32, i32
  }
  func.func @transform_1(%arg0: i32) -> (i32, i32) {
    %add3A = arith.constant 8 : i32
    %add3A_0 = arith.addi %arg0, %add3A : i32
    %c0_i32 = arith.constant 0 : i32
    %c0_i32_1 = arith.constant 0 : i32
    return %add3A_0, %c0_i32 : i32, i32
  }
  func.func @transform_2(%arg0: i32) -> (i32, i32) {
    %add3A = arith.constant 0 : i32
    %add3A_0 = arith.addi %arg0, %add3A : i32
    %c0_i32 = arith.constant 0 : i32
    %c0_i32_1 = arith.constant 0 : i32
    return %add3A_0, %c0_i32 : i32, i32
  }
  func.func @transform_3(%arg0: i32) -> (i32, i32) {
    %add3A = arith.constant 16 : i32
    %add3A_0 = arith.addi %arg0, %add3A : i32
    %c0_i32 = arith.constant 0 : i32
    %c0_i32_1 = arith.constant 0 : i32
    return %add3A_0, %c0_i32 : i32, i32
  }
  func.func @transform_4(%arg0: i32) -> (i32, i32) {
    %add3A = arith.constant 24 : i32
    %add3A_0 = arith.addi %arg0, %add3A : i32
    %c0_i32 = arith.constant 0 : i32
    %c0_i32_1 = arith.constant 0 : i32
    return %add3A_0, %c0_i32 : i32, i32
  }
  func.func @transform_5(%arg0: i32) -> (i32, i32) {
    %add3A = arith.constant 8 : i32
    %add3A_0 = arith.addi %arg0, %add3A : i32
    %c0_i32 = arith.constant 0 : i32
    %c0_i32_1 = arith.constant 0 : i32
    return %add3A_0, %c0_i32 : i32, i32
  }
  func.func @transform_6(%arg0: i32) -> (i32, i32) {
    %c0_i32 = arith.constant 0 : i32
    %c0_i32_0 = arith.constant 0 : i32
    return %arg0, %c0_i32 : i32, i32
  }
  func.func @transform_7(%arg0: i32) -> (i32, i32) {
    %c0_i32 = arith.constant 0 : i32
    %c0_i32_0 = arith.constant 0 : i32
    %c0_i32_1 = arith.constant 0 : i32
    return %c0_i32, %c0_i32_0 : i32, i32
  }
}

</mosaic_0001>

<sc_bundles>
// kernel: kernel.4.cloned.1.call-start
scs
__scs_entry_jumppad:
0x0: {  	(pc) =	sbr.rel $0x88, $3  }
0x1: {  	(tag) =	ssettag $0x0;
	lr =	simm.s32 $0x1  }
0x2: {  	[smem:$0x3F9D] =	sst lr;
	_ =	strace $0xD0000000  }
0x3: {  	_ = 	snop  }
0x4: {  	_ = 	snop  }
0x5: {  	_ = 	snop  }
0x6: {  	_ = 	snop  }
0x7: {  	_ = 	snop  }
__scs_overlays_trampoline_lowered:
0x8: {  	[smem:$0x3FAC] =	sst s0  }
0x9: {  	[smem:$0x3FAD] =	sst s1  }
0xa: {  	[smem:$0x3FAE] =	sst s2  }
0xb: {  	[smem:$0x3FAF] =	sst s3  }
0xc: {  	[smem:$0x3FB0] =	sst s4  }
0xd: {  	[smem:$0x3FB1] =	sst s5  }
0xe: {  	[smem:$0x3FB2] =	sst s6  }
0xf: {  	[smem:$0x3FB3] =	sst s7  }
0x10: {  	[smem:$0x3FB4] =	sst s8  }
0x11: {  	[smem:$0x3FB5] =	sst s9;
	s0 =	simm.s32 @!p0 $0x0  }
0x12: {  	s1 =	sld [smem:$0x3F9B];
	s0 =	simm.s32 @p0 $0x1  }
0x13: {  	[smem:$0x3FB6] =	sst s0;
	s0 =	simm.s32 @!p1 $0x0  }
0x14: {  	s2 =	sld [smem:$0x3F9A];
	s0 =	simm.s32 @p1 $0x1  }
0x15: {  	[smem:$0x3FB7] =	sst s0;
	s0 =	simm.s32 @!p2 $0x0  }
0x16: {  	s3 =	sld [smem:$0x3FDB];
	s0 =	simm.s32 @p2 $0x1  }
0x17: {  	s4 =	simm.s32 $0x1BF5;
	[smem:$0x3FB9] =	sst s0  }
0x18: {  	s0 =	sld [smem:$0x3F9C];
	_ =	swait.ge [sflag:s4], $0x0  }
0x19: {  	s7 =	sld [smem:$0x3F9D]  }
0x1a: {  	s8 =	sadd.s32 $0xFFFFE003, lr  }
0x1b: {  	s9 =	sadd.s32 $0xFFFFFEF7, lr;
	s5 =	simm.s32 $0xFFFFFFFF;
	p2 =	slt.u32 s8, $0xFFFFF086  }
0x1c: {  	p1 =	slt.u32 s9, $0xF7A;
	s5 =	simm.s32 @!p2 $0x0  }
0x1d: {  	s5 =	simm.s32 @p1 $0x1;
	p0 =	seq.s32 s7, s2  }
0x1e: {  	s7 =	smul.u32 @!p0 $0xF7A, s2;
	p2 =	seq.s32 @!p0 s5, $0x0  }
0x1f: {  	s9 =	smul.u32 $0xF7A, s1;
	s8 =	simm.s32 @!p0 $0x1BF5;
	p2 =	por !p2, p0  }
0x20: {  	[sflag:s8] =	ssyncset.s32 @!p0 $0xFFFFF086;
	s6 =	sadd.s32 @!p0 s3, s7;
	s7 =	simm.s32 @!p0 $0x108  }
0x21: {  	s3 =	sadd.s32 s3, s9;
	s6 =	sadd.s32 @!p0 $0x88, s6;
	s7 =	simm.s32 @p2 $0x1082  }
0x22: {  	[simem:s7], [sflag:s8] =	dma.local @!p0 [hbm:s6], $0xF7A  }
0x23: {  	s9 =	sor.u32 $0xD0000000, s2;
	s6 =	simm.s32 $0x108;
	_ =	swait.ge @!p0 [sflag:s8], $0x0  }
0x24: {  	s3 =	sadd.s32 $0x88, s3;
	s6 =	simm.s32 @!p1 $0x1082;
	[sflag:s4] =	ssyncset.s32 $0xFFFFF086  }
0x25: {  	[simem:s6], [sflag:s4] =	dma.local [hbm:s3], $0xF7A  }
0x26: {  	[smem:$0x3F9D] =	sst s1;
	(tag) =	ssettag s2;
	_ =	strace s9  }
0x27: {  	s1 =	sld [smem:$0x3FAD]  }
0x28: {  	s2 =	sld [smem:$0x3FAE]  }
0x29: {  	s4 =	sld [smem:$0x3FB0]  }
0x2a: {  	p0 =	seq.s32 s5, $0x0;
	s5 =	sld [smem:$0x3FB1]  }
0x2b: {  	s6 =	sld [smem:$0x3FB2]  }
0x2c: {  	s7 =	sld [smem:$0x3FB3]  }
0x2d: {  	s3 =	simm.s32 $0x108;
	s8 =	sld [smem:$0x3FB4]  }
0x2e: {  	s3 =	simm.s32 @!p0 $0x1082;
	s9 =	sld [smem:$0x3FB5]  }
0x2f: {  	lr =	sadd.s32 s0, s3;
	s0 =	sld [smem:$0x3FAC]  }
0x30: {  	s3 =	sld [smem:$0x3FAF]  }
0x31: {  	[smem:$0x3FB8] =	sst s10  }
0x32: {  	s10 =	sld [smem:$0x3FB6];
	_ =	sdelay $0x3  }
0x33: {  	p0 =	seq.s32 s10, $0x1;
	s10 =	sld [smem:$0x3FB8];
	_ =	sdelay $0x3  }
0x34: {  	[smem:$0x3FB8] =	sst s10  }
0x35: {  	s10 =	sld [smem:$0x3FB7];
	_ =	sdelay $0x3  }
0x36: {  	p1 =	seq.s32 s10, $0x1;
	s10 =	sld [smem:$0x3FB8];
	_ =	sdelay $0x3  }
0x37: {  	[smem:$0x3FB8] =	sst s10  }
0x38: {  	s10 =	sld [smem:$0x3FB9]  }
0x39: {  	_ = 	snop;
	(pc) =	sbr.ind lr, $3  }
0x3a: {  	_ = 	snop  }
0x3b: {  	_ = 	snop  }
0x3c: {  	p2 =	seq.s32 s10, $0x1;
	s10 =	sld [smem:$0x3FB8]  }
0x3d: {  	_ =	shalt  }
0x3e: {  	_ =	shalt  }
0x3f: {  	_ =	shalt  }
0x40: {  	_ =	shalt  }
0x41: {  	_ =	shalt  }
0x42: {  	_ =	shalt  }
0x43: {  	_ =	shalt  }
0x44: {  	_ =	shalt  }
0x45: {  	_ =	shalt  }
0x46: {  	_ =	shalt  }
0x47: {  	_ =	shalt  }
0x48: {  	_ =	shalt  }
0x49: {  	_ =	shalt  }
0x4a: {  	_ =	shalt  }
0x4b: {  	_ =	shalt  }
0x4c: {  	_ =	shalt  }
0x4d: {  	_ =	shalt  }
0x4e: {  	_ =	shalt  }
0x4f: {  	_ =	shalt  }
0x50: {  	_ =	shalt  }
0x51: {  	_ =	shalt  }
0x52: {  	_ =	shalt  }
0x53: {  	_ =	shalt  }
0x54: {  	_ =	shalt  }
0x55: {  	_ =	shalt  }
0x56: {  	_ =	shalt  }
0x57: {  	_ =	shalt  }
0x58: {  	_ =	shalt  }
0x59: {  	_ =	shalt  }
0x5a: {  	_ =	shalt  }
0x5b: {  	_ =	shalt  }
0x5c: {  	_ =	shalt  }
0x5d: {  	_ =	shalt  }
0x5e: {  	_ =	shalt  }
0x5f: {  	_ =	shalt  }
0x60: {  	_ =	shalt  }
0x61: {  	_ =	shalt  }
0x62: {  	_ =	shalt  }
0x63: {  	_ =	shalt  }
0x64: {  	_ =	shalt  }
0x65: {  	_ =	shalt  }
0x66: {  	_ =	shalt  }
0x67: {  	_ =	shalt  }
0x68: {  	_ =	shalt  }
0x69: {  	_ =	shalt  }
0x6a: {  	_ =	shalt  }
0x6b: {  	_ =	shalt  }
0x6c: {  	_ =	shalt  }
0x6d: {  	_ =	shalt  }
0x6e: {  	_ =	shalt  }
0x6f: {  	_ =	shalt  }
0x70: {  	_ =	shalt  }
0x71: {  	_ =	shalt  }
0x72: {  	_ =	shalt  }
0x73: {  	_ =	shalt  }
0x74: {  	_ =	shalt  }
0x75: {  	_ =	shalt  }
0x76: {  	_ =	shalt  }
0x77: {  	_ =	shalt  }
0x78: {  	_ =	shalt  }
0x79: {  	_ =	shalt  }
0x7a: {  	_ =	shalt  }
0x7b: {  	_ =	shalt  }
0x7c: {  	_ =	shalt  }
0x7d: {  	_ =	shalt  }
0x7e: {  	_ =	shalt  }
0x7f: {  	_ =	shalt  }
0x80: {  	_ =	shalt  }
0x81: {  	_ =	shalt  }
0x82: {  	_ =	shalt  }
0x83: {  	_ =	shalt  }
0x84: {  	_ =	shalt  }
0x85: {  	_ =	shalt  }
0x86: {  	_ =	shalt  }
0x87: {  	_ =	shalt  }
.Lfunc_end0:
.L_simem_size_0:
called_computation_lowered:
.L_overlay_start_0:
0x88: {  	s2 =	sld [smem:$0x3FD9]  }
0x89: {  	s3 =	sld [smem:$0x3FFE];
	_ =	sdelay $0x1  }
0x8a: {  	s1 =	srdreg.scid  }
0x8b: {  	s0 =	sand.u32 $0x1, s1  }
0x8c: {  	s16 =	sshll.u32 s0, $0xA;
	s2 =	sadd.s32 s3, s2  }
0x8d: {  	s2 =	sadd.s32 s2, s16  }
0x8e: {  	[smem:$0x3FC4] =	sst s2  }
0x8f: {  	_ = 	snop  }
0x90: {  	(tm) =	ssettm $0x1  }
0x91: {  	s17 =	sld [smem:$0x3FFB];
	_ =	sdelay $0x3  }
0x92: {  	_ =	strace s17  }
0x93: {  	s2 =	sld [smem:$0x3FFC];
	_ =	sdelay $0x3  }
0x94: {  	_ =	strace s2  }
0x95: {  	s2 =	sld [smem:$0x3FFD];
	_ =	sdelay $0x3  }
0x96: {  	_ =	strace s2  }
0x97: {  	_ =	strace $0x8FFFFFFF  }
0x98: {  	s18 =	sld [smem:$0x3FDB];
	_ =	sdelay $0x1  }
0x99: {  	s19 =	simm.s32 $_scs_section_size  }
0x9a: {  	s4 =	simm.s32 $_size__tile_overlayer_lowered;
	s5 =	simm.s32 $_tile_overlayer_lowered  }
0x9b: {  	s22 =	simm.s32 $0x1BFF;
	s21 =	sshll.u32 s5, $0x1;
	s2 =	sadd.s32 s19, s18  }
0x9c: {  	s6 =	simm.s32 $0x0;
	s20 =	sshll.u32 s4, $0x1;
	s4 =	sadd.s32 s21, s2  }
0x9d: {  	[timem:s6], [sflag:s22] =	dma.local [hbm:s4], s20  }
0x9e: {  	_ =	swait.ge [sflag:s22], s20  }
0x9f: {  	s3 =	ssub.s32 $0x0, s20;
	[sflag:s22] =	ssyncset.done $0x0  }
0xa0: {  	[sflag:s22] =	ssyncadd.s32 s3;
	_ =	sdelay $0x1  }
0xa1: {  	s23 =	simm.s32 $0x1B8B  }
0xa2: {  	_ =	swait.ge [sflag:s23], $0x1  }
0xa3: {  	[sflag:s23] =	ssyncset.done $0x0  }
0xa4: {  	s25 =	simm.s32 $0x1B8E;
	s24 =	sld [smem:$0x3FFE];
	[sflag:s23] =	ssyncadd.s32 $0xFFFFFFFF  }
0xa5: {  	s26 =	simm.s32 $execute0_lowered;
	[smem:$0x3FD2] =	sst s25  }
0xa6: {  	s4 =	sshll.u32 s26, $0x1;
	_ =	strace $0x80000046;
	[dreg:$0x1] =	wrdreg $0xFFFFFFFF  }
0xa7: {  	s28 =	simm.s32 $_size_execute0_lowered;
	s2 =	sadd.s32 s2, s4;
	[dreg:$0x0] =	wrdreg $0x0  }
0xa8: {  	s4 =	sshll.u32 s28, $0x1;
	[dreg:$0x2] =	wrdreg s2  }
0xa9: {  	[dreg:$0x3] =	wrdreg s4  }
0xaa: {  	[dreg:$0x4] =	wrdreg $0xC0  }
0xab: {  	_ =	task [dreg:s6], $0x5FFFF  }
0xac: {  	[dreg:$0x1] =	wrdreg $0xFFFFFFFF  }
0xad: {  	[dreg:$0x0] =	wrdreg $0x60  }
0xae: {  	[dreg:$0x2] =	wrdreg s24  }
0xaf: {  	[dreg:$0x3] =	wrdreg $0x9  }
0xb0: {  	_ =	task.clear_ibuf [dreg:s6], $0x4FFFF;
	_ =	strace $0x90000046  }
0xb1: {  	s29 =	simm.s32 $0x9;
	_ =	strace $0x80000048  }
0xb2: {  	_ =	swait.ge [sflag:s29], $0x1  }
0xb3: {  	[sflag:s29] =	ssyncadd.s32 $0xFFFFFFFF  }
0xb4: {  	_ =	strace $0x90000048  }
0xb5: {  	_ =	sfence  }
0xb6: {  	s30 =	sld [smem:$0x0];
	_ =	sdelay $0x2  }
0xb7: {  	s31 =	sshll.u32 s1, $0xD;
	s1 =	sshrl.u32 s1, $0x2  }
0xb8: {  	s3 =	sand.u32 $0x4000, s31;
	s1 =	sadd.s32 s1, s30  }
0xb9: {  	s0 =	sor.u32 s3, s0;
	s1 =	sshll.u32 s1, $0x11  }
0xba: {  	s0 =	sor.u32 s1, s0  }
0xbb: {  	s0 =	sadd.s32 $0x8F2B, s0  }
0xbc: {  	[sflag:s0] =	ssyncadd.remote.s32 $0x1  }
0xbd: {  	_ =	sfence.sel $0xFFFF  }
0xbe: {  	[dreg:$0x0] =	wrdreg $0xFFFFFFFF;
	(pc) =	sbr.abs _section_cstart, $3  }
0xbf: {  	[dreg:$0x1] =	wrdreg $0xFFFFFFFF  }
0xc0: {  	_ =	task.clear_ibuf [dreg:s6], $0x2FFFF;
	_ =	strace $0x9FFFFFFF  }
0xc1: {  	(tm) =	ssettm $0x7FFFFFFF  }
tec
execute0_lowered:
.L_overlay_start_1:
0x0: {  	(tag) =	ssettag $0x1  }
0x1: {  	s0 =	srdreg.scid;
	s2 =	stileid.u32  }
0x2: {  	s0 =	sand.u32 $0x1, s0;
	s3 =	sshll.u32 s2, $0x1  }
0x3: {  	s1 =	rddreg [dreg:$0x0];
	s2 =	simm.s32 $0x0;
	s3 =	sor.u32 s0, s3  }
0x4: {  	[smem:$0x7FF] =	sst s2;
	s4 =	sshll.u32 s3, $0x8  }
0x5: {  	_ =	strace $0x80000047;
	s5 =	sshll.u32 s3, $0x7;
	s4 =	sadd.s32 s4, s1  }
0x6: {  	s6 =	sshll.u32 s3, $0xF;
	s5 =	sadd.s32 s5, s1;
	s4 =	sadd.s32 $0x5A00, s4  }
0x7: {  	s6 =	sadd.s32 s6, s1;
	s20 =	sadd.s32 $0x4A00, s5;
	[dreg:$0x2] =	wrdreg s4  }
0x8: {  	s21 =	sadd.s32 $0x7A00, s6;
	[dreg:$0x3] =	wrdreg s20  }
0x9: {  	s22 =	sadd.s32 $0x8200, s6;
	[dreg:$0x4] =	wrdreg s21  }
0xa: {  	s23 =	sadd.s32 $0x8A00, s6;
	[dreg:$0x5] =	wrdreg s22  }
0xb: {  	s24 =	sadd.s32 $0x9200, s6;
	[dreg:$0x6] =	wrdreg s23  }
0xc: {  	s25 =	sadd.s32 $0x9A00, s6;
	[dreg:$0x7] =	wrdreg s24  }
0xd: {  	s26 =	sadd.s32 $0xA200, s6;
	[dreg:$0x8] =	wrdreg s25  }
0xe: {  	s5 =	sadd.s32 $0xAA00, s6;
	[dreg:$0x9] =	wrdreg s26  }
0xf: {  	s7 =	sadd.s32 $0xB200, s6;
	[dreg:$0xa] =	wrdreg s5  }
0x10: {  	s8 =	sadd.s32 $0xBA00, s6;
	[dreg:$0xb] =	wrdreg s7  }
0x11: {  	s9 =	sadd.s32 $0xC200, s6;
	[dreg:$0xc] =	wrdreg s8  }
0x12: {  	s31 =	simm.s32 $0x200;
	s10 =	sadd.s32 $0xCA00, s6;
	[dreg:$0xd] =	wrdreg s9  }
0x13: {  	s30 =	simm.s32 $0x280;
	s11 =	sadd.s32 $0xD200, s6;
	[dreg:$0xe] =	wrdreg s10  }
0x14: {  	s29 =	simm.s32 $0x300;
	s12 =	sadd.s32 $0xDA00, s6;
	[dreg:$0xf] =	wrdreg s11  }
0x15: {  	s28 =	simm.s32 $0x380;
	s13 =	sadd.s32 $0xE200, s6;
	[dreg:$0x10] =	wrdreg s12  }
0x16: {  	s3 =	sshll.u32 s3, $0xE;
	s14 =	sadd.s32 $0xEA00, s6;
	[dreg:$0x11] =	wrdreg s13  }
0x17: {  	s3 =	sadd.s32 s3, s1;
	s15 =	sadd.s32 $0xF200, s6;
	[dreg:$0x12] =	wrdreg s14  }
0x18: {  	p0 =	por $0x0, $0x0;
	s16 =	sadd.s32 $0x107A00, s3;
	[dreg:$0x13] =	wrdreg s15  }
0x19: {  	s0 =	ssub.s32 $0x2, s0;
	s17 =	sadd.s32 $0x108200, s3;
	[dreg:$0x14] =	wrdreg s16  }
0x1a: {  	s18 =	sadd.s32 $0x108A00, s3;
	s19 =	sadd.s32 $0x109200, s3;
	[dreg:$0x15] =	wrdreg s17  }
0x1b: {  	s6 =	simm.s32 $0x2;
	s13 =	sadd.s32 $0xF43E00, s1;
	[dreg:$0x16] =	wrdreg s18  }
0x1c: {  	s4 =	sadd.s32 $0x16E5000, s1;
	[dreg:$0x17] =	wrdreg s19;
	s20 =	sadd.s32 $0x109A00, s3  }
0x1d: {  	s21 =	sadd.s32 $0x10A200, s3;
	s22 =	sshrl.u32 s0, $0x1;
	s23 =	sadd.s32 $0x10AA00, s3  }
0x1e: {  	s24 =	sadd.s32 $0x10B200, s3;
	s3 =	simm.s32 $0x3;
	s14 =	simm.s32 $0x800  }
0x1f: {  	s9 =	simm.s32 $0x80;
	s7 =	simm.s32 $0xC00;
	s5 =	simm.s32 $0x4C00  }
0x20: {  	s8 =	simm.s32 $0x1;
	s25 =	simm.s32 $0x100;
	s26 =	simm.s32 $0x180  }
0x21: {  	s19 =	simm.s32 $0x780;
	s18 =	simm.s32 $0x880;
	[dreg:$0x18] =	wrdreg s20  }
0x22: {  	s17 =	simm.s32 $0x900;
	[dreg:$0x19] =	wrdreg s21;
	s0 =	ssub.s32 s0, s22  }
0x23: {  	s16 =	simm.s32 $0x980;
	[dreg:$0x1a] =	wrdreg s23;
	s0 =	smax.u32 s0, $0x1  }
0x24: {  	s15 =	simm.s32 $0xA00;
	[dreg:$0x1b] =	wrdreg s24;
	p1 =	sne.s32 s0, $0x1  }
.Ltmp0:
0x25: {  	s12 =	simm.s32 $0xA80;
	[dreg:$0x1c] =	wrdreg s25;
	(pc) =	sbr.rel @!p1 .LBB2_3-.Ltmp0, $4  }
0x26: {  	s11 =	simm.s32 $0xB00;
	s10 =	simm.s32 $0xB80;
	[dreg:$0x1d] =	wrdreg s26  }
0x27: {  	s26 =	simm.s32 $0x400;
	s25 =	simm.s32 $0x480;
	s24 =	simm.s32 $0x500  }
0x28: {  	s23 =	simm.s32 $0x580;
	s22 =	simm.s32 $0x600;
	s21 =	simm.s32 $0x680  }
0x29: {  	s20 =	simm.s32 $0x700;
	s1 =	sadd.s32 $0xFFFFFFFF, s0;
	s0 =	rddreg [dreg:$0x2]  }
0x2a: {  	[tilespmem:s2], [sflag:$0x3] =	stream.linear.gather [hbm4b:s0+s2], $0x800, $0x38;
	[tilespmem:$0x8C00] =	vst v63  }
0x2b: {  	_ =	swait.ge [sflag:s3], $0x800  }
0x2c: {  	[sflag:s3] =	ssyncset.done $0x0  }
0x2d: {  	s0 =	rddreg [dreg:$0x3];
	[sflag:s3] =	ssyncadd.s32 $0xFFFFF800  }
0x2e: {  	[tilespmem:s14], [sflag:$0x3] =	stream.linear.gather [hbm4b:s0+s2], $0x400, $0x38;
	[tilespmem:$0x8C00] =	vst v63  }
0x2f: {  	_ =	swait.ge [sflag:s3], $0x400  }
0x30: {  	[sflag:s3] =	ssyncset.done $0x0  }
0x31: {  	[sflag:s3] =	ssyncadd.s32 $0xFFFFFC00  }
0x32: {  	[tilespmem:s7], [sflag:$0x1] =	stream.indirect.gather [hbm4b:s13+s9], $0x80, s2, s9, $0xb8;
	[tilespmem:$0x8C00] =	vst v63  }
0x33: {  	_ = 	snop  }
0x34: {  	[tilespmem:s5], [sflag:$0x2] =	stream.indirect.gather [hbm4b:s13+s9], $0x80, s9, s9, $0xb8;
	[tilespmem:$0x8C00] =	vst v63  }
0x35: {  	_ =	swait.ge [sflag:s8], $0x4000  }
0x36: {  	[sflag:s8] =	ssyncset.done $0x0  }
0x37: {  	s0 =	rddreg [dreg:$0x4];
	[sflag:s8] =	ssyncadd.s32 $0xFFFFC000  }
0x38: {  	[hbm4b:s0+s2] =	stream.linear.scatter [tilespmem:s7], [sflag:$0x3], $0x4000, $0x38;
	[tilespmem:$0x8C00] =	vst v63  }
0x39: {  	_ =	swait.ge [sflag:s3], $0x4000  }
0x3a: {  	[sflag:s3] =	ssyncset.done $0x0  }
0x3b: {  	s0 =	rddreg [dreg:$0x1c];
	[sflag:s3] =	ssyncadd.s32 $0xFFFFC000  }
0x3c: {  	[tilespmem:s7], [sflag:$0x1] =	stream.indirect.gather [hbm4b:s13+s9], $0x80, s0, s9, $0xb8;
	[tilespmem:$0x8C00] =	vst v63  }
0x3d: {  	_ =	swait.ge [sflag:s6], $0x4000  }
0x3e: {  	[sflag:s6] =	ssyncset.done $0x0  }
0x3f: {  	s0 =	rddreg [dreg:$0x5];
	[sflag:s6] =	ssyncadd.s32 $0xFFFFC000  }
0x40: {  	[hbm4b:s0+s2] =	stream.linear.scatter [tilespmem:s5], [sflag:$0x3], $0x4000, $0x38;
	[tilespmem:$0x8C00] =	vst v63  }
0x41: {  	_ =	swait.ge [sflag:s3], $0x4000  }
0x42: {  	[sflag:s3] =	ssyncset.done $0x0  }
0x43: {  	s0 =	rddreg [dreg:$0x1d];
	[sflag:s3] =	ssyncadd.s32 $0xFFFFC000  }
0x44: {  	[tilespmem:s5], [sflag:$0x2] =	stream.indirect.gather [hbm4b:s13+s9], $0x80, s0, s9, $0xb8;
	[tilespmem:$0x8C00] =	vst v63  }
0x45: {  	_ =	swait.ge [sflag:s8], $0x4000  }
0x46: {  	[sflag:s8] =	ssyncset.done $0x0  }
0x47: {  	s0 =	rddreg [dreg:$0x6];
	[sflag:s8] =	ssyncadd.s32 $0xFFFFC000  }
0x48: {  	[hbm4b:s0+s2] =	stream.linear.scatter [tilespmem:s7], [sflag:$0x3], $0x4000, $0x38;
	[tilespmem:$0x8C00] =	vst v63  }
0x49: {  	_ =	swait.ge [sflag:s3], $0x4000  }
0x4a: {  	[sflag:s3] =	ssyncset.done $0x0  }
0x4b: {  	[sflag:s3] =	ssyncadd.s32 $0xFFFFC000  }
0x4c: {  	[tilespmem:s7], [sflag:$0x1] =	stream.indirect.gather [hbm4b:s13+s9], $0x80, s31, s9, $0xb8;
	[tilespmem:$0x8C00] =	vst v63  }
0x4d: {  	_ =	swait.ge [sflag:s6], $0x4000  }
0x4e: {  	[sflag:s6] =	ssyncset.done $0x0  }
0x4f: {  	s0 =	rddreg [dreg:$0x7];
	[sflag:s6] =	ssyncadd.s32 $0xFFFFC000  }
0x50: {  	[hbm4b:s0+s2] =	stream.linear.scatter [tilespmem:s5], [sflag:$0x3], $0x4000, $0x38;
	[tilespmem:$0x8C00] =	vst v63  }
0x51: {  	_ =	swait.ge [sflag:s3], $0x4000  }
0x52: {  	[sflag:s3] =	ssyncset.done $0x0  }
0x53: {  	[sflag:s3] =	ssyncadd.s32 $0xFFFFC000  }
0x54: {  	[tilespmem:s5], [sflag:$0x2] =	stream.indirect.gather [hbm4b:s13+s9], $0x80, s30, s9, $0xb8;
	[tilespmem:$0x8C00] =	vst v63  }
0x55: {  	_ =	swait.ge [sflag:s8], $0x4000  }
0x56: {  	[sflag:s8] =	ssyncset.done $0x0  }
0x57: {  	s0 =	rddreg [dreg:$0x8];
	[sflag:s8] =	ssyncadd.s32 $0xFFFFC000  }
0x58: {  	[hbm4b:s0+s2] =	stream.linear.scatter [tilespmem:s7], [sflag:$0x3], $0x4000, $0x38;
	[tilespmem:$0x8C00] =	vst v63  }
0x59: {  	_ =	swait.ge [sflag:s3], $0x4000  }
0x5a: {  	[sflag:s3] =	ssyncset.done $0x0  }
0x5b: {  	[sflag:s3] =	ssyncadd.s32 $0xFFFFC000  }
0x5c: {  	[tilespmem:s7], [sflag:$0x1] =	stream.indirect.gather [hbm4b:s13+s9], $0x80, s29, s9, $0xb8;
	[tilespmem:$0x8C00] =	vst v63  }
0x5d: {  	_ =	swait.ge [sflag:s6], $0x4000  }
0x5e: {  	[sflag:s6] =	ssyncset.done $0x0  }
0x5f: {  	s0 =	rddreg [dreg:$0x9];
	[sflag:s6] =	ssyncadd.s32 $0xFFFFC000  }
0x60: {  	[hbm4b:s0+s2] =	stream.linear.scatter [tilespmem:s5], [sflag:$0x3], $0x4000, $0x38;
	[tilespmem:$0x8C00] =	vst v63  }
0x61: {  	_ =	swait.ge [sflag:s3], $0x4000  }
0x62: {  	[sflag:s3] =	ssyncset.done $0x0  }
0x63: {  	[sflag:s3] =	ssyncadd.s32 $0xFFFFC000  }
0x64: {  	[tilespmem:s5], [sflag:$0x2] =	stream.indirect.gather [hbm4b:s13+s9], $0x80, s28, s9, $0xb8;
	[tilespmem:$0x8C00] =	vst v63  }
0x65: {  	_ =	swait.ge [sflag:s8], $0x4000  }
0x66: {  	[sflag:s8] =	ssyncset.done $0x0  }
0x67: {  	s0 =	rddreg [dreg:$0xa];
	[sflag:s8] =	ssyncadd.s32 $0xFFFFC000  }
0x68: {  	[hbm4b:s0+s2] =	stream.linear.scatter [tilespmem:s7], [sflag:$0x3], $0x4000, $0x38;
	[tilespmem:$0x8C00] =	vst v63  }
0x69: {  	_ =	swait.ge [sflag:s3], $0x4000  }
0x6a: {  	[sflag:s3] =	ssyncset.done $0x0  }
0x6b: {  	[sflag:s3] =	ssyncadd.s32 $0xFFFFC000  }
0x6c: {  	[tilespmem:s7], [sflag:$0x1] =	stream.indirect.gather [hbm4b:s13+s9], $0x80, s26, s9, $0xb8;
	[tilespmem:$0x8C00] =	vst v63  }
0x6d: {  	_ =	swait.ge [sflag:s6], $0x4000  }
0x6e: {  	[sflag:s6] =	ssyncset.done $0x0  }
0x6f: {  	s0 =	rddreg [dreg:$0xb];
	[sflag:s6] =	ssyncadd.s32 $0xFFFFC000  }
0x70: {  	[hbm4b:s0+s2] =	stream.linear.scatter [tilespmem:s5], [sflag:$0x3], $0x4000, $0x38;
	[tilespmem:$0x8C00] =	vst v63  }
0x71: {  	_ =	swait.ge [sflag:s3], $0x4000  }
0x72: {  	[sflag:s3] =	ssyncset.done $0x0  }
0x73: {  	[sflag:s3] =	ssyncadd.s32 $0xFFFFC000  }
0x74: {  	[tilespmem:s5], [sflag:$0x2] =	stream.indirect.gather [hbm4b:s13+s9], $0x80, s25, s9, $0xb8;
	[tilespmem:$0x8C00] =	vst v63  }
0x75: {  	_ =	swait.ge [sflag:s8], $0x4000  }
0x76: {  	[sflag:s8] =	ssyncset.done $0x0  }
0x77: {  	s0 =	rddreg [dreg:$0xc];
	[sflag:s8] =	ssyncadd.s32 $0xFFFFC000  }
0x78: {  	[hbm4b:s0+s2] =	stream.linear.scatter [tilespmem:s7], [sflag:$0x3], $0x4000, $0x38;
	[tilespmem:$0x8C00] =	vst v63  }
0x79: {  	_ =	swait.ge [sflag:s3], $0x4000  }
0x7a: {  	[sflag:s3] =	ssyncset.done $0x0  }
0x7b: {  	[sflag:s3] =	ssyncadd.s32 $0xFFFFC000  }
0x7c: {  	[tilespmem:s7], [sflag:$0x1] =	stream.indirect.gather [hbm4b:s13+s9], $0x80, s24, s9, $0xb8;
	[tilespmem:$0x8C00] =	vst v63  }
0x7d: {  	_ =	swait.ge [sflag:s6], $0x4000  }
0x7e: {  	[sflag:s6] =	ssyncset.done $0x0  }
0x7f: {  	s0 =	rddreg [dreg:$0xd];
	[sflag:s6] =	ssyncadd.s32 $0xFFFFC000  }
0x80: {  	[hbm4b:s0+s2] =	stream.linear.scatter [tilespmem:s5], [sflag:$0x3], $0x4000, $0x38;
	[tilespmem:$0x8C00] =	vst v63  }
0x81: {  	_ =	swait.ge [sflag:s3], $0x4000  }
0x82: {  	[sflag:s3] =	ssyncset.done $0x0  }
0x83: {  	[sflag:s3] =	ssyncadd.s32 $0xFFFFC000  }
0x84: {  	[tilespmem:s5], [sflag:$0x2] =	stream.indirect.gather [hbm4b:s13+s9], $0x80, s23, s9, $0xb8;
	[tilespmem:$0x8C00] =	vst v63  }
0x85: {  	_ =	swait.ge [sflag:s8], $0x4000  }
0x86: {  	[sflag:s8] =	ssyncset.done $0x0  }
0x87: {  	s0 =	rddreg [dreg:$0xe];
	[sflag:s8] =	ssyncadd.s32 $0xFFFFC000  }
0x88: {  	[hbm4b:s0+s2] =	stream.linear.scatter [tilespmem:s7], [sflag:$0x3], $0x4000, $0x38;
	[tilespmem:$0x8C00] =	vst v63  }
0x89: {  	_ =	swait.ge [sflag:s3], $0x4000  }
0x8a: {  	[sflag:s3] =	ssyncset.done $0x0  }
0x8b: {  	[sflag:s3] =	ssyncadd.s32 $0xFFFFC000  }
0x8c: {  	[tilespmem:s7], [sflag:$0x1] =	stream.indirect.gather [hbm4b:s13+s9], $0x80, s22, s9, $0xb8;
	[tilespmem:$0x8C00] =	vst v63  }
0x8d: {  	_ =	swait.ge [sflag:s6], $0x4000  }
0x8e: {  	[sflag:s6] =	ssyncset.done $0x0  }
0x8f: {  	s0 =	rddreg [dreg:$0xf];
	[sflag:s6] =	ssyncadd.s32 $0xFFFFC000  }
0x90: {  	[hbm4b:s0+s2] =	stream.linear.scatter [tilespmem:s5], [sflag:$0x3], $0x4000, $0x38;
	[tilespmem:$0x8C00] =	vst v63  }
0x91: {  	_ =	swait.ge [sflag:s3], $0x4000  }
0x92: {  	[sflag:s3] =	ssyncset.done $0x0  }
0x93: {  	[sflag:s3] =	ssyncadd.s32 $0xFFFFC000  }
0x94: {  	[tilespmem:s5], [sflag:$0x2] =	stream.indirect.gather [hbm4b:s13+s9], $0x80, s21, s9, $0xb8;
	[tilespmem:$0x8C00] =	vst v63  }
0x95: {  	_ =	swait.ge [sflag:s8], $0x4000  }
0x96: {  	[sflag:s8] =	ssyncset.done $0x0  }
0x97: {  	s0 =	rddreg [dreg:$0x10];
	[sflag:s8] =	ssyncadd.s32 $0xFFFFC000  }
0x98: {  	[hbm4b:s0+s2] =	stream.linear.scatter [tilespmem:s7], [sflag:$0x3], $0x4000, $0x38;
	[tilespmem:$0x8C00] =	vst v63  }
0x99: {  	_ =	swait.ge [sflag:s3], $0x4000  }
0x9a: {  	[sflag:s3] =	ssyncset.done $0x0  }
0x9b: {  	[sflag:s3] =	ssyncadd.s32 $0xFFFFC000  }
0x9c: {  	[tilespmem:s7], [sflag:$0x1] =	stream.indirect.gather [hbm4b:s13+s9], $0x80, s20, s9, $0xb8;
	[tilespmem:$0x8C00] =	vst v63  }
0x9d: {  	_ =	swait.ge [sflag:s6], $0x4000  }
0x9e: {  	[sflag:s6] =	ssyncset.done $0x0  }
0x9f: {  	s0 =	rddreg [dreg:$0x11];
	[sflag:s6] =	ssyncadd.s32 $0xFFFFC000  }
0xa0: {  	[hbm4b:s0+s2] =	stream.linear.scatter [tilespmem:s5], [sflag:$0x3], $0x4000, $0x38;
	[tilespmem:$0x8C00] =	vst v63  }
0xa1: {  	_ =	swait.ge [sflag:s3], $0x4000  }
0xa2: {  	[sflag:s3] =	ssyncset.done $0x0  }
0xa3: {  	[sflag:s3] =	ssyncadd.s32 $0xFFFFC000  }
0xa4: {  	[tilespmem:s5], [sflag:$0x2] =	stream.indirect.gather [hbm4b:s13+s9], $0x80, s19, s9, $0xb8;
	[tilespmem:$0x8C00] =	vst v63  }
0xa5: {  	_ =	swait.ge [sflag:s8], $0x4000  }
0xa6: {  	[sflag:s8] =	ssyncset.done $0x0  }
0xa7: {  	s0 =	rddreg [dreg:$0x12];
	[sflag:s8] =	ssyncadd.s32 $0xFFFFC000  }
0xa8: {  	[hbm4b:s0+s2] =	stream.linear.scatter [tilespmem:s7], [sflag:$0x3], $0x4000, $0x38;
	[tilespmem:$0x8C00] =	vst v63  }
0xa9: {  	_ =	swait.ge [sflag:s3], $0x4000  }
0xaa: {  	[sflag:s3] =	ssyncset.done $0x0  }
0xab: {  	[sflag:s3] =	ssyncadd.s32 $0xFFFFC000  }
0xac: {  	_ =	swait.ge [sflag:s6], $0x4000  }
0xad: {  	[sflag:s6] =	ssyncset.done $0x0  }
0xae: {  	s0 =	rddreg [dreg:$0x13];
	[sflag:s6] =	ssyncadd.s32 $0xFFFFC000  }
0xaf: {  	[hbm4b:s0+s2] =	stream.linear.scatter [tilespmem:s5], [sflag:$0x3], $0x4000, $0x38;
	[tilespmem:$0x8C00] =	vst v63  }
0xb0: {  	_ =	swait.ge [sflag:s3], $0x4000  }
0xb1: {  	[sflag:s3] =	ssyncset.done $0x0  }
0xb2: {  	[sflag:s3] =	ssyncadd.s32 $0xFFFFC000  }
0xb3: {  	[tilespmem:s7], [sflag:$0x1] =	stream.indirect.gather [hbm4b:s4+s9], $0x80, s14, s9, $0xb8;
	[tilespmem:$0x8C00] =	vst v63  }
0xb4: {  	_ = 	snop  }
0xb5: {  	[tilespmem:s5], [sflag:$0x2] =	stream.indirect.gather [hbm4b:s4+s9], $0x80, s18, s9, $0xb8;
	[tilespmem:$0x8C00] =	vst v63  }
0xb6: {  	_ =	swait.ge [sflag:s8], $0x4000  }
0xb7: {  	[sflag:s8] =	ssyncset.done $0x0  }
0xb8: {  	s0 =	rddreg [dreg:$0x14];
	[sflag:s8] =	ssyncadd.s32 $0xFFFFC000  }
0xb9: {  	[hbm4b:s0+s2] =	stream.linear.scatter [tilespmem:s7], [sflag:$0x3], $0x4000, $0x38;
	[tilespmem:$0x8C00] =	vst v63  }
0xba: {  	_ =	swait.ge [sflag:s3], $0x4000  }
0xbb: {  	[sflag:s3] =	ssyncset.done $0x0  }
0xbc: {  	[sflag:s3] =	ssyncadd.s32 $0xFFFFC000  }
0xbd: {  	[tilespmem:s7], [sflag:$0x1] =	stream.indirect.gather [hbm4b:s4+s9], $0x80, s17, s9, $0xb8;
	[tilespmem:$0x8C00] =	vst v63  }
0xbe: {  	_ =	swait.ge [sflag:s6], $0x4000  }
0xbf: {  	[sflag:s6] =	ssyncset.done $0x0  }
0xc0: {  	s0 =	rddreg [dreg:$0x15];
	[sflag:s6] =	ssyncadd.s32 $0xFFFFC000  }
0xc1: {  	[hbm4b:s0+s2] =	stream.linear.scatter [tilespmem:s5], [sflag:$0x3], $0x4000, $0x38;
	[tilespmem:$0x8C00] =	vst v63  }
0xc2: {  	_ =	swait.ge [sflag:s3], $0x4000  }
0xc3: {  	[sflag:s3] =	ssyncset.done $0x0  }
0xc4: {  	[sflag:s3] =	ssyncadd.s32 $0xFFFFC000  }
0xc5: {  	[tilespmem:s5], [sflag:$0x2] =	stream.indirect.gather [hbm4b:s4+s9], $0x80, s16, s9, $0xb8;
	[tilespmem:$0x8C00] =	vst v63  }
0xc6: {  	_ =	swait.ge [sflag:s8], $0x4000  }
0xc7: {  	[sflag:s8] =	ssyncset.done $0x0  }
0xc8: {  	s0 =	rddreg [dreg:$0x16];
	[sflag:s8] =	ssyncadd.s32 $0xFFFFC000  }
0xc9: {  	[hbm4b:s0+s2] =	stream.linear.scatter [tilespmem:s7], [sflag:$0x3], $0x4000, $0x38;
	[tilespmem:$0x8C00] =	vst v63  }
0xca: {  	_ =	swait.ge [sflag:s3], $0x4000  }
0xcb: {  	[sflag:s3] =	ssyncset.done $0x0  }
0xcc: {  	[sflag:s3] =	ssyncadd.s32 $0xFFFFC000  }
0xcd: {  	[tilespmem:s7], [sflag:$0x1] =	stream.indirect.gather [hbm4b:s4+s9], $0x80, s15, s9, $0xb8;
	[tilespmem:$0x8C00] =	vst v63  }
0xce: {  	_ =	swait.ge [sflag:s6], $0x4000  }
0xcf: {  	[sflag:s6] =	ssyncset.done $0x0  }
0xd0: {  	s0 =	rddreg [dreg:$0x17];
	[sflag:s6] =	ssyncadd.s32 $0xFFFFC000  }
0xd1: {  	[hbm4b:s0+s2] =	stream.linear.scatter [tilespmem:s5], [sflag:$0x3], $0x4000, $0x38;
	[tilespmem:$0x8C00] =	vst v63  }
0xd2: {  	_ =	swait.ge [sflag:s3], $0x4000  }
0xd3: {  	[sflag:s3] =	ssyncset.done $0x0  }
0xd4: {  	[sflag:s3] =	ssyncadd.s32 $0xFFFFC000  }
0xd5: {  	[tilespmem:s5], [sflag:$0x2] =	stream.indirect.gather [hbm4b:s4+s9], $0x80, s12, s9, $0xb8;
	[tilespmem:$0x8C00] =	vst v63  }
0xd6: {  	_ =	swait.ge [sflag:s8], $0x4000  }
0xd7: {  	[sflag:s8] =	ssyncset.done $0x0  }
0xd8: {  	s0 =	rddreg [dreg:$0x18];
	[sflag:s8] =	ssyncadd.s32 $0xFFFFC000  }
0xd9: {  	[hbm4b:s0+s2] =	stream.linear.scatter [tilespmem:s7], [sflag:$0x3], $0x4000, $0x38;
	[tilespmem:$0x8C00] =	vst v63  }
0xda: {  	_ =	swait.ge [sflag:s3], $0x4000  }
0xdb: {  	[sflag:s3] =	ssyncset.done $0x0  }
0xdc: {  	[sflag:s3] =	ssyncadd.s32 $0xFFFFC000  }
0xdd: {  	[tilespmem:s7], [sflag:$0x1] =	stream.indirect.gather [hbm4b:s4+s9], $0x80, s11, s9, $0xb8;
	[tilespmem:$0x8C00] =	vst v63  }
0xde: {  	_ =	swait.ge [sflag:s6], $0x4000  }
0xdf: {  	[sflag:s6] =	ssyncset.done $0x0  }
0xe0: {  	s0 =	rddreg [dreg:$0x19];
	[sflag:s6] =	ssyncadd.s32 $0xFFFFC000  }
0xe1: {  	[hbm4b:s0+s2] =	stream.linear.scatter [tilespmem:s5], [sflag:$0x3], $0x4000, $0x38;
	[tilespmem:$0x8C00] =	vst v63  }
0xe2: {  	_ =	swait.ge [sflag:s3], $0x4000  }
0xe3: {  	[sflag:s3] =	ssyncset.done $0x0  }
0xe4: {  	[sflag:s3] =	ssyncadd.s32 $0xFFFFC000  }
0xe5: {  	[tilespmem:s5], [sflag:$0x2] =	stream.indirect.gather [hbm4b:s4+s9], $0x80, s10, s9, $0xb8;
	[tilespmem:$0x8C00] =	vst v63  }
0xe6: {  	_ =	swait.ge [sflag:s8], $0x4000  }
0xe7: {  	[sflag:s8] =	ssyncset.done $0x0  }
0xe8: {  	s0 =	rddreg [dreg:$0x1a];
	[sflag:s8] =	ssyncadd.s32 $0xFFFFC000  }
0xe9: {  	[hbm4b:s0+s2] =	stream.linear.scatter [tilespmem:s7], [sflag:$0x3], $0x4000, $0x38;
	[tilespmem:$0x8C00] =	vst v63  }
0xea: {  	_ =	swait.ge [sflag:s3], $0x4000  }
0xeb: {  	[sflag:s3] =	ssyncset.done $0x0  }
0xec: {  	[sflag:s3] =	ssyncadd.s32 $0xFFFFC000  }
0xed: {  	p1 =	sne.s32 s1, $0x1;
	_ =	swait.ge [sflag:s6], $0x4000  }
.Ltmp1:
0xee: {  	[sflag:s6] =	ssyncset.done $0x0;
	(pc) =	sbr.rel @!p1 .LBB2_3-.Ltmp1, $4  }
0xef: {  	s0 =	rddreg [dreg:$0x1b];
	[sflag:s6] =	ssyncadd.s32 $0xFFFFC000  }
0xf0: {  	[hbm4b:s0+s2] =	stream.linear.scatter [tilespmem:s5], [sflag:$0x3], $0x4000, $0x38;
	[tilespmem:$0x8C00] =	vst v63  }
0xf1: {  	s1 =	sadd.s32 $0xFFFFFFFF, s1;
	_ =	swait.ge [sflag:s3], $0x4000  }
0xf2: {  	p0 =	por $0x1, $0x1;
	s0 =	rddreg [dreg:$0x2];
	[sflag:s3] =	ssyncset.done $0x0  }
.LBB2_2:
0xf3: {  	[sflag:s3] =	ssyncadd.s32 $0xFFFFC000  }
0xf4: {  	[tilespmem:s2], [sflag:$0x3] =	stream.linear.gather [hbm4b:s0+s2], $0x800, $0x38;
	[tilespmem:$0x8C00] =	vst v63  }
0xf5: {  	_ =	swait.ge [sflag:s3], $0x800  }
0xf6: {  	[sflag:s3] =	ssyncset.done $0x0  }
0xf7: {  	s0 =	rddreg [dreg:$0x3];
	[sflag:s3] =	ssyncadd.s32 $0xFFFFF800  }
0xf8: {  	[tilespmem:s14], [sflag:$0x3] =	stream.linear.gather [hbm4b:s0+s2], $0x400, $0x38;
	[tilespmem:$0x8C00] =	vst v63  }
0xf9: {  	_ =	swait.ge [sflag:s3], $0x400  }
0xfa: {  	[sflag:s3] =	ssyncset.done $0x0  }
0xfb: {  	[sflag:s3] =	ssyncadd.s32 $0xFFFFFC00  }
0xfc: {  	[tilespmem:s7], [sflag:$0x1] =	stream.indirect.gather [hbm4b:s13+s9], $0x80, s2, s9, $0xb8;
	[tilespmem:$0x8C00] =	vst v63  }
0xfd: {  	_ = 	snop  }
0xfe: {  	[tilespmem:s5], [sflag:$0x2] =	stream.indirect.gather [hbm4b:s13+s9], $0x80, s9, s9, $0xb8;
	[tilespmem:$0x8C00] =	vst v63  }
0xff: {  	_ =	swait.ge [sflag:s8], $0x4000  }
0x100: {  	[sflag:s8] =	ssyncset.done $0x0  }
0x101: {  	s0 =	rddreg [dreg:$0x4];
	[sflag:s8] =	ssyncadd.s32 $0xFFFFC000  }
0x102: {  	[hbm4b:s0+s2] =	stream.linear.scatter [tilespmem:s7], [sflag:$0x3], $0x4000, $0x38;
	[tilespmem:$0x8C00] =	vst v63  }
0x103: {  	_ =	swait.ge [sflag:s3], $0x4000  }
0x104: {  	[sflag:s3] =	ssyncset.done $0x0  }
0x105: {  	s0 =	rddreg [dreg:$0x1c];
	[sflag:s3] =	ssyncadd.s32 $0xFFFFC000  }
0x106: {  	[tilespmem:s7], [sflag:$0x1] =	stream.indirect.gather [hbm4b:s13+s9], $0x80, s0, s9, $0xb8;
	[tilespmem:$0x8C00] =	vst v63  }
0x107: {  	_ =	swait.ge [sflag:s6], $0x4000  }
0x108: {  	[sflag:s6] =	ssyncset.done $0x0  }
0x109: {  	s0 =	rddreg [dreg:$0x5];
	[sflag:s6] =	ssyncadd.s32 $0xFFFFC000  }
0x10a: {  	[hbm4b:s0+s2] =	stream.linear.scatter [tilespmem:s5], [sflag:$0x3], $0x4000, $0x38;
	[tilespmem:$0x8C00] =	vst v63  }
0x10b: {  	_ =	swait.ge [sflag:s3], $0x4000  }
0x10c: {  	[sflag:s3] =	ssyncset.done $0x0  }
0x10d: {  	s0 =	rddreg [dreg:$0x1d];
	[sflag:s3] =	ssyncadd.s32 $0xFFFFC000  }
0x10e: {  	[tilespmem:s5], [sflag:$0x2] =	stream.indirect.gather [hbm4b:s13+s9], $0x80, s0, s9, $0xb8;
	[tilespmem:$0x8C00] =	vst v63  }
0x10f: {  	_ =	swait.ge [sflag:s8], $0x4000  }
0x110: {  	[sflag:s8] =	ssyncset.done $0x0  }
0x111: {  	s0 =	rddreg [dreg:$0x6];
	[sflag:s8] =	ssyncadd.s32 $0xFFFFC000  }
0x112: {  	[hbm4b:s0+s2] =	stream.linear.scatter [tilespmem:s7], [sflag:$0x3], $0x4000, $0x38;
	[tilespmem:$0x8C00] =	vst v63  }
0x113: {  	_ =	swait.ge [sflag:s3], $0x4000  }
0x114: {  	[sflag:s3] =	ssyncset.done $0x0  }
0x115: {  	[sflag:s3] =	ssyncadd.s32 $0xFFFFC000  }
0x116: {  	[tilespmem:s7], [sflag:$0x1] =	stream.indirect.gather [hbm4b:s13+s9], $0x80, s31, s9, $0xb8;
	[tilespmem:$0x8C00] =	vst v63  }
0x117: {  	_ =	swait.ge [sflag:s6], $0x4000  }
0x118: {  	[sflag:s6] =	ssyncset.done $0x0  }
0x119: {  	s0 =	rddreg [dreg:$0x7];
	[sflag:s6] =	ssyncadd.s32 $0xFFFFC000  }
0x11a: {  	[hbm4b:s0+s2] =	stream.linear.scatter [tilespmem:s5], [sflag:$0x3], $0x4000, $0x38;
	[tilespmem:$0x8C00] =	vst v63  }
0x11b: {  	_ =	swait.ge [sflag:s3], $0x4000  }
0x11c: {  	[sflag:s3] =	ssyncset.done $0x0  }
0x11d: {  	[sflag:s3] =	ssyncadd.s32 $0xFFFFC000  }
0x11e: {  	[tilespmem:s5], [sflag:$0x2] =	stream.indirect.gather [hbm4b:s13+s9], $0x80, s30, s9, $0xb8;
	[tilespmem:$0x8C00] =	vst v63  }
0x11f: {  	_ =	swait.ge [sflag:s8], $0x4000  }
0x120: {  	[sflag:s8] =	ssyncset.done $0x0  }
0x121: {  	s0 =	rddreg [dreg:$0x8];
	[sflag:s8] =	ssyncadd.s32 $0xFFFFC000  }
0x122: {  	[hbm4b:s0+s2] =	stream.linear.scatter [tilespmem:s7], [sflag:$0x3], $0x4000, $0x38;
	[tilespmem:$0x8C00] =	vst v63  }
0x123: {  	_ =	swait.ge [sflag:s3], $0x4000  }
0x124: {  	[sflag:s3] =	ssyncset.done $0x0  }
0x125: {  	[sflag:s3] =	ssyncadd.s32 $0xFFFFC000  }
0x126: {  	[tilespmem:s7], [sflag:$0x1] =	stream.indirect.gather [hbm4b:s13+s9], $0x80, s29, s9, $0xb8;
	[tilespmem:$0x8C00] =	vst v63  }
0x127: {  	_ =	swait.ge [sflag:s6], $0x4000  }
0x128: {  	[sflag:s6] =	ssyncset.done $0x0  }
0x129: {  	s0 =	rddreg [dreg:$0x9];
	[sflag:s6] =	ssyncadd.s32 $0xFFFFC000  }
0x12a: {  	[hbm4b:s0+s2] =	stream.linear.scatter [tilespmem:s5], [sflag:$0x3], $0x4000, $0x38;
	[tilespmem:$0x8C00] =	vst v63  }
0x12b: {  	_ =	swait.ge [sflag:s3], $0x4000  }
0x12c: {  	[sflag:s3] =	ssyncset.done $0x0  }
0x12d: {  	[sflag:s3] =	ssyncadd.s32 $0xFFFFC000  }
0x12e: {  	[tilespmem:s5], [sflag:$0x2] =	stream.indirect.gather [hbm4b:s13+s9], $0x80, s28, s9, $0xb8;
	[tilespmem:$0x8C00] =	vst v63  }
0x12f: {  	_ =	swait.ge [sflag:s8], $0x4000  }
0x130: {  	[sflag:s8] =	ssyncset.done $0x0  }
0x131: {  	s0 =	rddreg [dreg:$0xa];
	[sflag:s8] =	ssyncadd.s32 $0xFFFFC000  }
0x132: {  	[hbm4b:s0+s2] =	stream.linear.scatter [tilespmem:s7], [sflag:$0x3], $0x4000, $0x38;
	[tilespmem:$0x8C00] =	vst v63  }
0x133: {  	_ =	swait.ge [sflag:s3], $0x4000  }
0x134: {  	[sflag:s3] =	ssyncset.done $0x0  }
0x135: {  	[sflag:s3] =	ssyncadd.s32 $0xFFFFC000  }
0x136: {  	[tilespmem:s7], [sflag:$0x1] =	stream.indirect.gather [hbm4b:s13+s9], $0x80, s26, s9, $0xb8;
	[tilespmem:$0x8C00] =	vst v63  }
0x137: {  	_ =	swait.ge [sflag:s6], $0x4000  }
0x138: {  	[sflag:s6] =	ssyncset.done $0x0  }
0x139: {  	s0 =	rddreg [dreg:$0xb];
	[sflag:s6] =	ssyncadd.s32 $0xFFFFC000  }
0x13a: {  	[hbm4b:s0+s2] =	stream.linear.scatter [tilespmem:s5], [sflag:$0x3], $0x4000, $0x38;
	[tilespmem:$0x8C00] =	vst v63  }
0x13b: {  	_ =	swait.ge [sflag:s3], $0x4000  }
0x13c: {  	[sflag:s3] =	ssyncset.done $0x0  }
0x13d: {  	[sflag:s3] =	ssyncadd.s32 $0xFFFFC000  }
0x13e: {  	[tilespmem:s5], [sflag:$0x2] =	stream.indirect.gather [hbm4b:s13+s9], $0x80, s25, s9, $0xb8;
	[tilespmem:$0x8C00] =	vst v63  }
0x13f: {  	_ =	swait.ge [sflag:s8], $0x4000  }
0x140: {  	[sflag:s8] =	ssyncset.done $0x0  }
0x141: {  	s0 =	rddreg [dreg:$0xc];
	[sflag:s8] =	ssyncadd.s32 $0xFFFFC000  }
0x142: {  	[hbm4b:s0+s2] =	stream.linear.scatter [tilespmem:s7], [sflag:$0x3], $0x4000, $0x38;
	[tilespmem:$0x8C00] =	vst v63  }
0x143: {  	_ =	swait.ge [sflag:s3], $0x4000  }
0x144: {  	[sflag:s3] =	ssyncset.done $0x0  }
0x145: {  	[sflag:s3] =	ssyncadd.s32 $0xFFFFC000  }
0x146: {  	[tilespmem:s7], [sflag:$0x1] =	stream.indirect.gather [hbm4b:s13+s9], $0x80, s24, s9, $0xb8;
	[tilespmem:$0x8C00] =	vst v63  }
0x147: {  	_ =	swait.ge [sflag:s6], $0x4000  }
0x148: {  	[sflag:s6] =	ssyncset.done $0x0  }
0x149: {  	s0 =	rddreg [dreg:$0xd];
	[sflag:s6] =	ssyncadd.s32 $0xFFFFC000  }
0x14a: {  	[hbm4b:s0+s2] =	stream.linear.scatter [tilespmem:s5], [sflag:$0x3], $0x4000, $0x38;
	[tilespmem:$0x8C00] =	vst v63  }
0x14b: {  	_ =	swait.ge [sflag:s3], $0x4000  }
0x14c: {  	[sflag:s3] =	ssyncset.done $0x0  }
0x14d: {  	[sflag:s3] =	ssyncadd.s32 $0xFFFFC000  }
0x14e: {  	[tilespmem:s5], [sflag:$0x2] =	stream.indirect.gather [hbm4b:s13+s9], $0x80, s23, s9, $0xb8;
	[tilespmem:$0x8C00] =	vst v63  }
0x14f: {  	_ =	swait.ge [sflag:s8], $0x4000  }
0x150: {  	[sflag:s8] =	ssyncset.done $0x0  }
0x151: {  	s0 =	rddreg [dreg:$0xe];
	[sflag:s8] =	ssyncadd.s32 $0xFFFFC000  }
0x152: {  	[hbm4b:s0+s2] =	stream.linear.scatter [tilespmem:s7], [sflag:$0x3], $0x4000, $0x38;
	[tilespmem:$0x8C00] =	vst v63  }
0x153: {  	_ =	swait.ge [sflag:s3], $0x4000  }
0x154: {  	[sflag:s3] =	ssyncset.done $0x0  }
0x155: {  	[sflag:s3] =	ssyncadd.s32 $0xFFFFC000  }
0x156: {  	[tilespmem:s7], [sflag:$0x1] =	stream.indirect.gather [hbm4b:s13+s9], $0x80, s22, s9, $0xb8;
	[tilespmem:$0x8C00] =	vst v63  }
0x157: {  	_ =	swait.ge [sflag:s6], $0x4000  }
0x158: {  	[sflag:s6] =	ssyncset.done $0x0  }
0x159: {  	s0 =	rddreg [dreg:$0xf];
	[sflag:s6] =	ssyncadd.s32 $0xFFFFC000  }
0x15a: {  	[hbm4b:s0+s2] =	stream.linear.scatter [tilespmem:s5], [sflag:$0x3], $0x4000, $0x38;
	[tilespmem:$0x8C00] =	vst v63  }
0x15b: {  	_ =	swait.ge [sflag:s3], $0x4000  }
0x15c: {  	[sflag:s3] =	ssyncset.done $0x0  }
0x15d: {  	[sflag:s3] =	ssyncadd.s32 $0xFFFFC000  }
0x15e: {  	[tilespmem:s5], [sflag:$0x2] =	stream.indirect.gather [hbm4b:s13+s9], $0x80, s21, s9, $0xb8;
	[tilespmem:$0x8C00] =	vst v63  }
0x15f: {  	_ =	swait.ge [sflag:s8], $0x4000  }
0x160: {  	[sflag:s8] =	ssyncset.done $0x0  }
0x161: {  	s0 =	rddreg [dreg:$0x10];
	[sflag:s8] =	ssyncadd.s32 $0xFFFFC000  }
0x162: {  	[hbm4b:s0+s2] =	stream.linear.scatter [tilespmem:s7], [sflag:$0x3], $0x4000, $0x38;
	[tilespmem:$0x8C00] =	vst v63  }
0x163: {  	_ =	swait.ge [sflag:s3], $0x4000  }
0x164: {  	[sflag:s3] =	ssyncset.done $0x0  }
0x165: {  	[sflag:s3] =	ssyncadd.s32 $0xFFFFC000  }
0x166: {  	[tilespmem:s7], [sflag:$0x1] =	stream.indirect.gather [hbm4b:s13+s9], $0x80, s20, s9, $0xb8;
	[tilespmem:$0x8C00] =	vst v63  }
0x167: {  	_ =	swait.ge [sflag:s6], $0x4000  }
0x168: {  	[sflag:s6] =	ssyncset.done $0x0  }
0x169: {  	s0 =	rddreg [dreg:$0x11];
	[sflag:s6] =	ssyncadd.s32 $0xFFFFC000  }
0x16a: {  	[hbm4b:s0+s2] =	stream.linear.scatter [tilespmem:s5], [sflag:$0x3], $0x4000, $0x38;
	[tilespmem:$0x8C00] =	vst v63  }
0x16b: {  	_ =	swait.ge [sflag:s3], $0x4000  }
0x16c: {  	[sflag:s3] =	ssyncset.done $0x0  }
0x16d: {  	[sflag:s3] =	ssyncadd.s32 $0xFFFFC000  }
0x16e: {  	[tilespmem:s5], [sflag:$0x2] =	stream.indirect.gather [hbm4b:s13+s9], $0x80, s19, s9, $0xb8;
	[tilespmem:$0x8C00] =	vst v63  }
0x16f: {  	_ =	swait.ge [sflag:s8], $0x4000  }
0x170: {  	[sflag:s8] =	ssyncset.done $0x0  }
0x171: {  	s0 =	rddreg [dreg:$0x12];
	[sflag:s8] =	ssyncadd.s32 $0xFFFFC000  }
0x172: {  	[hbm4b:s0+s2] =	stream.linear.scatter [tilespmem:s7], [sflag:$0x3], $0x4000, $0x38;
	[tilespmem:$0x8C00] =	vst v63  }
0x173: {  	_ =	swait.ge [sflag:s3], $0x4000  }
0x174: {  	[sflag:s3] =	ssyncset.done $0x0  }
0x175: {  	[sflag:s3] =	ssyncadd.s32 $0xFFFFC000  }
0x176: {  	_ =	swait.ge [sflag:s6], $0x4000  }
0x177: {  	[sflag:s6] =	ssyncset.done $0x0  }
0x178: {  	s0 =	rddreg [dreg:$0x13];
	[sflag:s6] =	ssyncadd.s32 $0xFFFFC000  }
0x179: {  	[hbm4b:s0+s2] =	stream.linear.scatter [tilespmem:s5], [sflag:$0x3], $0x4000, $0x38;
	[tilespmem:$0x8C00] =	vst v63  }
0x17a: {  	_ =	swait.ge [sflag:s3], $0x4000  }
0x17b: {  	[sflag:s3] =	ssyncset.done $0x0  }
0x17c: {  	[sflag:s3] =	ssyncadd.s32 $0xFFFFC000  }
0x17d: {  	[tilespmem:s7], [sflag:$0x1] =	stream.indirect.gather [hbm4b:s4+s9], $0x80, s14, s9, $0xb8;
	[tilespmem:$0x8C00] =	vst v63  }
0x17e: {  	_ = 	snop  }
0x17f: {  	[tilespmem:s5], [sflag:$0x2] =	stream.indirect.gather [hbm4b:s4+s9], $0x80, s18, s9, $0xb8;
	[tilespmem:$0x8C00] =	vst v63  }
0x180: {  	_ =	swait.ge [sflag:s8], $0x4000  }
0x181: {  	[sflag:s8] =	ssyncset.done $0x0  }
0x182: {  	s0 =	rddreg [dreg:$0x14];
	[sflag:s8] =	ssyncadd.s32 $0xFFFFC000  }
0x183: {  	[hbm4b:s0+s2] =	stream.linear.scatter [tilespmem:s7], [sflag:$0x3], $0x4000, $0x38;
	[tilespmem:$0x8C00] =	vst v63  }
0x184: {  	_ =	swait.ge [sflag:s3], $0x4000  }
0x185: {  	[sflag:s3] =	ssyncset.done $0x0  }
0x186: {  	[sflag:s3] =	ssyncadd.s32 $0xFFFFC000  }
0x187: {  	[tilespmem:s7], [sflag:$0x1] =	stream.indirect.gather [hbm4b:s4+s9], $0x80, s17, s9, $0xb8;
	[tilespmem:$0x8C00] =	vst v63  }
0x188: {  	_ =	swait.ge [sflag:s6], $0x4000  }
0x189: {  	[sflag:s6] =	ssyncset.done $0x0  }
0x18a: {  	s0 =	rddreg [dreg:$0x15];
	[sflag:s6] =	ssyncadd.s32 $0xFFFFC000  }
0x18b: {  	[hbm4b:s0+s2] =	stream.linear.scatter [tilespmem:s5], [sflag:$0x3], $0x4000, $0x38;
	[tilespmem:$0x8C00] =	vst v63  }
0x18c: {  	_ =	swait.ge [sflag:s3], $0x4000  }
0x18d: {  	[sflag:s3] =	ssyncset.done $0x0  }
0x18e: {  	[sflag:s3] =	ssyncadd.s32 $0xFFFFC000  }
0x18f: {  	[tilespmem:s5], [sflag:$0x2] =	stream.indirect.gather [hbm4b:s4+s9], $0x80, s16, s9, $0xb8;
	[tilespmem:$0x8C00] =	vst v63  }
0x190: {  	_ =	swait.ge [sflag:s8], $0x4000  }
0x191: {  	[sflag:s8] =	ssyncset.done $0x0  }
0x192: {  	s0 =	rddreg [dreg:$0x16];
	[sflag:s8] =	ssyncadd.s32 $0xFFFFC000  }
0x193: {  	[hbm4b:s0+s2] =	stream.linear.scatter [tilespmem:s7], [sflag:$0x3], $0x4000, $0x38;
	[tilespmem:$0x8C00] =	vst v63  }
0x194: {  	_ =	swait.ge [sflag:s3], $0x4000  }
0x195: {  	[sflag:s3] =	ssyncset.done $0x0  }
0x196: {  	[sflag:s3] =	ssyncadd.s32 $0xFFFFC000  }
0x197: {  	[tilespmem:s7], [sflag:$0x1] =	stream.indirect.gather [hbm4b:s4+s9], $0x80, s15, s9, $0xb8;
	[tilespmem:$0x8C00] =	vst v63  }
0x198: {  	_ =	swait.ge [sflag:s6], $0x4000  }
0x199: {  	[sflag:s6] =	ssyncset.done $0x0  }
0x19a: {  	s0 =	rddreg [dreg:$0x17];
	[sflag:s6] =	ssyncadd.s32 $0xFFFFC000  }
0x19b: {  	[hbm4b:s0+s2] =	stream.linear.scatter [tilespmem:s5], [sflag:$0x3], $0x4000, $0x38;
	[tilespmem:$0x8C00] =	vst v63  }
0x19c: {  	_ =	swait.ge [sflag:s3], $0x4000  }
0x19d: {  	[sflag:s3] =	ssyncset.done $0x0  }
0x19e: {  	[sflag:s3] =	ssyncadd.s32 $0xFFFFC000  }
0x19f: {  	[tilespmem:s5], [sflag:$0x2] =	stream.indirect.gather [hbm4b:s4+s9], $0x80, s12, s9, $0xb8;
	[tilespmem:$0x8C00] =	vst v63  }
0x1a0: {  	_ =	swait.ge [sflag:s8], $0x4000  }
0x1a1: {  	[sflag:s8] =	ssyncset.done $0x0  }
0x1a2: {  	s0 =	rddreg [dreg:$0x18];
	[sflag:s8] =	ssyncadd.s32 $0xFFFFC000  }
0x1a3: {  	[hbm4b:s0+s2] =	stream.linear.scatter [tilespmem:s7], [sflag:$0x3], $0x4000, $0x38;
	[tilespmem:$0x8C00] =	vst v63  }
0x1a4: {  	_ =	swait.ge [sflag:s3], $0x4000  }
0x1a5: {  	[sflag:s3] =	ssyncset.done $0x0  }
0x1a6: {  	[sflag:s3] =	ssyncadd.s32 $0xFFFFC000  }
0x1a7: {  	[tilespmem:s7], [sflag:$0x1] =	stream.indirect.gather [hbm4b:s4+s9], $0x80, s11, s9, $0xb8;
	[tilespmem:$0x8C00] =	vst v63  }
0x1a8: {  	_ =	swait.ge [sflag:s6], $0x4000  }
0x1a9: {  	[sflag:s6] =	ssyncset.done $0x0  }
0x1aa: {  	s0 =	rddreg [dreg:$0x19];
	[sflag:s6] =	ssyncadd.s32 $0xFFFFC000  }
0x1ab: {  	[hbm4b:s0+s2] =	stream.linear.scatter [tilespmem:s5], [sflag:$0x3], $0x4000, $0x38;
	[tilespmem:$0x8C00] =	vst v63  }
0x1ac: {  	_ =	swait.ge [sflag:s3], $0x4000  }
0x1ad: {  	[sflag:s3] =	ssyncset.done $0x0  }
0x1ae: {  	[sflag:s3] =	ssyncadd.s32 $0xFFFFC000  }
0x1af: {  	[tilespmem:s5], [sflag:$0x2] =	stream.indirect.gather [hbm4b:s4+s9], $0x80, s10, s9, $0xb8;
	[tilespmem:$0x8C00] =	vst v63  }
0x1b0: {  	_ =	swait.ge [sflag:s8], $0x4000  }
0x1b1: {  	[sflag:s8] =	ssyncset.done $0x0  }
0x1b2: {  	s0 =	rddreg [dreg:$0x1a];
	[sflag:s8] =	ssyncadd.s32 $0xFFFFC000  }
0x1b3: {  	[hbm4b:s0+s2] =	stream.linear.scatter [tilespmem:s7], [sflag:$0x3], $0x4000, $0x38;
	[tilespmem:$0x8C00] =	vst v63  }
0x1b4: {  	_ =	swait.ge [sflag:s3], $0x4000  }
0x1b5: {  	[sflag:s3] =	ssyncset.done $0x0  }
0x1b6: {  	[sflag:s3] =	ssyncadd.s32 $0xFFFFC000  }
0x1b7: {  	p1 =	sne.s32 s1, $0x1;
	_ =	swait.ge [sflag:s6], $0x4000  }
.Ltmp2:
0x1b8: {  	[sflag:s6] =	ssyncset.done $0x0;
	(pc) =	sbr.rel @p1 .LBB2_2-.Ltmp2, $4  }
0x1b9: {  	s0 =	rddreg [dreg:$0x1b];
	[sflag:s6] =	ssyncadd.s32 $0xFFFFC000  }
0x1ba: {  	[hbm4b:s0+s2] =	stream.linear.scatter [tilespmem:s5], [sflag:$0x3], $0x4000, $0x38;
	[tilespmem:$0x8C00] =	vst v63  }
0x1bb: {  	_ =	swait.ge [sflag:s3], $0x4000  }
0x1bc: {  	s1 =	sadd.s32 $0xFFFFFFFF, s1;
	s0 =	rddreg [dreg:$0x2];
	[sflag:s3] =	ssyncset.done $0x0  }
.LBB2_3:
0x1bd: {  	[sflag:s3] =	ssyncadd.s32 @p0 $0xFFFFC000  }
0x1be: {  	[tilespmem:s2], [sflag:$0x3] =	stream.linear.gather [hbm4b:s0+s2], $0x800, $0x38;
	[tilespmem:$0x8C00] =	vst v63  }
0x1bf: {  	_ =	swait.ge [sflag:s3], $0x800  }
0x1c0: {  	[sflag:s3] =	ssyncset.done $0x0  }
0x1c1: {  	s1 =	rddreg [dreg:$0x3];
	[sflag:s3] =	ssyncadd.s32 $0xFFFFF800  }
0x1c2: {  	[tilespmem:s14], [sflag:$0x3] =	stream.linear.gather [hbm4b:s1+s2], $0x400, $0x38;
	[tilespmem:$0x8C00] =	vst v63  }
0x1c3: {  	_ =	swait.ge [sflag:s3], $0x400  }
0x1c4: {  	[sflag:s3] =	ssyncset.done $0x0  }
0x1c5: {  	[sflag:s3] =	ssyncadd.s32 $0xFFFFFC00  }
0x1c6: {  	[tilespmem:s7], [sflag:$0x1] =	stream.indirect.gather [hbm4b:s13+s9], $0x80, s2, s9, $0xb8;
	[tilespmem:$0x8C00] =	vst v63  }
0x1c7: {  	_ = 	snop  }
0x1c8: {  	[tilespmem:s5], [sflag:$0x2] =	stream.indirect.gather [hbm4b:s13+s9], $0x80, s9, s9, $0xb8;
	[tilespmem:$0x8C00] =	vst v63  }
0x1c9: {  	_ =	swait.ge [sflag:s8], $0x4000  }
0x1ca: {  	[sflag:s8] =	ssyncset.done $0x0  }
0x1cb: {  	s1 =	rddreg [dreg:$0x4];
	[sflag:s8] =	ssyncadd.s32 $0xFFFFC000  }
0x1cc: {  	[hbm4b:s1+s2] =	stream.linear.scatter [tilespmem:s7], [sflag:$0x3], $0x4000, $0x38;
	[tilespmem:$0x8C00] =	vst v63  }
0x1cd: {  	_ =	swait.ge [sflag:s3], $0x4000  }
0x1ce: {  	[sflag:s3] =	ssyncset.done $0x0  }
0x1cf: {  	s1 =	rddreg [dreg:$0x1c];
	[sflag:s3] =	ssyncadd.s32 $0xFFFFC000  }
0x1d0: {  	[tilespmem:s7], [sflag:$0x1] =	stream.indirect.gather [hbm4b:s13+s9], $0x80, s1, s9, $0xb8;
	[tilespmem:$0x8C00] =	vst v63  }
0x1d1: {  	_ =	swait.ge [sflag:s6], $0x4000  }
0x1d2: {  	[sflag:s6] =	ssyncset.done $0x0  }
0x1d3: {  	s1 =	rddreg [dreg:$0x5];
	[sflag:s6] =	ssyncadd.s32 $0xFFFFC000  }
0x1d4: {  	[hbm4b:s1+s2] =	stream.linear.scatter [tilespmem:s5], [sflag:$0x3], $0x4000, $0x38;
	[tilespmem:$0x8C00] =	vst v63  }
0x1d5: {  	_ =	swait.ge [sflag:s3], $0x4000  }
0x1d6: {  	[sflag:s3] =	ssyncset.done $0x0  }
0x1d7: {  	s1 =	rddreg [dreg:$0x1d];
	[sflag:s3] =	ssyncadd.s32 $0xFFFFC000  }
0x1d8: {  	[tilespmem:s5], [sflag:$0x2] =	stream.indirect.gather [hbm4b:s13+s9], $0x80, s1, s9, $0xb8;
	[tilespmem:$0x8C00] =	vst v63  }
0x1d9: {  	_ =	swait.ge [sflag:s8], $0x4000  }
0x1da: {  	[sflag:s8] =	ssyncset.done $0x0  }
0x1db: {  	s1 =	rddreg [dreg:$0x6];
	[sflag:s8] =	ssyncadd.s32 $0xFFFFC000  }
0x1dc: {  	[hbm4b:s1+s2] =	stream.linear.scatter [tilespmem:s7], [sflag:$0x3], $0x4000, $0x38;
	[tilespmem:$0x8C00] =	vst v63  }
0x1dd: {  	_ =	swait.ge [sflag:s3], $0x4000  }
0x1de: {  	[sflag:s3] =	ssyncset.done $0x0  }
0x1df: {  	[sflag:s3] =	ssyncadd.s32 $0xFFFFC000  }
0x1e0: {  	[tilespmem:s7], [sflag:$0x1] =	stream.indirect.gather [hbm4b:s13+s9], $0x80, s31, s9, $0xb8;
	[tilespmem:$0x8C00] =	vst v63  }
0x1e1: {  	_ =	swait.ge [sflag:s6], $0x4000  }
0x1e2: {  	[sflag:s6] =	ssyncset.done $0x0  }
0x1e3: {  	s31 =	rddreg [dreg:$0x7];
	[sflag:s6] =	ssyncadd.s32 $0xFFFFC000  }
0x1e4: {  	[hbm4b:s31+s2] =	stream.linear.scatter [tilespmem:s5], [sflag:$0x3], $0x4000, $0x38;
	[tilespmem:$0x8C00] =	vst v63  }
0x1e5: {  	_ =	swait.ge [sflag:s3], $0x4000  }
0x1e6: {  	[sflag:s3] =	ssyncset.done $0x0  }
0x1e7: {  	[sflag:s3] =	ssyncadd.s32 $0xFFFFC000  }
0x1e8: {  	[tilespmem:s5], [sflag:$0x2] =	stream.indirect.gather [hbm4b:s13+s9], $0x80, s30, s9, $0xb8;
	[tilespmem:$0x8C00] =	vst v63  }
0x1e9: {  	_ =	swait.ge [sflag:s8], $0x4000  }
0x1ea: {  	[sflag:s8] =	ssyncset.done $0x0  }
0x1eb: {  	s1 =	rddreg [dreg:$0x8];
	[sflag:s8] =	ssyncadd.s32 $0xFFFFC000  }
0x1ec: {  	[hbm4b:s1+s2] =	stream.linear.scatter [tilespmem:s7], [sflag:$0x3], $0x4000, $0x38;
	[tilespmem:$0x8C00] =	vst v63  }
0x1ed: {  	_ =	swait.ge [sflag:s3], $0x4000  }
0x1ee: {  	[sflag:s3] =	ssyncset.done $0x0  }
0x1ef: {  	[sflag:s3] =	ssyncadd.s32 $0xFFFFC000  }
0x1f0: {  	[tilespmem:s7], [sflag:$0x1] =	stream.indirect.gather [hbm4b:s13+s9], $0x80, s29, s9, $0xb8;
	[tilespmem:$0x8C00] =	vst v63  }
0x1f1: {  	_ =	swait.ge [sflag:s6], $0x4000  }
0x1f2: {  	[sflag:s6] =	ssyncset.done $0x0  }
0x1f3: {  	s30 =	rddreg [dreg:$0x9];
	[sflag:s6] =	ssyncadd.s32 $0xFFFFC000  }
0x1f4: {  	[hbm4b:s30+s2] =	stream.linear.scatter [tilespmem:s5], [sflag:$0x3], $0x4000, $0x38;
	[tilespmem:$0x8C00] =	vst v63  }
0x1f5: {  	_ =	swait.ge [sflag:s3], $0x4000  }
0x1f6: {  	[sflag:s3] =	ssyncset.done $0x0  }
0x1f7: {  	[sflag:s3] =	ssyncadd.s32 $0xFFFFC000  }
0x1f8: {  	[tilespmem:s5], [sflag:$0x2] =	stream.indirect.gather [hbm4b:s13+s9], $0x80, s28, s9, $0xb8;
	[tilespmem:$0x8C00] =	vst v63  }
0x1f9: {  	_ =	swait.ge [sflag:s8], $0x4000  }
0x1fa: {  	[sflag:s8] =	ssyncset.done $0x0  }
0x1fb: {  	s31 =	rddreg [dreg:$0xa];
	[sflag:s8] =	ssyncadd.s32 $0xFFFFC000  }
0x1fc: {  	[hbm4b:s31+s2] =	stream.linear.scatter [tilespmem:s7], [sflag:$0x3], $0x4000, $0x38;
	[tilespmem:$0x8C00] =	vst v63  }
0x1fd: {  	_ =	swait.ge [sflag:s3], $0x4000  }
0x1fe: {  	[sflag:s3] =	ssyncset.done $0x0  }
0x1ff: {  	[sflag:s3] =	ssyncadd.s32 $0xFFFFC000  }
0x200: {  	[tilespmem:s7], [sflag:$0x1] =	stream.indirect.gather [hbm4b:s13+s9], $0x80, s26, s9, $0xb8;
	[tilespmem:$0x8C00] =	vst v63  }
0x201: {  	_ =	swait.ge [sflag:s6], $0x4000  }
0x202: {  	[sflag:s6] =	ssyncset.done $0x0  }
0x203: {  	s1 =	rddreg [dreg:$0xb];
	[sflag:s6] =	ssyncadd.s32 $0xFFFFC000  }
0x204: {  	[hbm4b:s1+s2] =	stream.linear.scatter [tilespmem:s5], [sflag:$0x3], $0x4000, $0x38;
	[tilespmem:$0x8C00] =	vst v63  }
0x205: {  	_ =	swait.ge [sflag:s3], $0x4000  }
0x206: {  	[sflag:s3] =	ssyncset.done $0x0  }
0x207: {  	[sflag:s3] =	ssyncadd.s32 $0xFFFFC000  }
0x208: {  	[tilespmem:s5], [sflag:$0x2] =	stream.indirect.gather [hbm4b:s13+s9], $0x80, s25, s9, $0xb8;
	[tilespmem:$0x8C00] =	vst v63  }
0x209: {  	_ =	swait.ge [sflag:s8], $0x4000  }
0x20a: {  	[sflag:s8] =	ssyncset.done $0x0  }
0x20b: {  	s26 =	rddreg [dreg:$0xc];
	[sflag:s8] =	ssyncadd.s32 $0xFFFFC000  }
0x20c: {  	[hbm4b:s26+s2] =	stream.linear.scatter [tilespmem:s7], [sflag:$0x3], $0x4000, $0x38;
	[tilespmem:$0x8C00] =	vst v63  }
0x20d: {  	_ =	swait.ge [sflag:s3], $0x4000  }
0x20e: {  	[sflag:s3] =	ssyncset.done $0x0  }
0x20f: {  	[sflag:s3] =	ssyncadd.s32 $0xFFFFC000  }
0x210: {  	[tilespmem:s7], [sflag:$0x1] =	stream.indirect.gather [hbm4b:s13+s9], $0x80, s24, s9, $0xb8;
	[tilespmem:$0x8C00] =	vst v63  }
0x211: {  	_ =	swait.ge [sflag:s6], $0x4000  }
0x212: {  	[sflag:s6] =	ssyncset.done $0x0  }
0x213: {  	s28 =	rddreg [dreg:$0xd];
	[sflag:s6] =	ssyncadd.s32 $0xFFFFC000  }
0x214: {  	[hbm4b:s28+s2] =	stream.linear.scatter [tilespmem:s5], [sflag:$0x3], $0x4000, $0x38;
	[tilespmem:$0x8C00] =	vst v63  }
0x215: {  	_ =	swait.ge [sflag:s3], $0x4000  }
0x216: {  	[sflag:s3] =	ssyncset.done $0x0  }
0x217: {  	[sflag:s3] =	ssyncadd.s32 $0xFFFFC000  }
0x218: {  	[tilespmem:s5], [sflag:$0x2] =	stream.indirect.gather [hbm4b:s13+s9], $0x80, s23, s9, $0xb8;
	[tilespmem:$0x8C00] =	vst v63  }
0x219: {  	_ =	swait.ge [sflag:s8], $0x4000  }
0x21a: {  	[sflag:s8] =	ssyncset.done $0x0  }
0x21b: {  	s29 =	rddreg [dreg:$0xe];
	[sflag:s8] =	ssyncadd.s32 $0xFFFFC000  }
0x21c: {  	[hbm4b:s29+s2] =	stream.linear.scatter [tilespmem:s7], [sflag:$0x3], $0x4000, $0x38;
	[tilespmem:$0x8C00] =	vst v63  }
0x21d: {  	_ =	swait.ge [sflag:s3], $0x4000  }
0x21e: {  	[sflag:s3] =	ssyncset.done $0x0  }
0x21f: {  	[sflag:s3] =	ssyncadd.s32 $0xFFFFC000  }
0x220: {  	[tilespmem:s7], [sflag:$0x1] =	stream.indirect.gather [hbm4b:s13+s9], $0x80, s22, s9, $0xb8;
	[tilespmem:$0x8C00] =	vst v63  }
0x221: {  	_ =	swait.ge [sflag:s6], $0x4000  }
0x222: {  	[sflag:s6] =	ssyncset.done $0x0  }
0x223: {  	s30 =	rddreg [dreg:$0xf];
	[sflag:s6] =	ssyncadd.s32 $0xFFFFC000  }
0x224: {  	[hbm4b:s30+s2] =	stream.linear.scatter [tilespmem:s5], [sflag:$0x3], $0x4000, $0x38;
	[tilespmem:$0x8C00] =	vst v63  }
0x225: {  	_ =	swait.ge [sflag:s3], $0x4000  }
0x226: {  	[sflag:s3] =	ssyncset.done $0x0  }
0x227: {  	[sflag:s3] =	ssyncadd.s32 $0xFFFFC000  }
0x228: {  	[tilespmem:s5], [sflag:$0x2] =	stream.indirect.gather [hbm4b:s13+s9], $0x80, s21, s9, $0xb8;
	[tilespmem:$0x8C00] =	vst v63  }
0x229: {  	_ =	swait.ge [sflag:s8], $0x4000  }
0x22a: {  	[sflag:s8] =	ssyncset.done $0x0  }
0x22b: {  	s31 =	rddreg [dreg:$0x10];
	[sflag:s8] =	ssyncadd.s32 $0xFFFFC000  }
0x22c: {  	[hbm4b:s31+s2] =	stream.linear.scatter [tilespmem:s7], [sflag:$0x3], $0x4000, $0x38;
	[tilespmem:$0x8C00] =	vst v63  }
0x22d: {  	_ =	swait.ge [sflag:s3], $0x4000  }
0x22e: {  	[sflag:s3] =	ssyncset.done $0x0  }
0x22f: {  	[sflag:s3] =	ssyncadd.s32 $0xFFFFC000  }
0x230: {  	[tilespmem:s7], [sflag:$0x1] =	stream.indirect.gather [hbm4b:s13+s9], $0x80, s20, s9, $0xb8;
	[tilespmem:$0x8C00] =	vst v63  }
0x231: {  	_ =	swait.ge [sflag:s6], $0x4000  }
0x232: {  	[sflag:s6] =	ssyncset.done $0x0  }
0x233: {  	s1 =	rddreg [dreg:$0x11];
	[sflag:s6] =	ssyncadd.s32 $0xFFFFC000  }
0x234: {  	[hbm4b:s1+s2] =	stream.linear.scatter [tilespmem:s5], [sflag:$0x3], $0x4000, $0x38;
	[tilespmem:$0x8C00] =	vst v63  }
0x235: {  	_ =	swait.ge [sflag:s3], $0x4000  }
0x236: {  	[sflag:s3] =	ssyncset.done $0x0  }
0x237: {  	[sflag:s3] =	ssyncadd.s32 $0xFFFFC000  }
0x238: {  	[tilespmem:s5], [sflag:$0x2] =	stream.indirect.gather [hbm4b:s13+s9], $0x80, s19, s9, $0xb8;
	[tilespmem:$0x8C00] =	vst v63  }
0x239: {  	_ =	swait.ge [sflag:s8], $0x4000  }
0x23a: {  	[sflag:s8] =	ssyncset.done $0x0  }
0x23b: {  	s20 =	rddreg [dreg:$0x12];
	[sflag:s8] =	ssyncadd.s32 $0xFFFFC000  }
0x23c: {  	[hbm4b:s20+s2] =	stream.linear.scatter [tilespmem:s7], [sflag:$0x3], $0x4000, $0x38;
	[tilespmem:$0x8C00] =	vst v63  }
0x23d: {  	_ =	swait.ge [sflag:s3], $0x4000  }
0x23e: {  	[sflag:s3] =	ssyncset.done $0x0  }
0x23f: {  	[sflag:s3] =	ssyncadd.s32 $0xFFFFC000  }
0x240: {  	_ =	swait.ge [sflag:s6], $0x4000  }
0x241: {  	[sflag:s6] =	ssyncset.done $0x0  }
0x242: {  	s21 =	rddreg [dreg:$0x13];
	[sflag:s6] =	ssyncadd.s32 $0xFFFFC000  }
0x243: {  	[hbm4b:s21+s2] =	stream.linear.scatter [tilespmem:s5], [sflag:$0x3], $0x4000, $0x38;
	[tilespmem:$0x8C00] =	vst v63  }
0x244: {  	_ =	swait.ge [sflag:s3], $0x4000  }
0x245: {  	[sflag:s3] =	ssyncset.done $0x0  }
0x246: {  	[sflag:s3] =	ssyncadd.s32 $0xFFFFC000  }
0x247: {  	[tilespmem:s7], [sflag:$0x1] =	stream.indirect.gather [hbm4b:s4+s9], $0x80, s14, s9, $0xb8;
	[tilespmem:$0x8C00] =	vst v63  }
0x248: {  	_ = 	snop  }
0x249: {  	[tilespmem:s5], [sflag:$0x2] =	stream.indirect.gather [hbm4b:s4+s9], $0x80, s18, s9, $0xb8;
	[tilespmem:$0x8C00] =	vst v63  }
0x24a: {  	_ =	swait.ge [sflag:s8], $0x4000  }
0x24b: {  	[sflag:s8] =	ssyncset.done $0x0  }
0x24c: {  	s22 =	rddreg [dreg:$0x14];
	[sflag:s8] =	ssyncadd.s32 $0xFFFFC000  }
0x24d: {  	[hbm4b:s22+s2] =	stream.linear.scatter [tilespmem:s7], [sflag:$0x3], $0x4000, $0x38;
	[tilespmem:$0x8C00] =	vst v63  }
0x24e: {  	_ =	swait.ge [sflag:s3], $0x4000  }
0x24f: {  	[sflag:s3] =	ssyncset.done $0x0  }
0x250: {  	[sflag:s3] =	ssyncadd.s32 $0xFFFFC000  }
0x251: {  	[tilespmem:s7], [sflag:$0x1] =	stream.indirect.gather [hbm4b:s4+s9], $0x80, s17, s9, $0xb8;
	[tilespmem:$0x8C00] =	vst v63  }
0x252: {  	_ =	swait.ge [sflag:s6], $0x4000  }
0x253: {  	[sflag:s6] =	ssyncset.done $0x0  }
0x254: {  	s23 =	rddreg [dreg:$0x15];
	[sflag:s6] =	ssyncadd.s32 $0xFFFFC000  }
0x255: {  	[hbm4b:s23+s2] =	stream.linear.scatter [tilespmem:s5], [sflag:$0x3], $0x4000, $0x38;
	[tilespmem:$0x8C00] =	vst v63  }
0x256: {  	_ =	swait.ge [sflag:s3], $0x4000  }
0x257: {  	[sflag:s3] =	ssyncset.done $0x0  }
0x258: {  	[sflag:s3] =	ssyncadd.s32 $0xFFFFC000  }
0x259: {  	[tilespmem:s5], [sflag:$0x2] =	stream.indirect.gather [hbm4b:s4+s9], $0x80, s16, s9, $0xb8;
	[tilespmem:$0x8C00] =	vst v63  }
0x25a: {  	_ =	swait.ge [sflag:s8], $0x4000  }
0x25b: {  	[sflag:s8] =	ssyncset.done $0x0  }
0x25c: {  	s24 =	rddreg [dreg:$0x16];
	[sflag:s8] =	ssyncadd.s32 $0xFFFFC000  }
0x25d: {  	[hbm4b:s24+s2] =	stream.linear.scatter [tilespmem:s7], [sflag:$0x3], $0x4000, $0x38;
	[tilespmem:$0x8C00] =	vst v63  }
0x25e: {  	_ =	swait.ge [sflag:s3], $0x4000  }
0x25f: {  	[sflag:s3] =	ssyncset.done $0x0  }
0x260: {  	[sflag:s3] =	ssyncadd.s32 $0xFFFFC000  }
0x261: {  	[tilespmem:s7], [sflag:$0x1] =	stream.indirect.gather [hbm4b:s4+s9], $0x80, s15, s9, $0xb8;
	[tilespmem:$0x8C00] =	vst v63  }
0x262: {  	_ =	swait.ge [sflag:s6], $0x4000  }
0x263: {  	[sflag:s6] =	ssyncset.done $0x0  }
0x264: {  	s25 =	rddreg [dreg:$0x17];
	[sflag:s6] =	ssyncadd.s32 $0xFFFFC000  }
0x265: {  	[hbm4b:s25+s2] =	stream.linear.scatter [tilespmem:s5], [sflag:$0x3], $0x4000, $0x38;
	[tilespmem:$0x8C00] =	vst v63  }
0x266: {  	_ =	swait.ge [sflag:s3], $0x4000  }
0x267: {  	[sflag:s3] =	ssyncset.done $0x0  }
0x268: {  	[sflag:s3] =	ssyncadd.s32 $0xFFFFC000  }
0x269: {  	[tilespmem:s5], [sflag:$0x2] =	stream.indirect.gather [hbm4b:s4+s9], $0x80, s12, s9, $0xb8;
	[tilespmem:$0x8C00] =	vst v63  }
0x26a: {  	_ =	swait.ge [sflag:s8], $0x4000  }
0x26b: {  	[sflag:s8] =	ssyncset.done $0x0  }
0x26c: {  	s26 =	rddreg [dreg:$0x18];
	[sflag:s8] =	ssyncadd.s32 $0xFFFFC000  }
0x26d: {  	[hbm4b:s26+s2] =	stream.linear.scatter [tilespmem:s7], [sflag:$0x3], $0x4000, $0x38;
	[tilespmem:$0x8C00] =	vst v63  }
0x26e: {  	_ =	swait.ge [sflag:s3], $0x4000  }
0x26f: {  	[sflag:s3] =	ssyncset.done $0x0  }
0x270: {  	[sflag:s3] =	ssyncadd.s32 $0xFFFFC000  }
0x271: {  	[tilespmem:s7], [sflag:$0x1] =	stream.indirect.gather [hbm4b:s4+s9], $0x80, s11, s9, $0xb8;
	[tilespmem:$0x8C00] =	vst v63  }
0x272: {  	_ =	swait.ge [sflag:s6], $0x4000  }
0x273: {  	[sflag:s6] =	ssyncset.done $0x0  }
0x274: {  	s28 =	rddreg [dreg:$0x19];
	[sflag:s6] =	ssyncadd.s32 $0xFFFFC000  }
0x275: {  	[hbm4b:s28+s2] =	stream.linear.scatter [tilespmem:s5], [sflag:$0x3], $0x4000, $0x38;
	[tilespmem:$0x8C00] =	vst v63  }
0x276: {  	_ =	swait.ge [sflag:s3], $0x4000  }
0x277: {  	[sflag:s3] =	ssyncset.done $0x0  }
0x278: {  	[sflag:s3] =	ssyncadd.s32 $0xFFFFC000  }
0x279: {  	[tilespmem:s5], [sflag:$0x2] =	stream.indirect.gather [hbm4b:s4+s9], $0x80, s10, s9, $0xb8;
	[tilespmem:$0x8C00] =	vst v63  }
0x27a: {  	_ =	swait.ge [sflag:s8], $0x4000  }
0x27b: {  	[sflag:s8] =	ssyncset.done $0x0  }
0x27c: {  	s29 =	rddreg [dreg:$0x1a];
	[sflag:s8] =	ssyncadd.s32 $0xFFFFC000  }
0x27d: {  	[hbm4b:s29+s2] =	stream.linear.scatter [tilespmem:s7], [sflag:$0x3], $0x4000, $0x38;
	[tilespmem:$0x8C00] =	vst v63  }
0x27e: {  	_ =	swait.ge [sflag:s3], $0x4000  }
0x27f: {  	[sflag:s3] =	ssyncset.done $0x0  }
0x280: {  	[sflag:s3] =	ssyncadd.s32 $0xFFFFC000  }
0x281: {  	_ =	swait.ge [sflag:s6], $0x4000  }
0x282: {  	[sflag:s6] =	ssyncset.done $0x0  }
0x283: {  	s30 =	rddreg [dreg:$0x1b];
	[sflag:s6] =	ssyncadd.s32 $0xFFFFC000  }
0x284: {  	[hbm4b:s30+s2] =	stream.linear.scatter [tilespmem:s5], [sflag:$0x3], $0x4000, $0x38;
	[tilespmem:$0x8C00] =	vst v63  }
0x285: {  	_ =	swait.ge [sflag:s3], $0x4000  }
0x286: {  	[sflag:s3] =	ssyncset.done $0x0  }
0x287: {  	[sflag:s3] =	ssyncadd.s32 $0xFFFFC000  }
0x288: {  	_ =	sfence.sel $0x180000  }
0x289: {  	[bflag:$0x0] =	sbarrier.arrive $0xFFFF  }
0x28a: {  	_ =	strace $0x90000047  }
0x28b: {  	s31 =	stileid.u32;
	[bflag:$0x2] =	sbarrier.arrive $0xFFFF  }
0x28c: {  	p0 =	sne.s32 s31, $0x0;
	s0 =	rddreg [dreg:$0x1]  }
0x28d: {  	s0 =	sadd.s32 @!p0 $0x100000, s0  }
0x28e: {  	[sflag:s0] =	ssyncadd.tile.s32 @!p0 $0x1;
	_ =	shalt  }
.Lfunc_end2:
_tile_overlayer_lowered:
.L_overlay_start_2:
0x28f: {  	(tag) =	ssettag $0x2  }
0x290: {  	s0 =	rddreg [dreg:$0x0];
	s2 =	stileid.u32  }
0x291: {  	s1 =	rddreg [dreg:$0x1];
	p0 =	sne.s32 s2, $0x0  }
0x292: {  	s3 =	rddreg [dreg:$0x2];
	[bflag:$0x3] =	sbarrier.arrive $0xFFFF;
	s2 =	simm.s32 @!p0 $0x1C03  }
0x293: {  	[timem:s3], [sflag:s2] =	dma.local @!p0 [hbm:s0], s1  }
0x294: {  	s0 =	simm.s32 @!p0 $0x3  }
0x295: {  	_ =	swait.ge @!p0 [sflag:s0], s1  }
0x296: {  	s1 =	ssub.s32 @!p0 $0x0, s1;
	[sflag:s0] =	ssyncset.done @!p0 $0x0  }
0x297: {  	[sflag:s0] =	ssyncadd.s32 @!p0 s1  }
0x298: {  	[bflag:$0x3] =	sbarrier.arrive $0xFFFF  }
0x299: {  	_ =	shalt  }

</sc_bundles>
